<compile_context>
chip_gen: v7x
topology: tpu7x:2x2x1
jax: 0.10.2.dev20260603
libtpu: 0.0.44.dev20260713+nightly
codegen_flags: <defaults>
</compile_context>

<pallas_src>
import jax
import jax.numpy as jnp
from jax import lax
from jax.experimental import pallas as pl
from jax.experimental.pallas import tpu as pltpu
from jax.experimental.pallas import tpu_sc as plsc

_N = 10000
_E = 320000
_D_IN = 128
_C2 = 64
_G = 128
_NCLS = 10

_NP = 10240
_ROWW = 128
_NC, _NS = 2, 16
_NWORK = _NC * _NS
_CH = 64
_ETOT = _E + _N
_NCHUNK = 162
_EPAD = _NWORK * _CH * _NCHUNK
_ACCR = 10112
_BLK = 256
_NBLK = _NP // _BLK

_f32 = jnp.float32


def _make_edge_kernel():
  rows_per = _ACCR // _NS

  def body(tsrc, tdst, srci, dsti, zeros, out,
           sidx0, didx0, srows0, drows0, orows0,
           sidx1, didx1, srows1, drows1, orows1,
           acc, semS0, semD0, semS1, semD1):
    cid = lax.axis_index("c")
    sid = lax.axis_index("s")
    wid = cid * _NS + sid
    sidx = (sidx0, sidx1)
    didx = (didx0, didx1)
    srows = (srows0, srows1)
    drows = (drows0, drows1)
    orows = (orows0, orows1)
    semS = (semS0, semS1)
    semD = (semD0, semD1)

    r0 = sid * rows_per
    pltpu.sync_copy(zeros.at[pl.ds(r0, rows_per)], acc.at[pl.ds(r0, rows_per)])

    def issue(g, b):
      base = (wid * _NCHUNK + g) * _CH
      pltpu.sync_copy(srci.at[pl.ds(base, _CH)], sidx[b])
      pltpu.sync_copy(dsti.at[pl.ds(base, _CH)], didx[b])
      pltpu.async_copy(tsrc.at[sidx[b]], srows[b], semS[b])
      pltpu.async_copy(tdst.at[didx[b]], drows[b], semD[b])

    issue(0, 0)
    plsc.subcore_barrier()

    def pair(g2, _):
      for b in range(2):
        g = 2 * g2 + b
        pltpu.make_async_copy(tsrc.at[sidx[b]], srows[b], semS[b]).wait()
        pltpu.make_async_copy(tdst.at[didx[b]], drows[b], semD[b]).wait()

        @pl.when(g + 1 < _NCHUNK)
        def _():
          issue(g + 1, 1 - b)

        def edge(k, _):
          for j in range(4):
            a = srows[b][k, pl.ds(16 * j, 16)]
            d = drows[b][k, pl.ds(16 * j, 16)]
            e = a + d
            e = jnp.where(e >= 0.0, e, 0.2 * e)
            w = jnp.exp(e)
            orows[b][k, pl.ds(16 * j, 16)] = w
            hj = srows[b][k, pl.ds(64 + 16 * j, 16)]
            orows[b][k, pl.ds(64 + 16 * j, 16)] = w * hj
          return 0

        lax.fori_loop(0, _CH, edge, 0, unroll=2)
        pltpu.sync_copy(orows[b], acc.at[didx[b]], add=True)
      return 0

    lax.fori_loop(0, _NCHUNK // 2, pair, 0)
    plsc.subcore_barrier()
    pltpu.sync_copy(acc.at[pl.ds(r0, rows_per)],
                    out.at[cid, pl.ds(r0, rows_per)])

  return pl.kernel(
      body,
      out_type=jax.ShapeDtypeStruct((_NC, _ACCR, _ROWW), _f32),
      mesh=plsc.VectorSubcoreMesh(core_axis_name="c", subcore_axis_name="s",
                                  num_cores=_NC, num_subcores=_NS),
      scratch_types=[
          pltpu.VMEM((_CH,), jnp.int32),
          pltpu.VMEM((_CH,), jnp.int32),
          pltpu.VMEM((_CH, _ROWW), _f32),
          pltpu.VMEM((_CH, _ROWW), _f32),
          pltpu.VMEM((_CH, _ROWW), _f32),
          pltpu.VMEM((_CH,), jnp.int32),
          pltpu.VMEM((_CH,), jnp.int32),
          pltpu.VMEM((_CH, _ROWW), _f32),
          pltpu.VMEM((_CH, _ROWW), _f32),
          pltpu.VMEM((_CH, _ROWW), _f32),
          pltpu.VMEM_SHARED((_ACCR, _ROWW), _f32),
          pltpu.SemaphoreType.DMA,
          pltpu.SemaphoreType.DMA,
          pltpu.SemaphoreType.DMA,
          pltpu.SemaphoreType.DMA,
      ],
  )


def _pre_body(x_ref, w1_ref, asel_ref, adsel_ref, h_ref, as_ref, ad_ref):
  h = jnp.dot(x_ref[...], w1_ref[...], preferred_element_type=_f32)
  h_ref[...] = h
  as_ref[...] = jnp.dot(h, asel_ref[...], preferred_element_type=_f32)
  ad_ref[...] = jnp.dot(h, adsel_ref[...], preferred_element_type=_f32)


def _mid_body(a0_ref, a1_ref, s1_ref, s2_ref, b1_ref, w2_ref, as2_ref,
              ad2_ref, h2_ref, aso_ref, ado_ref):
  s = a0_ref[...] + a1_ref[...]
  den = jnp.maximum(jnp.dot(s, s1_ref[...], preferred_element_type=_f32),
                    1e-30)
  msg = jnp.dot(s, s2_ref[...], preferred_element_type=_f32)
  y = msg / den + b1_ref[...]
  y = jnp.where(y > 0.0, y, jnp.exp(y) - 1.0)
  h2 = jnp.dot(y, w2_ref[...], preferred_element_type=_f32)
  h2_ref[...] = h2
  aso_ref[...] = jnp.dot(h2, as2_ref[...], preferred_element_type=_f32)
  ado_ref[...] = jnp.dot(h2, ad2_ref[...], preferred_element_type=_f32)


def _post_body(a0_ref, a1_ref, s1_ref, s2_ref, b2_ref, batch_ref, psum_ref,
               cnt_ref):
  i = pl.program_id(0)
  s = a0_ref[...] + a1_ref[...]
  den = jnp.maximum(jnp.dot(s, s1_ref[...], preferred_element_type=_f32),
                    1e-30)
  y = jnp.dot(s, s2_ref[...], preferred_element_type=_f32) / den + b2_ref[...]
  oh = (batch_ref[...] == lax.broadcasted_iota(jnp.int32, (_BLK, _G), 1))
  oh = oh.astype(_f32)
  ps = lax.dot_general(oh, y, (((0,), (0,)), ((), ())),
                       preferred_element_type=_f32)
  cn = lax.dot_general(oh, jnp.ones((_BLK, 8), _f32),
                       (((0,), (0,)), ((), ())), preferred_element_type=_f32)

  @pl.when(i == 0)
  def _():
    psum_ref[...] = jnp.zeros_like(psum_ref)
    cnt_ref[...] = jnp.zeros_like(cnt_ref)

  psum_ref[...] += ps
  cnt_ref[...] += cn


def _head_body(psum_ref, cnt_ref, linw_ref, linb_ref, out_ref):
  e0 = (lax.broadcasted_iota(jnp.int32, (8, 1), 0) == 0).astype(_f32)
  cnt = jnp.maximum(jnp.dot(cnt_ref[...], e0, preferred_element_type=_f32),
                    1.0)
  pooled = psum_ref[...] / cnt
  out_ref[...] = (jnp.dot(pooled, linw_ref[...], preferred_element_type=_f32)
                  + linb_ref[...])


def _const_spec(shape):
  return pl.BlockSpec(shape, lambda i: tuple(0 for _ in shape))


@jax.jit
def kernel(x, edge_index, batch, W1, a_src1, a_dst1, b1, W2, a_src2, a_dst2,
           b2, linW, linb):
  xp = jnp.pad(x, ((0, _NP - _N), (0, 0)))
  loop = jnp.arange(_N, dtype=edge_index.dtype)
  src = jnp.concatenate([edge_index[0], loop,
                         jnp.zeros((_EPAD - _ETOT,), edge_index.dtype)])
  dst = jnp.concatenate([edge_index[1], loop,
                         jnp.full((_EPAD - _ETOT,), _N, edge_index.dtype)])

  i64 = jnp.arange(64)
  same_head = (i64[:, None] // 8) == (i64[None, :] // 8)
  asel1 = jnp.where(same_head, a_src1.reshape(64)[:, None], 0.0).astype(_f32)
  adsel1 = jnp.where(same_head, a_dst1.reshape(64)[:, None], 0.0).astype(_f32)
  asel2 = jnp.tile(a_src2.reshape(64, 1), (1, 64)).astype(_f32)
  adsel2 = jnp.tile(a_dst2.reshape(64, 1), (1, 64)).astype(_f32)

  eye = (i64[:, None] == i64[None, :]).astype(_f32)
  z64 = jnp.zeros((64, 64), _f32)
  s1 = jnp.concatenate([eye, z64], axis=0)
  s2 = jnp.concatenate([z64, eye], axis=0)

  h1, asb1, adb1 = pl.pallas_call(
      _pre_body,
      grid=(_NBLK,),
      in_specs=[pl.BlockSpec((_BLK, _D_IN), lambda i: (i, 0)),
                _const_spec((_D_IN, 64)), _const_spec((64, 64)),
                _const_spec((64, 64))],
      out_specs=[pl.BlockSpec((_BLK, 64), lambda i: (i, 0)),
                 pl.BlockSpec((_BLK, 64), lambda i: (i, 0)),
                 pl.BlockSpec((_BLK, 64), lambda i: (i, 0))],
      out_shape=[jax.ShapeDtypeStruct((_NP, 64), _f32),
                 jax.ShapeDtypeStruct((_NP, 64), _f32),
                 jax.ShapeDtypeStruct((_NP, 64), _f32)],
  )(xp, W1, asel1, adsel1)

  tsrc1 = jnp.concatenate([asb1, h1], axis=1)
  tdst1 = jnp.concatenate([adb1, jnp.zeros((_NP, 64), _f32)], axis=1)

  zrows = jnp.zeros((_ACCR, _ROWW), _f32)
  edge_kernel = _make_edge_kernel()
  acc1 = edge_kernel(tsrc1, tdst1, src, dst, zrows)
  acc1 = jnp.pad(acc1, ((0, 0), (0, _NP - _ACCR), (0, 0)))

  h2, asb2, adb2 = pl.pallas_call(
      _mid_body,
      grid=(_NBLK,),
      in_specs=[pl.BlockSpec((_BLK, _ROWW), lambda i: (i, 0)),
                pl.BlockSpec((_BLK, _ROWW), lambda i: (i, 0)),
                _const_spec((_ROWW, 64)), _const_spec((_ROWW, 64)),
                _const_spec((1, 64)), _const_spec((64, _C2)),
                _const_spec((_C2, 64)), _const_spec((_C2, 64))],
      out_specs=[pl.BlockSpec((_BLK, _C2), lambda i: (i, 0)),
                 pl.BlockSpec((_BLK, 64), lambda i: (i, 0)),
                 pl.BlockSpec((_BLK, 64), lambda i: (i, 0))],
      out_shape=[jax.ShapeDtypeStruct((_NP, _C2), _f32),
                 jax.ShapeDtypeStruct((_NP, 64), _f32),
                 jax.ShapeDtypeStruct((_NP, 64), _f32)],
  )(acc1[0], acc1[1], s1, s2, b1.reshape(1, 64), W2, asel2, adsel2)

  tsrc2 = jnp.concatenate([asb2, h2], axis=1)
  tdst2 = jnp.concatenate([adb2, jnp.zeros((_NP, 64), _f32)], axis=1)

  acc2 = edge_kernel(tsrc2, tdst2, src, dst, zrows)
  acc2 = jnp.pad(acc2, ((0, 0), (0, _NP - _ACCR), (0, 0)))

  batch_pad = jnp.concatenate(
      [batch, jnp.full((_NP - _N,), _G, batch.dtype)]).reshape(_NP, 1)
  psum, cnt = pl.pallas_call(
      _post_body,
      grid=(_NBLK,),
      in_specs=[pl.BlockSpec((_BLK, _ROWW), lambda i: (i, 0)),
                pl.BlockSpec((_BLK, _ROWW), lambda i: (i, 0)),
                _const_spec((_ROWW, 64)), _const_spec((_ROWW, 64)),
                _const_spec((1, 64)),
                pl.BlockSpec((_BLK, 1), lambda i: (i, 0))],
      out_specs=[pl.BlockSpec((_G, 64), lambda i: (0, 0)),
                 pl.BlockSpec((_G, 8), lambda i: (0, 0))],
      out_shape=[jax.ShapeDtypeStruct((_G, 64), _f32),
                 jax.ShapeDtypeStruct((_G, 8), _f32)],
  )(acc2[0], acc2[1], s1, s2, b2.reshape(1, 64), batch_pad)

  out = pl.pallas_call(
      _head_body,
      in_specs=[pl.BlockSpec((_G, 64), lambda: (0, 0)),
                pl.BlockSpec((_G, 8), lambda: (0, 0)),
                pl.BlockSpec((64, _NCLS), lambda: (0, 0)),
                pl.BlockSpec((1, _NCLS), lambda: (0, 0))],
      out_specs=pl.BlockSpec((_G, _NCLS), lambda: (0, 0)),
      out_shape=jax.ShapeDtypeStruct((_G, _NCLS), _f32),
  )(psum, cnt, linW, linb.reshape(1, _NCLS))
  return out

# --- scband reference (transcript-rebuilt; emitter-appended) ---
"""Pipeline reference for scband-gatnet-62491774157296 (READ-ONLY COPY).

The authoritative reference and input builder live on the scoring server;
editing this copy changes nothing except your own understanding.
"""

import jax, jax.numpy as jnp
import numpy as np

N = 10000
E = 320000
D_IN = 128
H1, C1 = 8, 8
C2 = 64
G = 128
NCLS = 10


def setup_inputs(seed: int = 0):
    key = jax.random.key(seed)
    ks = jax.random.split(key, 12)
    x = jax.random.normal(ks[0], (N, D_IN), dtype=jnp.float32)
    edge_index = jax.random.randint(ks[1], (2, E), 0, N, dtype=jnp.int32)
    batch = jnp.sort(jax.random.randint(ks[2], (N,), 0, G, dtype=jnp.int32))
    W1 = jax.random.normal(ks[3], (D_IN, H1 * C1), dtype=jnp.float32) / np.sqrt(D_IN)
    a_src1 = jax.random.normal(ks[4], (H1, C1), dtype=jnp.float32) * 0.1
    a_dst1 = jax.random.normal(ks[5], (H1, C1), dtype=jnp.float32) * 0.1
    b1 = jnp.zeros((H1 * C1,), dtype=jnp.float32)
    W2 = jax.random.normal(ks[6], (H1 * C1, C2), dtype=jnp.float32) / np.sqrt(H1 * C1)
    a_src2 = jax.random.normal(ks[7], (1, C2), dtype=jnp.float32) * 0.1
    a_dst2 = jax.random.normal(ks[8], (1, C2), dtype=jnp.float32) * 0.1
    b2 = jnp.zeros((C2,), dtype=jnp.float32)
    linW = jax.random.normal(ks[9], (C2, NCLS), dtype=jnp.float32) / np.sqrt(C2)
    linb = jnp.zeros((NCLS,), dtype=jnp.float32)
    return {"x": x, "edge_index": edge_index, "batch": batch,
            "W1": W1, "a_src1": a_src1, "a_dst1": a_dst1, "b1": b1,
            "W2": W2, "a_src2": a_src2, "a_dst2": a_dst2, "b2": b2,
            "linW": linW, "linb": linb}


def _gat_conv(x, src, dst, W, a_src, a_dst, bias, heads, out_ch, concat):
    n = x.shape[0]
    h = (x @ W).reshape(n, heads, out_ch)
    alpha_s = (h * a_src[None, :, :]).sum(-1)
    alpha_d = (h * a_dst[None, :, :]).sum(-1)
    e = alpha_s[src] + alpha_d[dst]
    e = jax.nn.leaky_relu(e, 0.2)
    emax = jax.ops.segment_max(e, dst, num_segments=n)
    emax = jnp.where(jnp.isfinite(emax), emax, 0.0)
    ex = jnp.exp(e - emax[dst])
    denom = jax.ops.segment_sum(ex, dst, num_segments=n)
    alpha = ex / (denom[dst] + 1e-16)
    msg = h[src] * alpha[..., None]
    out = jax.ops.segment_sum(msg, dst, num_segments=n)
    if concat:
        out = out.reshape(n, heads * out_ch)
    else:
        out = out.mean(axis=1)
    return out + bias


def reference(x, edge_index, batch, W1, a_src1, a_dst1, b1, W2, a_src2, a_dst2, b2, linW, linb):
    # eval mode: dropout is identity. GATConv adds self-loops by default.
    loop = jnp.arange(N, dtype=edge_index.dtype)
    src = jnp.concatenate([edge_index[0], loop])
    dst = jnp.concatenate([edge_index[1], loop])
    h = jax.nn.elu(_gat_conv(x, src, dst, W1, a_src1, a_dst1, b1, H1, C1, True))
    h = _gat_conv(h, src, dst, W2, a_src2, a_dst2, b2, 1, C2, False)
    ssum = jax.ops.segment_sum(h, batch, num_segments=G)
    cnt = jax.ops.segment_sum(jnp.ones((N,), dtype=h.dtype), batch, num_segments=G)
    pooled = ssum / jnp.maximum(cnt, 1.0)[:, None]
    return pooled @ linW + linb

if __name__ == "__main__":
    import jax
    _d = setup_inputs()
    print(jax.jit(kernel)(*tuple(_d.values())))

</pallas_src>

<mosaic_0001>
#map = affine_map<(d0, d1) -> (0, 0)>
#map1 = affine_map<(d0, d1) -> (0)>
#map2 = affine_map<(d0, d1) -> (0, 0, 0)>
module attributes {stable_mosaic.version = 14 : i64} {
  func.func @body(%arg0: i32, %arg1: i32, %arg2: memref<10240x128xf32, #tpu.memory_space<hbm>>, %arg3: memref<10240x128xf32, #tpu.memory_space<hbm>>, %arg4: memref<331776xi32, #tpu.memory_space<hbm>>, %arg5: memref<331776xi32, #tpu.memory_space<hbm>>, %arg6: memref<10112x128xf32, #tpu.memory_space<hbm>>, %arg7: memref<2x10112x128xf32, #tpu.memory_space<hbm>>, %arg8: memref<64xi32, #tpu.memory_space<vmem>>, %arg9: memref<64xi32, #tpu.memory_space<vmem>>, %arg10: memref<64x128xf32, #tpu.memory_space<vmem>>, %arg11: memref<64x128xf32, #tpu.memory_space<vmem>>, %arg12: memref<64x128xf32, #tpu.memory_space<vmem>>, %arg13: memref<64xi32, #tpu.memory_space<vmem>>, %arg14: memref<64xi32, #tpu.memory_space<vmem>>, %arg15: memref<64x128xf32, #tpu.memory_space<vmem>>, %arg16: memref<64x128xf32, #tpu.memory_space<vmem>>, %arg17: memref<64x128xf32, #tpu.memory_space<vmem>>, %arg18: memref<10112x128xf32, #tpu.memory_space<vmem_shared>>, %arg19: memref<!tpu.dma_semaphore, #tpu.memory_space<semaphore_mem>>, %arg20: memref<!tpu.dma_semaphore, #tpu.memory_space<semaphore_mem>>, %arg21: memref<!tpu.dma_semaphore, #tpu.memory_space<semaphore_mem>>, %arg22: memref<!tpu.dma_semaphore, #tpu.memory_space<semaphore_mem>>) attributes {dimension_semantics = [#tpu.dimension_semantics<core_parallel>, #tpu.dimension_semantics<subcore_parallel>], iteration_bounds = array<i64: 2, 16>, scalar_prefetch = 0 : i64, scratch_operands = 15 : i64, tpu.core_type = #tpu.core_type<sc_vector_subcore>, window_params = [{transform_indices = #map}, {transform_indices = #map}, {transform_indices = #map1}, {transform_indices = #map1}, {transform_indices = #map}, {transform_indices = #map2}]} {
    %mul3A = arith.constant 16 : i32
    %mul3A_0 = arith.muli %arg0, %mul3A : i32
    %add3A = arith.addi %mul3A_0, %arg1 : i32
    %mul3A_1 = arith.constant 632 : i32
    %mul3A_2 = arith.muli %arg1, %mul3A_1 : i32
    "tpu.region"() ({
      %run_scoped3A = tpu.sem_alloc : memref<!tpu.dma_semaphore, #tpu.memory_space<semaphore_mem>>
      %dma_start3A_21 = arith.constant 0 : i32
      %dma_start3A_22 = tpu.memref_slice %arg18[%mul3A_2, %dma_start3A_21] : memref<10112x128xf32, #tpu.memory_space<vmem_shared>> -> memref<632x128xf32, #tpu.memory_space<vmem_shared>>
      %dma_start3A_23 = arith.constant 0 : i32
      %dma_start3A_24 = tpu.memref_slice %arg6[%mul3A_2, %dma_start3A_23] : memref<10112x128xf32, #tpu.memory_space<hbm>> -> memref<632x128xf32, #tpu.memory_space<hbm>>
      tpu.enqueue_dma source(%dma_start3A_24 : memref<632x128xf32, #tpu.memory_space<hbm>>) target(%dma_start3A_22 : memref<632x128xf32, #tpu.memory_space<vmem_shared>>) target_semaphore(%run_scoped3A : memref<!tpu.dma_semaphore, #tpu.memory_space<semaphore_mem>>)
      %dma_wait3A = arith.constant 0 : i32
      %dma_wait3A_25 = tpu.memref_slice %arg18[%mul3A_2, %dma_wait3A] : memref<10112x128xf32, #tpu.memory_space<vmem_shared>> -> memref<632x128xf32, #tpu.memory_space<vmem_shared>>
      %dma_wait3A_26 = arith.constant 0 : i32
      %dma_wait3A_27 = tpu.memref_slice %arg6[%mul3A_2, %dma_wait3A_26] : memref<10112x128xf32, #tpu.memory_space<hbm>> -> memref<632x128xf32, #tpu.memory_space<hbm>>
      tpu.wait_dma2 semaphore(%run_scoped3A : memref<!tpu.dma_semaphore, #tpu.memory_space<semaphore_mem>>) src(%dma_wait3A_27 : memref<632x128xf32, #tpu.memory_space<hbm>>) dst(%dma_wait3A_25 : memref<632x128xf32, #tpu.memory_space<vmem_shared>>)
      tpu.yield
    }) : () -> ()
    %mul3A_3 = arith.constant 162 : i32
    %mul3A_4 = arith.muli %add3A, %mul3A_3 : i32
    %add3A_5 = arith.constant 0 : i32
    %add3A_6 = arith.addi %mul3A_4, %add3A_5 : i32
    %mul3A_7 = arith.constant 64 : i32
    %mul3A_8 = arith.muli %add3A_6, %mul3A_7 : i32
    "tpu.region"() ({
      %run_scoped3A = tpu.sem_alloc : memref<!tpu.dma_semaphore, #tpu.memory_space<semaphore_mem>>
      %dma_start3A_21 = tpu.memref_slice %arg4[%mul3A_8] : memref<331776xi32, #tpu.memory_space<hbm>> -> memref<64xi32, #tpu.memory_space<hbm>>
      %dma_start3A_22 = tpu.memref_slice %arg4[%mul3A_8] : memref<331776xi32, #tpu.memory_space<hbm>> -> memref<64xi32, #tpu.memory_space<hbm>>
      tpu.enqueue_dma source(%dma_start3A_22 : memref<64xi32, #tpu.memory_space<hbm>>) target(%arg8 : memref<64xi32, #tpu.memory_space<vmem>>) target_semaphore(%run_scoped3A : memref<!tpu.dma_semaphore, #tpu.memory_space<semaphore_mem>>)
      %dma_wait3A = tpu.memref_slice %arg4[%mul3A_8] : memref<331776xi32, #tpu.memory_space<hbm>> -> memref<64xi32, #tpu.memory_space<hbm>>
      %dma_wait3A_23 = tpu.memref_slice %arg4[%mul3A_8] : memref<331776xi32, #tpu.memory_space<hbm>> -> memref<64xi32, #tpu.memory_space<hbm>>
      tpu.wait_dma2 semaphore(%run_scoped3A : memref<!tpu.dma_semaphore, #tpu.memory_space<semaphore_mem>>) src(%dma_wait3A_23 : memref<64xi32, #tpu.memory_space<hbm>>) dst(%arg8 : memref<64xi32, #tpu.memory_space<vmem>>)
      tpu.yield
    }) : () -> ()
    "tpu.region"() ({
      %run_scoped3A = tpu.sem_alloc : memref<!tpu.dma_semaphore, #tpu.memory_space<semaphore_mem>>
      %dma_start3A_21 = tpu.memref_slice %arg5[%mul3A_8] : memref<331776xi32, #tpu.memory_space<hbm>> -> memref<64xi32, #tpu.memory_space<hbm>>
      %dma_start3A_22 = tpu.memref_slice %arg5[%mul3A_8] : memref<331776xi32, #tpu.memory_space<hbm>> -> memref<64xi32, #tpu.memory_space<hbm>>
      tpu.enqueue_dma source(%dma_start3A_22 : memref<64xi32, #tpu.memory_space<hbm>>) target(%arg9 : memref<64xi32, #tpu.memory_space<vmem>>) target_semaphore(%run_scoped3A : memref<!tpu.dma_semaphore, #tpu.memory_space<semaphore_mem>>)
      %dma_wait3A = tpu.memref_slice %arg5[%mul3A_8] : memref<331776xi32, #tpu.memory_space<hbm>> -> memref<64xi32, #tpu.memory_space<hbm>>
      %dma_wait3A_23 = tpu.memref_slice %arg5[%mul3A_8] : memref<331776xi32, #tpu.memory_space<hbm>> -> memref<64xi32, #tpu.memory_space<hbm>>
      tpu.wait_dma2 semaphore(%run_scoped3A : memref<!tpu.dma_semaphore, #tpu.memory_space<semaphore_mem>>) src(%dma_wait3A_23 : memref<64xi32, #tpu.memory_space<hbm>>) dst(%arg9 : memref<64xi32, #tpu.memory_space<vmem>>)
      tpu.yield
    }) : () -> ()
    %dma_start3A = arith.constant 0 : i32
    %dma_start3A_9 = arith.constant 0 : i32
    %dma_start3A_10 = tpu.memref_slice %arg2[%dma_start3A, %dma_start3A_9] : memref<10240x128xf32, #tpu.memory_space<hbm>> -> memref<10240x128xf32, #tpu.memory_space<hbm>>
    tpu.enqueue_indirect_dma source(%dma_start3A_10 : memref<10240x128xf32, #tpu.memory_space<hbm>>) target(%arg10 : memref<64x128xf32, #tpu.memory_space<vmem>>) offsets(%arg8 : memref<64xi32, #tpu.memory_space<vmem>>) semaphore(%arg19 : memref<!tpu.dma_semaphore, #tpu.memory_space<semaphore_mem>>)
    %dma_start3A_11 = arith.constant 0 : i32
    %dma_start3A_12 = arith.constant 0 : i32
    %dma_start3A_13 = tpu.memref_slice %arg3[%dma_start3A_11, %dma_start3A_12] : memref<10240x128xf32, #tpu.memory_space<hbm>> -> memref<10240x128xf32, #tpu.memory_space<hbm>>
    tpu.enqueue_indirect_dma source(%dma_start3A_13 : memref<10240x128xf32, #tpu.memory_space<hbm>>) target(%arg11 : memref<64x128xf32, #tpu.memory_space<vmem>>) offsets(%arg9 : memref<64xi32, #tpu.memory_space<vmem>>) semaphore(%arg20 : memref<!tpu.dma_semaphore, #tpu.memory_space<semaphore_mem>>)
    %barrier3A = arith.constant 0 : index
    tpu.barrier barrier_id(%barrier3A)
    %scan3A = arith.constant 0 : i32
    %scan3A_14 = arith.constant 0 : i32
    %scan3A_15 = arith.constant 81 : i32
    %scan3A_16 = arith.addi %scan3A_14, %scan3A_15 : i32
    %scan3A_17 = arith.constant 1 : i32
    %scan3A_18 = scf.for %scan3A_21 = %scan3A_14 to %scan3A_16 step %scan3A_17 iter_args(%scan3A_22 = %scan3A) -> (i32)  : i32 {
      %mul3A_23 = arith.constant 2 : i32
      %mul3A_24 = arith.muli %mul3A_23, %scan3A_21 : i32
      %add3A_25 = arith.constant 0 : i32
      %add3A_26 = arith.addi %mul3A_24, %add3A_25 : i32
      %dma_wait3A = arith.constant 0 : i32
      %dma_wait3A_27 = arith.constant 0 : i32
      %dma_wait3A_28 = tpu.memref_slice %arg2[%dma_wait3A, %dma_wait3A_27] : memref<10240x128xf32, #tpu.memory_space<hbm>> -> memref<10240x128xf32, #tpu.memory_space<hbm>>
      tpu.wait_indirect_dma semaphore(%arg19 : memref<!tpu.dma_semaphore, #tpu.memory_space<semaphore_mem>>) src(%dma_wait3A_28 : memref<10240x128xf32, #tpu.memory_space<hbm>>) dst(%arg10 : memref<64x128xf32, #tpu.memory_space<vmem>>)
      %dma_wait3A_29 = arith.constant 0 : i32
      %dma_wait3A_30 = arith.constant 0 : i32
      %dma_wait3A_31 = tpu.memref_slice %arg3[%dma_wait3A_29, %dma_wait3A_30] : memref<10240x128xf32, #tpu.memory_space<hbm>> -> memref<10240x128xf32, #tpu.memory_space<hbm>>
      tpu.wait_indirect_dma semaphore(%arg20 : memref<!tpu.dma_semaphore, #tpu.memory_space<semaphore_mem>>) src(%dma_wait3A_31 : memref<10240x128xf32, #tpu.memory_space<hbm>>) dst(%arg11 : memref<64x128xf32, #tpu.memory_space<vmem>>)
      %add3A_32 = arith.constant 1 : i32
      %add3A_33 = arith.addi %add3A_26, %add3A_32 : i32
      %lt3A = arith.constant 162 : i32
      %lt3A_34 = arith.cmpi slt, %add3A_33, %lt3A : i32
      %convert_element_type3A = arith.extui %lt3A_34 : i1 to i32
      %cond3A = arith.constant 0 : i32
      %cond3A_35 = arith.cmpi ne, %convert_element_type3A, %cond3A : i32
      scf.if %cond3A_35 {
        %add3A_68 = arith.constant 1 : i32
        %add3A_69 = arith.addi %add3A_26, %add3A_68 : i32
        %mul3A_70 = arith.constant 162 : i32
        %mul3A_71 = arith.muli %add3A, %mul3A_70 : i32
        %add3A_72 = arith.addi %mul3A_71, %add3A_69 : i32
        %mul3A_73 = arith.constant 64 : i32
        %mul3A_74 = arith.muli %add3A_72, %mul3A_73 : i32
        "tpu.region"() ({
          %run_scoped3A = tpu.sem_alloc : memref<!tpu.dma_semaphore, #tpu.memory_space<semaphore_mem>>
          %dma_start3A_81 = tpu.memref_slice %arg4[%mul3A_74] : memref<331776xi32, #tpu.memory_space<hbm>> -> memref<64xi32, #tpu.memory_space<hbm>>
          %dma_start3A_82 = tpu.memref_slice %arg4[%mul3A_74] : memref<331776xi32, #tpu.memory_space<hbm>> -> memref<64xi32, #tpu.memory_space<hbm>>
          tpu.enqueue_dma source(%dma_start3A_82 : memref<64xi32, #tpu.memory_space<hbm>>) target(%arg13 : memref<64xi32, #tpu.memory_space<vmem>>) target_semaphore(%run_scoped3A : memref<!tpu.dma_semaphore, #tpu.memory_space<semaphore_mem>>)
          %dma_wait3A_83 = tpu.memref_slice %arg4[%mul3A_74] : memref<331776xi32, #tpu.memory_space<hbm>> -> memref<64xi32, #tpu.memory_space<hbm>>
          %dma_wait3A_84 = tpu.memref_slice %arg4[%mul3A_74] : memref<331776xi32, #tpu.memory_space<hbm>> -> memref<64xi32, #tpu.memory_space<hbm>>
          tpu.wait_dma2 semaphore(%run_scoped3A : memref<!tpu.dma_semaphore, #tpu.memory_space<semaphore_mem>>) src(%dma_wait3A_84 : memref<64xi32, #tpu.memory_space<hbm>>) dst(%arg13 : memref<64xi32, #tpu.memory_space<vmem>>)
          tpu.yield
        }) : () -> ()
        "tpu.region"() ({
          %run_scoped3A = tpu.sem_alloc : memref<!tpu.dma_semaphore, #tpu.memory_space<semaphore_mem>>
          %dma_start3A_81 = tpu.memref_slice %arg5[%mul3A_74] : memref<331776xi32, #tpu.memory_space<hbm>> -> memref<64xi32, #tpu.memory_space<hbm>>
          %dma_start3A_82 = tpu.memref_slice %arg5[%mul3A_74] : memref<331776xi32, #tpu.memory_space<hbm>> -> memref<64xi32, #tpu.memory_space<hbm>>
          tpu.enqueue_dma source(%dma_start3A_82 : memref<64xi32, #tpu.memory_space<hbm>>) target(%arg14 : memref<64xi32, #tpu.memory_space<vmem>>) target_semaphore(%run_scoped3A : memref<!tpu.dma_semaphore, #tpu.memory_space<semaphore_mem>>)
          %dma_wait3A_83 = tpu.memref_slice %arg5[%mul3A_74] : memref<331776xi32, #tpu.memory_space<hbm>> -> memref<64xi32, #tpu.memory_space<hbm>>
          %dma_wait3A_84 = tpu.memref_slice %arg5[%mul3A_74] : memref<331776xi32, #tpu.memory_space<hbm>> -> memref<64xi32, #tpu.memory_space<hbm>>
          tpu.wait_dma2 semaphore(%run_scoped3A : memref<!tpu.dma_semaphore, #tpu.memory_space<semaphore_mem>>) src(%dma_wait3A_84 : memref<64xi32, #tpu.memory_space<hbm>>) dst(%arg14 : memref<64xi32, #tpu.memory_space<vmem>>)
          tpu.yield
        }) : () -> ()
        %dma_start3A_75 = arith.constant 0 : i32
        %dma_start3A_76 = arith.constant 0 : i32
        %dma_start3A_77 = tpu.memref_slice %arg2[%dma_start3A_75, %dma_start3A_76] : memref<10240x128xf32, #tpu.memory_space<hbm>> -> memref<10240x128xf32, #tpu.memory_space<hbm>>
        tpu.enqueue_indirect_dma source(%dma_start3A_77 : memref<10240x128xf32, #tpu.memory_space<hbm>>) target(%arg15 : memref<64x128xf32, #tpu.memory_space<vmem>>) offsets(%arg13 : memref<64xi32, #tpu.memory_space<vmem>>) semaphore(%arg21 : memref<!tpu.dma_semaphore, #tpu.memory_space<semaphore_mem>>)
        %dma_start3A_78 = arith.constant 0 : i32
        %dma_start3A_79 = arith.constant 0 : i32
        %dma_start3A_80 = tpu.memref_slice %arg3[%dma_start3A_78, %dma_start3A_79] : memref<10240x128xf32, #tpu.memory_space<hbm>> -> memref<10240x128xf32, #tpu.memory_space<hbm>>
        tpu.enqueue_indirect_dma source(%dma_start3A_80 : memref<10240x128xf32, #tpu.memory_space<hbm>>) target(%arg16 : memref<64x128xf32, #tpu.memory_space<vmem>>) offsets(%arg14 : memref<64xi32, #tpu.memory_space<vmem>>) semaphore(%arg22 : memref<!tpu.dma_semaphore, #tpu.memory_space<semaphore_mem>>)
      } else {
      }
      %scan3A_36 = arith.constant 0 : i32
      %scan3A_37 = arith.constant 0 : i32
      %scan3A_38 = arith.constant 64 : i32
      %scan3A_39 = arith.addi %scan3A_37, %scan3A_38 : i32
      %scan3A_40 = arith.constant 2 : i32
      %scan3A_41 = scf.for %scan3A_68 = %scan3A_37 to %scan3A_39 step %scan3A_40 iter_args(%scan3A_69 = %scan3A_36) -> (i32)  : i32 {
        %get3A = arith.index_cast %scan3A_68 : i32 to index
        %get3A_70 = arith.constant 0 : index
        %get3A_71 = tpu.vector_load %arg10[%get3A, %get3A_70] {strides = array<i32>} : memref<64x128xf32, #tpu.memory_space<vmem>>, vector<1x16xf32>,
        %get3A_72 = vector.shape_cast %get3A_71 : vector<1x16xf32> to vector<16xf32>
        %get3A_73 = arith.index_cast %scan3A_68 : i32 to index
        %get3A_74 = arith.constant 0 : index
        %get3A_75 = tpu.vector_load %arg11[%get3A_73, %get3A_74] {strides = array<i32>} : memref<64x128xf32, #tpu.memory_space<vmem>>, vector<1x16xf32>,
        %get3A_76 = vector.shape_cast %get3A_75 : vector<1x16xf32> to vector<16xf32>
        %add3A_77 = arith.addf %get3A_72, %get3A_76 : vector<16xf32>
        %ge3A = arith.constant 0.000000e+00 : f32
        %ge3A_78 = vector.broadcast %ge3A : f32 to vector<16xf32>
        %ge3A_79 = arith.cmpf oge, %add3A_77, %ge3A_78 : vector<16xf32>
        %mul3A_80 = arith.constant 2.000000e-01 : f32
        %mul3A_81 = vector.broadcast %mul3A_80 : f32 to vector<16xf32>
        %mul3A_82 = arith.mulf %mul3A_81, %add3A_77 : vector<16xf32>
        %select_n3A = arith.select %ge3A_79, %add3A_77, %mul3A_82 : vector<16xi1>, vector<16xf32>
        %exp3A = math.exp %select_n3A : vector<16xf32>
        %swap3A = arith.index_cast %scan3A_68 : i32 to index
        %swap3A_83 = arith.constant 0 : index
        %swap3A_84 = tpu.vector_load %arg12[%swap3A, %swap3A_83] {strides = array<i32>} : memref<64x128xf32, #tpu.memory_space<vmem>>, vector<1x16xf32>,
        %swap3A_85 = vector.shape_cast %swap3A_84 : vector<1x16xf32> to vector<16xf32>
        %swap3A_86 = vector.shape_cast %exp3A : vector<16xf32> to vector<1x16xf32>
        tpu.vector_store %arg12[%swap3A, %swap3A_83], %swap3A_86 {strides = array<i32>} : memref<64x128xf32, #tpu.memory_space<vmem>>, vector<1x16xf32>,
        %get3A_87 = arith.index_cast %scan3A_68 : i32 to index
        %get3A_88 = arith.constant 64 : index
        %get3A_89 = tpu.vector_load %arg10[%get3A_87, %get3A_88] {strides = array<i32>} : memref<64x128xf32, #tpu.memory_space<vmem>>, vector<1x16xf32>,
        %get3A_90 = vector.shape_cast %get3A_89 : vector<1x16xf32> to vector<16xf32>
        %mul3A_91 = arith.mulf %exp3A, %get3A_90 : vector<16xf32>
        %swap3A_92 = arith.index_cast %scan3A_68 : i32 to index
        %swap3A_93 = arith.constant 64 : index
        %swap3A_94 = tpu.vector_load %arg12[%swap3A_92, %swap3A_93] {strides = array<i32>} : memref<64x128xf32, #tpu.memory_space<vmem>>, vector<1x16xf32>,
        %swap3A_95 = vector.shape_cast %swap3A_94 : vector<1x16xf32> to vector<16xf32>
        %swap3A_96 = vector.shape_cast %mul3A_91 : vector<16xf32> to vector<1x16xf32>
        tpu.vector_store %arg12[%swap3A_92, %swap3A_93], %swap3A_96 {strides = array<i32>} : memref<64x128xf32, #tpu.memory_space<vmem>>, vector<1x16xf32>,
        %get3A_97 = arith.index_cast %scan3A_68 : i32 to index
        %get3A_98 = arith.constant 16 : index
        %get3A_99 = tpu.vector_load %arg10[%get3A_97, %get3A_98] {strides = array<i32>} : memref<64x128xf32, #tpu.memory_space<vmem>>, vector<1x16xf32>,
        %get3A_100 = vector.shape_cast %get3A_99 : vector<1x16xf32> to vector<16xf32>
        %get3A_101 = arith.index_cast %scan3A_68 : i32 to index
        %get3A_102 = arith.constant 16 : index
        %get3A_103 = tpu.vector_load %arg11[%get3A_101, %get3A_102] {strides = array<i32>} : memref<64x128xf32, #tpu.memory_space<vmem>>, vector<1x16xf32>,
        %get3A_104 = vector.shape_cast %get3A_103 : vector<1x16xf32> to vector<16xf32>
        %add3A_105 = arith.addf %get3A_100, %get3A_104 : vector<16xf32>
        %ge3A_106 = arith.constant 0.000000e+00 : f32
        %ge3A_107 = vector.broadcast %ge3A_106 : f32 to vector<16xf32>
        %ge3A_108 = arith.cmpf oge, %add3A_105, %ge3A_107 : vector<16xf32>
        %mul3A_109 = arith.constant 2.000000e-01 : f32
        %mul3A_110 = vector.broadcast %mul3A_109 : f32 to vector<16xf32>
        %mul3A_111 = arith.mulf %mul3A_110, %add3A_105 : vector<16xf32>
        %select_n3A_112 = arith.select %ge3A_108, %add3A_105, %mul3A_111 : vector<16xi1>, vector<16xf32>
        %exp3A_113 = math.exp %select_n3A_112 : vector<16xf32>
        %swap3A_114 = arith.index_cast %scan3A_68 : i32 to index
        %swap3A_115 = arith.constant 16 : index
        %swap3A_116 = tpu.vector_load %arg12[%swap3A_114, %swap3A_115] {strides = array<i32>} : memref<64x128xf32, #tpu.memory_space<vmem>>, vector<1x16xf32>,
        %swap3A_117 = vector.shape_cast %swap3A_116 : vector<1x16xf32> to vector<16xf32>
        %swap3A_118 = vector.shape_cast %exp3A_113 : vector<16xf32> to vector<1x16xf32>
        tpu.vector_store %arg12[%swap3A_114, %swap3A_115], %swap3A_118 {strides = array<i32>} : memref<64x128xf32, #tpu.memory_space<vmem>>, vector<1x16xf32>,
        %get3A_119 = arith.index_cast %scan3A_68 : i32 to index
        %get3A_120 = arith.constant 80 : index
        %get3A_121 = tpu.vector_load %arg10[%get3A_119, %get3A_120] {strides = array<i32>} : memref<64x128xf32, #tpu.memory_space<vmem>>, vector<1x16xf32>,
        %get3A_122 = vector.shape_cast %get3A_121 : vector<1x16xf32> to vector<16xf32>
        %mul3A_123 = arith.mulf %exp3A_113, %get3A_122 : vector<16xf32>
        %swap3A_124 = arith.index_cast %scan3A_68 : i32 to index
        %swap3A_125 = arith.constant 80 : index
        %swap3A_126 = tpu.vector_load %arg12[%swap3A_124, %swap3A_125] {strides = array<i32>} : memref<64x128xf32, #tpu.memory_space<vmem>>, vector<1x16xf32>,
        %swap3A_127 = vector.shape_cast %swap3A_126 : vector<1x16xf32> to vector<16xf32>
        %swap3A_128 = vector.shape_cast %mul3A_123 : vector<16xf32> to vector<1x16xf32>
        tpu.vector_store %arg12[%swap3A_124, %swap3A_125], %swap3A_128 {strides = array<i32>} : memref<64x128xf32, #tpu.memory_space<vmem>>, vector<1x16xf32>,
        %get3A_129 = arith.index_cast %scan3A_68 : i32 to index
        %get3A_130 = arith.constant 32 : index
        %get3A_131 = tpu.vector_load %arg10[%get3A_129, %get3A_130] {strides = array<i32>} : memref<64x128xf32, #tpu.memory_space<vmem>>, vector<1x16xf32>,
        %get3A_132 = vector.shape_cast %get3A_131 : vector<1x16xf32> to vector<16xf32>
        %get3A_133 = arith.index_cast %scan3A_68 : i32 to index
        %get3A_134 = arith.constant 32 : index
        %get3A_135 = tpu.vector_load %arg11[%get3A_133, %get3A_134] {strides = array<i32>} : memref<64x128xf32, #tpu.memory_space<vmem>>, vector<1x16xf32>,
        %get3A_136 = vector.shape_cast %get3A_135 : vector<1x16xf32> to vector<16xf32>
        %add3A_137 = arith.addf %get3A_132, %get3A_136 : vector<16xf32>
        %ge3A_138 = arith.constant 0.000000e+00 : f32
        %ge3A_139 = vector.broadcast %ge3A_138 : f32 to vector<16xf32>
        %ge3A_140 = arith.cmpf oge, %add3A_137, %ge3A_139 : vector<16xf32>
        %mul3A_141 = arith.constant 2.000000e-01 : f32
        %mul3A_142 = vector.broadcast %mul3A_141 : f32 to vector<16xf32>
        %mul3A_143 = arith.mulf %mul3A_142, %add3A_137 : vector<16xf32>
        %select_n3A_144 = arith.select %ge3A_140, %add3A_137, %mul3A_143 : vector<16xi1>, vector<16xf32>
        %exp3A_145 = math.exp %select_n3A_144 : vector<16xf32>
        %swap3A_146 = arith.index_cast %scan3A_68 : i32 to index
        %swap3A_147 = arith.constant 32 : index
        %swap3A_148 = tpu.vector_load %arg12[%swap3A_146, %swap3A_147] {strides = array<i32>} : memref<64x128xf32, #tpu.memory_space<vmem>>, vector<1x16xf32>,
        %swap3A_149 = vector.shape_cast %swap3A_148 : vector<1x16xf32> to vector<16xf32>
        %swap3A_150 = vector.shape_cast %exp3A_145 : vector<16xf32> to vector<1x16xf32>
        tpu.vector_store %arg12[%swap3A_146, %swap3A_147], %swap3A_150 {strides = array<i32>} : memref<64x128xf32, #tpu.memory_space<vmem>>, vector<1x16xf32>,
        %get3A_151 = arith.index_cast %scan3A_68 : i32 to index
        %get3A_152 = arith.constant 96 : index
        %get3A_153 = tpu.vector_load %arg10[%get3A_151, %get3A_152] {strides = array<i32>} : memref<64x128xf32, #tpu.memory_space<vmem>>, vector<1x16xf32>,
        %get3A_154 = vector.shape_cast %get3A_153 : vector<1x16xf32> to vector<16xf32>
        %mul3A_155 = arith.mulf %exp3A_145, %get3A_154 : vector<16xf32>
        %swap3A_156 = arith.index_cast %scan3A_68 : i32 to index
        %swap3A_157 = arith.constant 96 : index
        %swap3A_158 = tpu.vector_load %arg12[%swap3A_156, %swap3A_157] {strides = array<i32>} : memref<64x128xf32, #tpu.memory_space<vmem>>, vector<1x16xf32>,
        %swap3A_159 = vector.shape_cast %swap3A_158 : vector<1x16xf32> to vector<16xf32>
        %swap3A_160 = vector.shape_cast %mul3A_155 : vector<16xf32> to vector<1x16xf32>
        tpu.vector_store %arg12[%swap3A_156, %swap3A_157], %swap3A_160 {strides = array<i32>} : memref<64x128xf32, #tpu.memory_space<vmem>>, vector<1x16xf32>,
        %get3A_161 = arith.index_cast %scan3A_68 : i32 to index
        %get3A_162 = arith.constant 48 : index
        %get3A_163 = tpu.vector_load %arg10[%get3A_161, %get3A_162] {strides = array<i32>} : memref<64x128xf32, #tpu.memory_space<vmem>>, vector<1x16xf32>,
        %get3A_164 = vector.shape_cast %get3A_163 : vector<1x16xf32> to vector<16xf32>
        %get3A_165 = arith.index_cast %scan3A_68 : i32 to index
        %get3A_166 = arith.constant 48 : index
        %get3A_167 = tpu.vector_load %arg11[%get3A_165, %get3A_166] {strides = array<i32>} : memref<64x128xf32, #tpu.memory_space<vmem>>, vector<1x16xf32>,
        %get3A_168 = vector.shape_cast %get3A_167 : vector<1x16xf32> to vector<16xf32>
        %add3A_169 = arith.addf %get3A_164, %get3A_168 : vector<16xf32>
        %ge3A_170 = arith.constant 0.000000e+00 : f32
        %ge3A_171 = vector.broadcast %ge3A_170 : f32 to vector<16xf32>
        %ge3A_172 = arith.cmpf oge, %add3A_169, %ge3A_171 : vector<16xf32>
        %mul3A_173 = arith.constant 2.000000e-01 : f32
        %mul3A_174 = vector.broadcast %mul3A_173 : f32 to vector<16xf32>
        %mul3A_175 = arith.mulf %mul3A_174, %add3A_169 : vector<16xf32>
        %select_n3A_176 = arith.select %ge3A_172, %add3A_169, %mul3A_175 : vector<16xi1>, vector<16xf32>
        %exp3A_177 = math.exp %select_n3A_176 : vector<16xf32>
        %swap3A_178 = arith.index_cast %scan3A_68 : i32 to index
        %swap3A_179 = arith.constant 48 : index
        %swap3A_180 = tpu.vector_load %arg12[%swap3A_178, %swap3A_179] {strides = array<i32>} : memref<64x128xf32, #tpu.memory_space<vmem>>, vector<1x16xf32>,
        %swap3A_181 = vector.shape_cast %swap3A_180 : vector<1x16xf32> to vector<16xf32>
        %swap3A_182 = vector.shape_cast %exp3A_177 : vector<16xf32> to vector<1x16xf32>
        tpu.vector_store %arg12[%swap3A_178, %swap3A_179], %swap3A_182 {strides = array<i32>} : memref<64x128xf32, #tpu.memory_space<vmem>>, vector<1x16xf32>,
        %get3A_183 = arith.index_cast %scan3A_68 : i32 to index
        %get3A_184 = arith.constant 112 : index
        %get3A_185 = tpu.vector_load %arg10[%get3A_183, %get3A_184] {strides = array<i32>} : memref<64x128xf32, #tpu.memory_space<vmem>>, vector<1x16xf32>,
        %get3A_186 = vector.shape_cast %get3A_185 : vector<1x16xf32> to vector<16xf32>
        %mul3A_187 = arith.mulf %exp3A_177, %get3A_186 : vector<16xf32>
        %swap3A_188 = arith.index_cast %scan3A_68 : i32 to index
        %swap3A_189 = arith.constant 112 : index
        %swap3A_190 = tpu.vector_load %arg12[%swap3A_188, %swap3A_189] {strides = array<i32>} : memref<64x128xf32, #tpu.memory_space<vmem>>, vector<1x16xf32>,
        %swap3A_191 = vector.shape_cast %swap3A_190 : vector<1x16xf32> to vector<16xf32>
        %swap3A_192 = vector.shape_cast %mul3A_187 : vector<16xf32> to vector<1x16xf32>
        tpu.vector_store %arg12[%swap3A_188, %swap3A_189], %swap3A_192 {strides = array<i32>} : memref<64x128xf32, #tpu.memory_space<vmem>>, vector<1x16xf32>,
        %scan3A_193 = arith.constant 0 : i32
        %scan3A_194 = arith.constant 1 : i32
        %scan3A_195 = arith.addi %scan3A_68, %scan3A_194 : i32
        %get3A_196 = arith.index_cast %scan3A_195 : i32 to index
        %get3A_197 = arith.constant 0 : index
        %get3A_198 = tpu.vector_load %arg10[%get3A_196, %get3A_197] {strides = array<i32>} : memref<64x128xf32, #tpu.memory_space<vmem>>, vector<1x16xf32>,
        %get3A_199 = vector.shape_cast %get3A_198 : vector<1x16xf32> to vector<16xf32>
        %get3A_200 = arith.index_cast %scan3A_195 : i32 to index
        %get3A_201 = arith.constant 0 : index
        %get3A_202 = tpu.vector_load %arg11[%get3A_200, %get3A_201] {strides = array<i32>} : memref<64x128xf32, #tpu.memory_space<vmem>>, vector<1x16xf32>,
        %get3A_203 = vector.shape_cast %get3A_202 : vector<1x16xf32> to vector<16xf32>
        %add3A_204 = arith.addf %get3A_199, %get3A_203 : vector<16xf32>
        %ge3A_205 = arith.constant 0.000000e+00 : f32
        %ge3A_206 = vector.broadcast %ge3A_205 : f32 to vector<16xf32>
        %ge3A_207 = arith.cmpf oge, %add3A_204, %ge3A_206 : vector<16xf32>
        %mul3A_208 = arith.constant 2.000000e-01 : f32
        %mul3A_209 = vector.broadcast %mul3A_208 : f32 to vector<16xf32>
        %mul3A_210 = arith.mulf %mul3A_209, %add3A_204 : vector<16xf32>
        %select_n3A_211 = arith.select %ge3A_207, %add3A_204, %mul3A_210 : vector<16xi1>, vector<16xf32>
        %exp3A_212 = math.exp %select_n3A_211 : vector<16xf32>
        %swap3A_213 = arith.index_cast %scan3A_195 : i32 to index
        %swap3A_214 = arith.constant 0 : index
        %swap3A_215 = tpu.vector_load %arg12[%swap3A_213, %swap3A_214] {strides = array<i32>} : memref<64x128xf32, #tpu.memory_space<vmem>>, vector<1x16xf32>,
        %swap3A_216 = vector.shape_cast %swap3A_215 : vector<1x16xf32> to vector<16xf32>
        %swap3A_217 = vector.shape_cast %exp3A_212 : vector<16xf32> to vector<1x16xf32>
        tpu.vector_store %arg12[%swap3A_213, %swap3A_214], %swap3A_217 {strides = array<i32>} : memref<64x128xf32, #tpu.memory_space<vmem>>, vector<1x16xf32>,
        %get3A_218 = arith.index_cast %scan3A_195 : i32 to index
        %get3A_219 = arith.constant 64 : index
        %get3A_220 = tpu.vector_load %arg10[%get3A_218, %get3A_219] {strides = array<i32>} : memref<64x128xf32, #tpu.memory_space<vmem>>, vector<1x16xf32>,
        %get3A_221 = vector.shape_cast %get3A_220 : vector<1x16xf32> to vector<16xf32>
        %mul3A_222 = arith.mulf %exp3A_212, %get3A_221 : vector<16xf32>
        %swap3A_223 = arith.index_cast %scan3A_195 : i32 to index
        %swap3A_224 = arith.constant 64 : index
        %swap3A_225 = tpu.vector_load %arg12[%swap3A_223, %swap3A_224] {strides = array<i32>} : memref<64x128xf32, #tpu.memory_space<vmem>>, vector<1x16xf32>,
        %swap3A_226 = vector.shape_cast %swap3A_225 : vector<1x16xf32> to vector<16xf32>
        %swap3A_227 = vector.shape_cast %mul3A_222 : vector<16xf32> to vector<1x16xf32>
        tpu.vector_store %arg12[%swap3A_223, %swap3A_224], %swap3A_227 {strides = array<i32>} : memref<64x128xf32, #tpu.memory_space<vmem>>, vector<1x16xf32>,
        %get3A_228 = arith.index_cast %scan3A_195 : i32 to index
        %get3A_229 = arith.constant 16 : index
        %get3A_230 = tpu.vector_load %arg10[%get3A_228, %get3A_229] {strides = array<i32>} : memref<64x128xf32, #tpu.memory_space<vmem>>, vector<1x16xf32>,
        %get3A_231 = vector.shape_cast %get3A_230 : vector<1x16xf32> to vector<16xf32>
        %get3A_232 = arith.index_cast %scan3A_195 : i32 to index
        %get3A_233 = arith.constant 16 : index
        %get3A_234 = tpu.vector_load %arg11[%get3A_232, %get3A_233] {strides = array<i32>} : memref<64x128xf32, #tpu.memory_space<vmem>>, vector<1x16xf32>,
        %get3A_235 = vector.shape_cast %get3A_234 : vector<1x16xf32> to vector<16xf32>
        %add3A_236 = arith.addf %get3A_231, %get3A_235 : vector<16xf32>
        %ge3A_237 = arith.constant 0.000000e+00 : f32
        %ge3A_238 = vector.broadcast %ge3A_237 : f32 to vector<16xf32>
        %ge3A_239 = arith.cmpf oge, %add3A_236, %ge3A_238 : vector<16xf32>
        %mul3A_240 = arith.constant 2.000000e-01 : f32
        %mul3A_241 = vector.broadcast %mul3A_240 : f32 to vector<16xf32>
        %mul3A_242 = arith.mulf %mul3A_241, %add3A_236 : vector<16xf32>
        %select_n3A_243 = arith.select %ge3A_239, %add3A_236, %mul3A_242 : vector<16xi1>, vector<16xf32>
        %exp3A_244 = math.exp %select_n3A_243 : vector<16xf32>
        %swap3A_245 = arith.index_cast %scan3A_195 : i32 to index
        %swap3A_246 = arith.constant 16 : index
        %swap3A_247 = tpu.vector_load %arg12[%swap3A_245, %swap3A_246] {strides = array<i32>} : memref<64x128xf32, #tpu.memory_space<vmem>>, vector<1x16xf32>,
        %swap3A_248 = vector.shape_cast %swap3A_247 : vector<1x16xf32> to vector<16xf32>
        %swap3A_249 = vector.shape_cast %exp3A_244 : vector<16xf32> to vector<1x16xf32>
        tpu.vector_store %arg12[%swap3A_245, %swap3A_246], %swap3A_249 {strides = array<i32>} : memref<64x128xf32, #tpu.memory_space<vmem>>, vector<1x16xf32>,
        %get3A_250 = arith.index_cast %scan3A_195 : i32 to index
        %get3A_251 = arith.constant 80 : index
        %get3A_252 = tpu.vector_load %arg10[%get3A_250, %get3A_251] {strides = array<i32>} : memref<64x128xf32, #tpu.memory_space<vmem>>, vector<1x16xf32>,
        %get3A_253 = vector.shape_cast %get3A_252 : vector<1x16xf32> to vector<16xf32>
        %mul3A_254 = arith.mulf %exp3A_244, %get3A_253 : vector<16xf32>
        %swap3A_255 = arith.index_cast %scan3A_195 : i32 to index
        %swap3A_256 = arith.constant 80 : index
        %swap3A_257 = tpu.vector_load %arg12[%swap3A_255, %swap3A_256] {strides = array<i32>} : memref<64x128xf32, #tpu.memory_space<vmem>>, vector<1x16xf32>,
        %swap3A_258 = vector.shape_cast %swap3A_257 : vector<1x16xf32> to vector<16xf32>
        %swap3A_259 = vector.shape_cast %mul3A_254 : vector<16xf32> to vector<1x16xf32>
        tpu.vector_store %arg12[%swap3A_255, %swap3A_256], %swap3A_259 {strides = array<i32>} : memref<64x128xf32, #tpu.memory_space<vmem>>, vector<1x16xf32>,
        %get3A_260 = arith.index_cast %scan3A_195 : i32 to index
        %get3A_261 = arith.constant 32 : index
        %get3A_262 = tpu.vector_load %arg10[%get3A_260, %get3A_261] {strides = array<i32>} : memref<64x128xf32, #tpu.memory_space<vmem>>, vector<1x16xf32>,
        %get3A_263 = vector.shape_cast %get3A_262 : vector<1x16xf32> to vector<16xf32>
        %get3A_264 = arith.index_cast %scan3A_195 : i32 to index
        %get3A_265 = arith.constant 32 : index
        %get3A_266 = tpu.vector_load %arg11[%get3A_264, %get3A_265] {strides = array<i32>} : memref<64x128xf32, #tpu.memory_space<vmem>>, vector<1x16xf32>,
        %get3A_267 = vector.shape_cast %get3A_266 : vector<1x16xf32> to vector<16xf32>
        %add3A_268 = arith.addf %get3A_263, %get3A_267 : vector<16xf32>
        %ge3A_269 = arith.constant 0.000000e+00 : f32
        %ge3A_270 = vector.broadcast %ge3A_269 : f32 to vector<16xf32>
        %ge3A_271 = arith.cmpf oge, %add3A_268, %ge3A_270 : vector<16xf32>
        %mul3A_272 = arith.constant 2.000000e-01 : f32
        %mul3A_273 = vector.broadcast %mul3A_272 : f32 to vector<16xf32>
        %mul3A_274 = arith.mulf %mul3A_273, %add3A_268 : vector<16xf32>
        %select_n3A_275 = arith.select %ge3A_271, %add3A_268, %mul3A_274 : vector<16xi1>, vector<16xf32>
        %exp3A_276 = math.exp %select_n3A_275 : vector<16xf32>
        %swap3A_277 = arith.index_cast %scan3A_195 : i32 to index
        %swap3A_278 = arith.constant 32 : index
        %swap3A_279 = tpu.vector_load %arg12[%swap3A_277, %swap3A_278] {strides = array<i32>} : memref<64x128xf32, #tpu.memory_space<vmem>>, vector<1x16xf32>,
        %swap3A_280 = vector.shape_cast %swap3A_279 : vector<1x16xf32> to vector<16xf32>
        %swap3A_281 = vector.shape_cast %exp3A_276 : vector<16xf32> to vector<1x16xf32>
        tpu.vector_store %arg12[%swap3A_277, %swap3A_278], %swap3A_281 {strides = array<i32>} : memref<64x128xf32, #tpu.memory_space<vmem>>, vector<1x16xf32>,
        %get3A_282 = arith.index_cast %scan3A_195 : i32 to index
        %get3A_283 = arith.constant 96 : index
        %get3A_284 = tpu.vector_load %arg10[%get3A_282, %get3A_283] {strides = array<i32>} : memref<64x128xf32, #tpu.memory_space<vmem>>, vector<1x16xf32>,
        %get3A_285 = vector.shape_cast %get3A_284 : vector<1x16xf32> to vector<16xf32>
        %mul3A_286 = arith.mulf %exp3A_276, %get3A_285 : vector<16xf32>
        %swap3A_287 = arith.index_cast %scan3A_195 : i32 to index
        %swap3A_288 = arith.constant 96 : index
        %swap3A_289 = tpu.vector_load %arg12[%swap3A_287, %swap3A_288] {strides = array<i32>} : memref<64x128xf32, #tpu.memory_space<vmem>>, vector<1x16xf32>,
        %swap3A_290 = vector.shape_cast %swap3A_289 : vector<1x16xf32> to vector<16xf32>
        %swap3A_291 = vector.shape_cast %mul3A_286 : vector<16xf32> to vector<1x16xf32>
        tpu.vector_store %arg12[%swap3A_287, %swap3A_288], %swap3A_291 {strides = array<i32>} : memref<64x128xf32, #tpu.memory_space<vmem>>, vector<1x16xf32>,
        %get3A_292 = arith.index_cast %scan3A_195 : i32 to index
        %get3A_293 = arith.constant 48 : index
        %get3A_294 = tpu.vector_load %arg10[%get3A_292, %get3A_293] {strides = array<i32>} : memref<64x128xf32, #tpu.memory_space<vmem>>, vector<1x16xf32>,
        %get3A_295 = vector.shape_cast %get3A_294 : vector<1x16xf32> to vector<16xf32>
        %get3A_296 = arith.index_cast %scan3A_195 : i32 to index
        %get3A_297 = arith.constant 48 : index
        %get3A_298 = tpu.vector_load %arg11[%get3A_296, %get3A_297] {strides = array<i32>} : memref<64x128xf32, #tpu.memory_space<vmem>>, vector<1x16xf32>,
        %get3A_299 = vector.shape_cast %get3A_298 : vector<1x16xf32> to vector<16xf32>
        %add3A_300 = arith.addf %get3A_295, %get3A_299 : vector<16xf32>
        %ge3A_301 = arith.constant 0.000000e+00 : f32
        %ge3A_302 = vector.broadcast %ge3A_301 : f32 to vector<16xf32>
        %ge3A_303 = arith.cmpf oge, %add3A_300, %ge3A_302 : vector<16xf32>
        %mul3A_304 = arith.constant 2.000000e-01 : f32
        %mul3A_305 = vector.broadcast %mul3A_304 : f32 to vector<16xf32>
        %mul3A_306 = arith.mulf %mul3A_305, %add3A_300 : vector<16xf32>
        %select_n3A_307 = arith.select %ge3A_303, %add3A_300, %mul3A_306 : vector<16xi1>, vector<16xf32>
        %exp3A_308 = math.exp %select_n3A_307 : vector<16xf32>
        %swap3A_309 = arith.index_cast %scan3A_195 : i32 to index
        %swap3A_310 = arith.constant 48 : index
        %swap3A_311 = tpu.vector_load %arg12[%swap3A_309, %swap3A_310] {strides = array<i32>} : memref<64x128xf32, #tpu.memory_space<vmem>>, vector<1x16xf32>,
        %swap3A_312 = vector.shape_cast %swap3A_311 : vector<1x16xf32> to vector<16xf32>
        %swap3A_313 = vector.shape_cast %exp3A_308 : vector<16xf32> to vector<1x16xf32>
        tpu.vector_store %arg12[%swap3A_309, %swap3A_310], %swap3A_313 {strides = array<i32>} : memref<64x128xf32, #tpu.memory_space<vmem>>, vector<1x16xf32>,
        %get3A_314 = arith.index_cast %scan3A_195 : i32 to index
        %get3A_315 = arith.constant 112 : index
        %get3A_316 = tpu.vector_load %arg10[%get3A_314, %get3A_315] {strides = array<i32>} : memref<64x128xf32, #tpu.memory_space<vmem>>, vector<1x16xf32>,
        %get3A_317 = vector.shape_cast %get3A_316 : vector<1x16xf32> to vector<16xf32>
        %mul3A_318 = arith.mulf %exp3A_308, %get3A_317 : vector<16xf32>
        %swap3A_319 = arith.index_cast %scan3A_195 : i32 to index
        %swap3A_320 = arith.constant 112 : index
        %swap3A_321 = tpu.vector_load %arg12[%swap3A_319, %swap3A_320] {strides = array<i32>} : memref<64x128xf32, #tpu.memory_space<vmem>>, vector<1x16xf32>,
        %swap3A_322 = vector.shape_cast %swap3A_321 : vector<1x16xf32> to vector<16xf32>
        %swap3A_323 = vector.shape_cast %mul3A_318 : vector<16xf32> to vector<1x16xf32>
        tpu.vector_store %arg12[%swap3A_319, %swap3A_320], %swap3A_323 {strides = array<i32>} : memref<64x128xf32, #tpu.memory_space<vmem>>, vector<1x16xf32>,
        %scan3A_324 = arith.constant 0 : i32
        scf.yield %scan3A_324 : i32
      }
      %scan3A_42 = arith.constant 64 : i32
      "tpu.region"() ({
        %run_scoped3A = tpu.sem_alloc : memref<!tpu.dma_semaphore, #tpu.memory_space<semaphore_mem>>
        %dma_start3A_68 = arith.constant 0 : i32
        %dma_start3A_69 = arith.constant 0 : i32
        %dma_start3A_70 = tpu.memref_slice %arg18[%dma_start3A_68, %dma_start3A_69] : memref<10112x128xf32, #tpu.memory_space<vmem_shared>> -> memref<10112x128xf32, #tpu.memory_space<vmem_shared>>
        tpu.enqueue_indirect_dma source(%arg12 : memref<64x128xf32, #tpu.memory_space<vmem>>) target(%dma_start3A_70 : memref<10112x128xf32, #tpu.memory_space<vmem_shared>>) offsets(%arg9 : memref<64xi32, #tpu.memory_space<vmem>>) semaphore(%run_scoped3A : memref<!tpu.dma_semaphore, #tpu.memory_space<semaphore_mem>>) {add = true}
        %dma_wait3A_71 = arith.constant 0 : i32
        %dma_wait3A_72 = arith.constant 0 : i32
        %dma_wait3A_73 = tpu.memref_slice %arg18[%dma_wait3A_71, %dma_wait3A_72] : memref<10112x128xf32, #tpu.memory_space<vmem_shared>> -> memref<10112x128xf32, #tpu.memory_space<vmem_shared>>
        tpu.wait_indirect_dma semaphore(%run_scoped3A : memref<!tpu.dma_semaphore, #tpu.memory_space<semaphore_mem>>) src(%arg12 : memref<64x128xf32, #tpu.memory_space<vmem>>) dst(%dma_wait3A_73 : memref<10112x128xf32, #tpu.memory_space<vmem_shared>>)
        tpu.yield
      }) : () -> ()
      %mul3A_43 = arith.constant 2 : i32
      %mul3A_44 = arith.muli %mul3A_43, %scan3A_21 : i32
      %add3A_45 = arith.constant 1 : i32
      %add3A_46 = arith.addi %mul3A_44, %add3A_45 : i32
      %dma_wait3A_47 = arith.constant 0 : i32
      %dma_wait3A_48 = arith.constant 0 : i32
      %dma_wait3A_49 = tpu.memref_slice %arg2[%dma_wait3A_47, %dma_wait3A_48] : memref<10240x128xf32, #tpu.memory_space<hbm>> -> memref<10240x128xf32, #tpu.memory_space<hbm>>
      tpu.wait_indirect_dma semaphore(%arg21 : memref<!tpu.dma_semaphore, #tpu.memory_space<semaphore_mem>>) src(%dma_wait3A_49 : memref<10240x128xf32, #tpu.memory_space<hbm>>) dst(%arg15 : memref<64x128xf32, #tpu.memory_space<vmem>>)
      %dma_wait3A_50 = arith.constant 0 : i32
      %dma_wait3A_51 = arith.constant 0 : i32
      %dma_wait3A_52 = tpu.memref_slice %arg3[%dma_wait3A_50, %dma_wait3A_51] : memref<10240x128xf32, #tpu.memory_space<hbm>> -> memref<10240x128xf32, #tpu.memory_space<hbm>>
      tpu.wait_indirect_dma semaphore(%arg22 : memref<!tpu.dma_semaphore, #tpu.memory_space<semaphore_mem>>) src(%dma_wait3A_52 : memref<10240x128xf32, #tpu.memory_space<hbm>>) dst(%arg16 : memref<64x128xf32, #tpu.memory_space<vmem>>)
      %add3A_53 = arith.constant 1 : i32
      %add3A_54 = arith.addi %add3A_46, %add3A_53 : i32
      %lt3A_55 = arith.constant 162 : i32
      %lt3A_56 = arith.cmpi slt, %add3A_54, %lt3A_55 : i32
      %convert_element_type3A_57 = arith.extui %lt3A_56 : i1 to i32
      %cond3A_58 = arith.constant 0 : i32
      %cond3A_59 = arith.cmpi ne, %convert_element_type3A_57, %cond3A_58 : i32
      scf.if %cond3A_59 {
        %add3A_68 = arith.constant 1 : i32
        %add3A_69 = arith.addi %add3A_46, %add3A_68 : i32
        %mul3A_70 = arith.constant 162 : i32
        %mul3A_71 = arith.muli %add3A, %mul3A_70 : i32
        %add3A_72 = arith.addi %mul3A_71, %add3A_69 : i32
        %mul3A_73 = arith.constant 64 : i32
        %mul3A_74 = arith.muli %add3A_72, %mul3A_73 : i32
        "tpu.region"() ({
          %run_scoped3A = tpu.sem_alloc : memref<!tpu.dma_semaphore, #tpu.memory_space<semaphore_mem>>
          %dma_start3A_81 = tpu.memref_slice %arg4[%mul3A_74] : memref<331776xi32, #tpu.memory_space<hbm>> -> memref<64xi32, #tpu.memory_space<hbm>>
          %dma_start3A_82 = tpu.memref_slice %arg4[%mul3A_74] : memref<331776xi32, #tpu.memory_space<hbm>> -> memref<64xi32, #tpu.memory_space<hbm>>
          tpu.enqueue_dma source(%dma_start3A_82 : memref<64xi32, #tpu.memory_space<hbm>>) target(%arg8 : memref<64xi32, #tpu.memory_space<vmem>>) target_semaphore(%run_scoped3A : memref<!tpu.dma_semaphore, #tpu.memory_space<semaphore_mem>>)
          %dma_wait3A_83 = tpu.memref_slice %arg4[%mul3A_74] : memref<331776xi32, #tpu.memory_space<hbm>> -> memref<64xi32, #tpu.memory_space<hbm>>
          %dma_wait3A_84 = tpu.memref_slice %arg4[%mul3A_74] : memref<331776xi32, #tpu.memory_space<hbm>> -> memref<64xi32, #tpu.memory_space<hbm>>
          tpu.wait_dma2 semaphore(%run_scoped3A : memref<!tpu.dma_semaphore, #tpu.memory_space<semaphore_mem>>) src(%dma_wait3A_84 : memref<64xi32, #tpu.memory_space<hbm>>) dst(%arg8 : memref<64xi32, #tpu.memory_space<vmem>>)
          tpu.yield
        }) : () -> ()
        "tpu.region"() ({
          %run_scoped3A = tpu.sem_alloc : memref<!tpu.dma_semaphore, #tpu.memory_space<semaphore_mem>>
          %dma_start3A_81 = tpu.memref_slice %arg5[%mul3A_74] : memref<331776xi32, #tpu.memory_space<hbm>> -> memref<64xi32, #tpu.memory_space<hbm>>
          %dma_start3A_82 = tpu.memref_slice %arg5[%mul3A_74] : memref<331776xi32, #tpu.memory_space<hbm>> -> memref<64xi32, #tpu.memory_space<hbm>>
          tpu.enqueue_dma source(%dma_start3A_82 : memref<64xi32, #tpu.memory_space<hbm>>) target(%arg9 : memref<64xi32, #tpu.memory_space<vmem>>) target_semaphore(%run_scoped3A : memref<!tpu.dma_semaphore, #tpu.memory_space<semaphore_mem>>)
          %dma_wait3A_83 = tpu.memref_slice %arg5[%mul3A_74] : memref<331776xi32, #tpu.memory_space<hbm>> -> memref<64xi32, #tpu.memory_space<hbm>>
          %dma_wait3A_84 = tpu.memref_slice %arg5[%mul3A_74] : memref<331776xi32, #tpu.memory_space<hbm>> -> memref<64xi32, #tpu.memory_space<hbm>>
          tpu.wait_dma2 semaphore(%run_scoped3A : memref<!tpu.dma_semaphore, #tpu.memory_space<semaphore_mem>>) src(%dma_wait3A_84 : memref<64xi32, #tpu.memory_space<hbm>>) dst(%arg9 : memref<64xi32, #tpu.memory_space<vmem>>)
          tpu.yield
        }) : () -> ()
        %dma_start3A_75 = arith.constant 0 : i32
        %dma_start3A_76 = arith.constant 0 : i32
        %dma_start3A_77 = tpu.memref_slice %arg2[%dma_start3A_75, %dma_start3A_76] : memref<10240x128xf32, #tpu.memory_space<hbm>> -> memref<10240x128xf32, #tpu.memory_space<hbm>>
        tpu.enqueue_indirect_dma source(%dma_start3A_77 : memref<10240x128xf32, #tpu.memory_space<hbm>>) target(%arg10 : memref<64x128xf32, #tpu.memory_space<vmem>>) offsets(%arg8 : memref<64xi32, #tpu.memory_space<vmem>>) semaphore(%arg19 : memref<!tpu.dma_semaphore, #tpu.memory_space<semaphore_mem>>)
        %dma_start3A_78 = arith.constant 0 : i32
        %dma_start3A_79 = arith.constant 0 : i32
        %dma_start3A_80 = tpu.memref_slice %arg3[%dma_start3A_78, %dma_start3A_79] : memref<10240x128xf32, #tpu.memory_space<hbm>> -> memref<10240x128xf32, #tpu.memory_space<hbm>>
        tpu.enqueue_indirect_dma source(%dma_start3A_80 : memref<10240x128xf32, #tpu.memory_space<hbm>>) target(%arg11 : memref<64x128xf32, #tpu.memory_space<vmem>>) offsets(%arg9 : memref<64xi32, #tpu.memory_space<vmem>>) semaphore(%arg20 : memref<!tpu.dma_semaphore, #tpu.memory_space<semaphore_mem>>)
      } else {
      }
      %scan3A_60 = arith.constant 0 : i32
      %scan3A_61 = arith.constant 0 : i32
      %scan3A_62 = arith.constant 64 : i32
      %scan3A_63 = arith.addi %scan3A_61, %scan3A_62 : i32
      %scan3A_64 = arith.constant 2 : i32
      %scan3A_65 = scf.for %scan3A_68 = %scan3A_61 to %scan3A_63 step %scan3A_64 iter_args(%scan3A_69 = %scan3A_60) -> (i32)  : i32 {
        %get3A = arith.index_cast %scan3A_68 : i32 to index
        %get3A_70 = arith.constant 0 : index
        %get3A_71 = tpu.vector_load %arg15[%get3A, %get3A_70] {strides = array<i32>} : memref<64x128xf32, #tpu.memory_space<vmem>>, vector<1x16xf32>,
        %get3A_72 = vector.shape_cast %get3A_71 : vector<1x16xf32> to vector<16xf32>
        %get3A_73 = arith.index_cast %scan3A_68 : i32 to index
        %get3A_74 = arith.constant 0 : index
        %get3A_75 = tpu.vector_load %arg16[%get3A_73, %get3A_74] {strides = array<i32>} : memref<64x128xf32, #tpu.memory_space<vmem>>, vector<1x16xf32>,
        %get3A_76 = vector.shape_cast %get3A_75 : vector<1x16xf32> to vector<16xf32>
        %add3A_77 = arith.addf %get3A_72, %get3A_76 : vector<16xf32>
        %ge3A = arith.constant 0.000000e+00 : f32
        %ge3A_78 = vector.broadcast %ge3A : f32 to vector<16xf32>
        %ge3A_79 = arith.cmpf oge, %add3A_77, %ge3A_78 : vector<16xf32>
        %mul3A_80 = arith.constant 2.000000e-01 : f32
        %mul3A_81 = vector.broadcast %mul3A_80 : f32 to vector<16xf32>
        %mul3A_82 = arith.mulf %mul3A_81, %add3A_77 : vector<16xf32>
        %select_n3A = arith.select %ge3A_79, %add3A_77, %mul3A_82 : vector<16xi1>, vector<16xf32>
        %exp3A = math.exp %select_n3A : vector<16xf32>
        %swap3A = arith.index_cast %scan3A_68 : i32 to index
        %swap3A_83 = arith.constant 0 : index
        %swap3A_84 = tpu.vector_load %arg17[%swap3A, %swap3A_83] {strides = array<i32>} : memref<64x128xf32, #tpu.memory_space<vmem>>, vector<1x16xf32>,
        %swap3A_85 = vector.shape_cast %swap3A_84 : vector<1x16xf32> to vector<16xf32>
        %swap3A_86 = vector.shape_cast %exp3A : vector<16xf32> to vector<1x16xf32>
        tpu.vector_store %arg17[%swap3A, %swap3A_83], %swap3A_86 {strides = array<i32>} : memref<64x128xf32, #tpu.memory_space<vmem>>, vector<1x16xf32>,
        %get3A_87 = arith.index_cast %scan3A_68 : i32 to index
        %get3A_88 = arith.constant 64 : index
        %get3A_89 = tpu.vector_load %arg15[%get3A_87, %get3A_88] {strides = array<i32>} : memref<64x128xf32, #tpu.memory_space<vmem>>, vector<1x16xf32>,
        %get3A_90 = vector.shape_cast %get3A_89 : vector<1x16xf32> to vector<16xf32>
        %mul3A_91 = arith.mulf %exp3A, %get3A_90 : vector<16xf32>
        %swap3A_92 = arith.index_cast %scan3A_68 : i32 to index
        %swap3A_93 = arith.constant 64 : index
        %swap3A_94 = tpu.vector_load %arg17[%swap3A_92, %swap3A_93] {strides = array<i32>} : memref<64x128xf32, #tpu.memory_space<vmem>>, vector<1x16xf32>,
        %swap3A_95 = vector.shape_cast %swap3A_94 : vector<1x16xf32> to vector<16xf32>
        %swap3A_96 = vector.shape_cast %mul3A_91 : vector<16xf32> to vector<1x16xf32>
        tpu.vector_store %arg17[%swap3A_92, %swap3A_93], %swap3A_96 {strides = array<i32>} : memref<64x128xf32, #tpu.memory_space<vmem>>, vector<1x16xf32>,
        %get3A_97 = arith.index_cast %scan3A_68 : i32 to index
        %get3A_98 = arith.constant 16 : index
        %get3A_99 = tpu.vector_load %arg15[%get3A_97, %get3A_98] {strides = array<i32>} : memref<64x128xf32, #tpu.memory_space<vmem>>, vector<1x16xf32>,
        %get3A_100 = vector.shape_cast %get3A_99 : vector<1x16xf32> to vector<16xf32>
        %get3A_101 = arith.index_cast %scan3A_68 : i32 to index
        %get3A_102 = arith.constant 16 : index
        %get3A_103 = tpu.vector_load %arg16[%get3A_101, %get3A_102] {strides = array<i32>} : memref<64x128xf32, #tpu.memory_space<vmem>>, vector<1x16xf32>,
        %get3A_104 = vector.shape_cast %get3A_103 : vector<1x16xf32> to vector<16xf32>
        %add3A_105 = arith.addf %get3A_100, %get3A_104 : vector<16xf32>
        %ge3A_106 = arith.constant 0.000000e+00 : f32
        %ge3A_107 = vector.broadcast %ge3A_106 : f32 to vector<16xf32>
        %ge3A_108 = arith.cmpf oge, %add3A_105, %ge3A_107 : vector<16xf32>
        %mul3A_109 = arith.constant 2.000000e-01 : f32
        %mul3A_110 = vector.broadcast %mul3A_109 : f32 to vector<16xf32>
        %mul3A_111 = arith.mulf %mul3A_110, %add3A_105 : vector<16xf32>
        %select_n3A_112 = arith.select %ge3A_108, %add3A_105, %mul3A_111 : vector<16xi1>, vector<16xf32>
        %exp3A_113 = math.exp %select_n3A_112 : vector<16xf32>
        %swap3A_114 = arith.index_cast %scan3A_68 : i32 to index
        %swap3A_115 = arith.constant 16 : index
        %swap3A_116 = tpu.vector_load %arg17[%swap3A_114, %swap3A_115] {strides = array<i32>} : memref<64x128xf32, #tpu.memory_space<vmem>>, vector<1x16xf32>,
        %swap3A_117 = vector.shape_cast %swap3A_116 : vector<1x16xf32> to vector<16xf32>
        %swap3A_118 = vector.shape_cast %exp3A_113 : vector<16xf32> to vector<1x16xf32>
        tpu.vector_store %arg17[%swap3A_114, %swap3A_115], %swap3A_118 {strides = array<i32>} : memref<64x128xf32, #tpu.memory_space<vmem>>, vector<1x16xf32>,
        %get3A_119 = arith.index_cast %scan3A_68 : i32 to index
        %get3A_120 = arith.constant 80 : index
        %get3A_121 = tpu.vector_load %arg15[%get3A_119, %get3A_120] {strides = array<i32>} : memref<64x128xf32, #tpu.memory_space<vmem>>, vector<1x16xf32>,
        %get3A_122 = vector.shape_cast %get3A_121 : vector<1x16xf32> to vector<16xf32>
        %mul3A_123 = arith.mulf %exp3A_113, %get3A_122 : vector<16xf32>
        %swap3A_124 = arith.index_cast %scan3A_68 : i32 to index
        %swap3A_125 = arith.constant 80 : index
        %swap3A_126 = tpu.vector_load %arg17[%swap3A_124, %swap3A_125] {strides = array<i32>} : memref<64x128xf32, #tpu.memory_space<vmem>>, vector<1x16xf32>,
        %swap3A_127 = vector.shape_cast %swap3A_126 : vector<1x16xf32> to vector<16xf32>
        %swap3A_128 = vector.shape_cast %mul3A_123 : vector<16xf32> to vector<1x16xf32>
        tpu.vector_store %arg17[%swap3A_124, %swap3A_125], %swap3A_128 {strides = array<i32>} : memref<64x128xf32, #tpu.memory_space<vmem>>, vector<1x16xf32>,
        %get3A_129 = arith.index_cast %scan3A_68 : i32 to index
        %get3A_130 = arith.constant 32 : index
        %get3A_131 = tpu.vector_load %arg15[%get3A_129, %get3A_130] {strides = array<i32>} : memref<64x128xf32, #tpu.memory_space<vmem>>, vector<1x16xf32>,
        %get3A_132 = vector.shape_cast %get3A_131 : vector<1x16xf32> to vector<16xf32>
        %get3A_133 = arith.index_cast %scan3A_68 : i32 to index
        %get3A_134 = arith.constant 32 : index
        %get3A_135 = tpu.vector_load %arg16[%get3A_133, %get3A_134] {strides = array<i32>} : memref<64x128xf32, #tpu.memory_space<vmem>>, vector<1x16xf32>,
        %get3A_136 = vector.shape_cast %get3A_135 : vector<1x16xf32> to vector<16xf32>
        %add3A_137 = arith.addf %get3A_132, %get3A_136 : vector<16xf32>
        %ge3A_138 = arith.constant 0.000000e+00 : f32
        %ge3A_139 = vector.broadcast %ge3A_138 : f32 to vector<16xf32>
        %ge3A_140 = arith.cmpf oge, %add3A_137, %ge3A_139 : vector<16xf32>
        %mul3A_141 = arith.constant 2.000000e-01 : f32
        %mul3A_142 = vector.broadcast %mul3A_141 : f32 to vector<16xf32>
        %mul3A_143 = arith.mulf %mul3A_142, %add3A_137 : vector<16xf32>
        %select_n3A_144 = arith.select %ge3A_140, %add3A_137, %mul3A_143 : vector<16xi1>, vector<16xf32>
        %exp3A_145 = math.exp %select_n3A_144 : vector<16xf32>
        %swap3A_146 = arith.index_cast %scan3A_68 : i32 to index
        %swap3A_147 = arith.constant 32 : index
        %swap3A_148 = tpu.vector_load %arg17[%swap3A_146, %swap3A_147] {strides = array<i32>} : memref<64x128xf32, #tpu.memory_space<vmem>>, vector<1x16xf32>,
        %swap3A_149 = vector.shape_cast %swap3A_148 : vector<1x16xf32> to vector<16xf32>
        %swap3A_150 = vector.shape_cast %exp3A_145 : vector<16xf32> to vector<1x16xf32>
        tpu.vector_store %arg17[%swap3A_146, %swap3A_147], %swap3A_150 {strides = array<i32>} : memref<64x128xf32, #tpu.memory_space<vmem>>, vector<1x16xf32>,
        %get3A_151 = arith.index_cast %scan3A_68 : i32 to index
        %get3A_152 = arith.constant 96 : index
        %get3A_153 = tpu.vector_load %arg15[%get3A_151, %get3A_152] {strides = array<i32>} : memref<64x128xf32, #tpu.memory_space<vmem>>, vector<1x16xf32>,
        %get3A_154 = vector.shape_cast %get3A_153 : vector<1x16xf32> to vector<16xf32>
        %mul3A_155 = arith.mulf %exp3A_145, %get3A_154 : vector<16xf32>
        %swap3A_156 = arith.index_cast %scan3A_68 : i32 to index
        %swap3A_157 = arith.constant 96 : index
        %swap3A_158 = tpu.vector_load %arg17[%swap3A_156, %swap3A_157] {strides = array<i32>} : memref<64x128xf32, #tpu.memory_space<vmem>>, vector<1x16xf32>,
        %swap3A_159 = vector.shape_cast %swap3A_158 : vector<1x16xf32> to vector<16xf32>
        %swap3A_160 = vector.shape_cast %mul3A_155 : vector<16xf32> to vector<1x16xf32>
        tpu.vector_store %arg17[%swap3A_156, %swap3A_157], %swap3A_160 {strides = array<i32>} : memref<64x128xf32, #tpu.memory_space<vmem>>, vector<1x16xf32>,
        %get3A_161 = arith.index_cast %scan3A_68 : i32 to index
        %get3A_162 = arith.constant 48 : index
        %get3A_163 = tpu.vector_load %arg15[%get3A_161, %get3A_162] {strides = array<i32>} : memref<64x128xf32, #tpu.memory_space<vmem>>, vector<1x16xf32>,
        %get3A_164 = vector.shape_cast %get3A_163 : vector<1x16xf32> to vector<16xf32>
        %get3A_165 = arith.index_cast %scan3A_68 : i32 to index
        %get3A_166 = arith.constant 48 : index
        %get3A_167 = tpu.vector_load %arg16[%get3A_165, %get3A_166] {strides = array<i32>} : memref<64x128xf32, #tpu.memory_space<vmem>>, vector<1x16xf32>,
        %get3A_168 = vector.shape_cast %get3A_167 : vector<1x16xf32> to vector<16xf32>
        %add3A_169 = arith.addf %get3A_164, %get3A_168 : vector<16xf32>
        %ge3A_170 = arith.constant 0.000000e+00 : f32
        %ge3A_171 = vector.broadcast %ge3A_170 : f32 to vector<16xf32>
        %ge3A_172 = arith.cmpf oge, %add3A_169, %ge3A_171 : vector<16xf32>
        %mul3A_173 = arith.constant 2.000000e-01 : f32
        %mul3A_174 = vector.broadcast %mul3A_173 : f32 to vector<16xf32>
        %mul3A_175 = arith.mulf %mul3A_174, %add3A_169 : vector<16xf32>
        %select_n3A_176 = arith.select %ge3A_172, %add3A_169, %mul3A_175 : vector<16xi1>, vector<16xf32>
        %exp3A_177 = math.exp %select_n3A_176 : vector<16xf32>
        %swap3A_178 = arith.index_cast %scan3A_68 : i32 to index
        %swap3A_179 = arith.constant 48 : index
        %swap3A_180 = tpu.vector_load %arg17[%swap3A_178, %swap3A_179] {strides = array<i32>} : memref<64x128xf32, #tpu.memory_space<vmem>>, vector<1x16xf32>,
        %swap3A_181 = vector.shape_cast %swap3A_180 : vector<1x16xf32> to vector<16xf32>
        %swap3A_182 = vector.shape_cast %exp3A_177 : vector<16xf32> to vector<1x16xf32>
        tpu.vector_store %arg17[%swap3A_178, %swap3A_179], %swap3A_182 {strides = array<i32>} : memref<64x128xf32, #tpu.memory_space<vmem>>, vector<1x16xf32>,
        %get3A_183 = arith.index_cast %scan3A_68 : i32 to index
        %get3A_184 = arith.constant 112 : index
        %get3A_185 = tpu.vector_load %arg15[%get3A_183, %get3A_184] {strides = array<i32>} : memref<64x128xf32, #tpu.memory_space<vmem>>, vector<1x16xf32>,
        %get3A_186 = vector.shape_cast %get3A_185 : vector<1x16xf32> to vector<16xf32>
        %mul3A_187 = arith.mulf %exp3A_177, %get3A_186 : vector<16xf32>
        %swap3A_188 = arith.index_cast %scan3A_68 : i32 to index
        %swap3A_189 = arith.constant 112 : index
        %swap3A_190 = tpu.vector_load %arg17[%swap3A_188, %swap3A_189] {strides = array<i32>} : memref<64x128xf32, #tpu.memory_space<vmem>>, vector<1x16xf32>,
        %swap3A_191 = vector.shape_cast %swap3A_190 : vector<1x16xf32> to vector<16xf32>
        %swap3A_192 = vector.shape_cast %mul3A_187 : vector<16xf32> to vector<1x16xf32>
        tpu.vector_store %arg17[%swap3A_188, %swap3A_189], %swap3A_192 {strides = array<i32>} : memref<64x128xf32, #tpu.memory_space<vmem>>, vector<1x16xf32>,
        %scan3A_193 = arith.constant 0 : i32
        %scan3A_194 = arith.constant 1 : i32
        %scan3A_195 = arith.addi %scan3A_68, %scan3A_194 : i32
        %get3A_196 = arith.index_cast %scan3A_195 : i32 to index
        %get3A_197 = arith.constant 0 : index
        %get3A_198 = tpu.vector_load %arg15[%get3A_196, %get3A_197] {strides = array<i32>} : memref<64x128xf32, #tpu.memory_space<vmem>>, vector<1x16xf32>,
        %get3A_199 = vector.shape_cast %get3A_198 : vector<1x16xf32> to vector<16xf32>
        %get3A_200 = arith.index_cast %scan3A_195 : i32 to index
        %get3A_201 = arith.constant 0 : index
        %get3A_202 = tpu.vector_load %arg16[%get3A_200, %get3A_201] {strides = array<i32>} : memref<64x128xf32, #tpu.memory_space<vmem>>, vector<1x16xf32>,
        %get3A_203 = vector.shape_cast %get3A_202 : vector<1x16xf32> to vector<16xf32>
        %add3A_204 = arith.addf %get3A_199, %get3A_203 : vector<16xf32>
        %ge3A_205 = arith.constant 0.000000e+00 : f32
        %ge3A_206 = vector.broadcast %ge3A_205 : f32 to vector<16xf32>
        %ge3A_207 = arith.cmpf oge, %add3A_204, %ge3A_206 : vector<16xf32>
        %mul3A_208 = arith.constant 2.000000e-01 : f32
        %mul3A_209 = vector.broadcast %mul3A_208 : f32 to vector<16xf32>
        %mul3A_210 = arith.mulf %mul3A_209, %add3A_204 : vector<16xf32>
        %select_n3A_211 = arith.select %ge3A_207, %add3A_204, %mul3A_210 : vector<16xi1>, vector<16xf32>
        %exp3A_212 = math.exp %select_n3A_211 : vector<16xf32>
        %swap3A_213 = arith.index_cast %scan3A_195 : i32 to index
        %swap3A_214 = arith.constant 0 : index
        %swap3A_215 = tpu.vector_load %arg17[%swap3A_213, %swap3A_214] {strides = array<i32>} : memref<64x128xf32, #tpu.memory_space<vmem>>, vector<1x16xf32>,
        %swap3A_216 = vector.shape_cast %swap3A_215 : vector<1x16xf32> to vector<16xf32>
        %swap3A_217 = vector.shape_cast %exp3A_212 : vector<16xf32> to vector<1x16xf32>
        tpu.vector_store %arg17[%swap3A_213, %swap3A_214], %swap3A_217 {strides = array<i32>} : memref<64x128xf32, #tpu.memory_space<vmem>>, vector<1x16xf32>,
        %get3A_218 = arith.index_cast %scan3A_195 : i32 to index
        %get3A_219 = arith.constant 64 : index
        %get3A_220 = tpu.vector_load %arg15[%get3A_218, %get3A_219] {strides = array<i32>} : memref<64x128xf32, #tpu.memory_space<vmem>>, vector<1x16xf32>,
        %get3A_221 = vector.shape_cast %get3A_220 : vector<1x16xf32> to vector<16xf32>
        %mul3A_222 = arith.mulf %exp3A_212, %get3A_221 : vector<16xf32>
        %swap3A_223 = arith.index_cast %scan3A_195 : i32 to index
        %swap3A_224 = arith.constant 64 : index
        %swap3A_225 = tpu.vector_load %arg17[%swap3A_223, %swap3A_224] {strides = array<i32>} : memref<64x128xf32, #tpu.memory_space<vmem>>, vector<1x16xf32>,
        %swap3A_226 = vector.shape_cast %swap3A_225 : vector<1x16xf32> to vector<16xf32>
        %swap3A_227 = vector.shape_cast %mul3A_222 : vector<16xf32> to vector<1x16xf32>
        tpu.vector_store %arg17[%swap3A_223, %swap3A_224], %swap3A_227 {strides = array<i32>} : memref<64x128xf32, #tpu.memory_space<vmem>>, vector<1x16xf32>,
        %get3A_228 = arith.index_cast %scan3A_195 : i32 to index
        %get3A_229 = arith.constant 16 : index
        %get3A_230 = tpu.vector_load %arg15[%get3A_228, %get3A_229] {strides = array<i32>} : memref<64x128xf32, #tpu.memory_space<vmem>>, vector<1x16xf32>,
        %get3A_231 = vector.shape_cast %get3A_230 : vector<1x16xf32> to vector<16xf32>
        %get3A_232 = arith.index_cast %scan3A_195 : i32 to index
        %get3A_233 = arith.constant 16 : index
        %get3A_234 = tpu.vector_load %arg16[%get3A_232, %get3A_233] {strides = array<i32>} : memref<64x128xf32, #tpu.memory_space<vmem>>, vector<1x16xf32>,
        %get3A_235 = vector.shape_cast %get3A_234 : vector<1x16xf32> to vector<16xf32>
        %add3A_236 = arith.addf %get3A_231, %get3A_235 : vector<16xf32>
        %ge3A_237 = arith.constant 0.000000e+00 : f32
        %ge3A_238 = vector.broadcast %ge3A_237 : f32 to vector<16xf32>
        %ge3A_239 = arith.cmpf oge, %add3A_236, %ge3A_238 : vector<16xf32>
        %mul3A_240 = arith.constant 2.000000e-01 : f32
        %mul3A_241 = vector.broadcast %mul3A_240 : f32 to vector<16xf32>
        %mul3A_242 = arith.mulf %mul3A_241, %add3A_236 : vector<16xf32>
        %select_n3A_243 = arith.select %ge3A_239, %add3A_236, %mul3A_242 : vector<16xi1>, vector<16xf32>
        %exp3A_244 = math.exp %select_n3A_243 : vector<16xf32>
        %swap3A_245 = arith.index_cast %scan3A_195 : i32 to index
        %swap3A_246 = arith.constant 16 : index
        %swap3A_247 = tpu.vector_load %arg17[%swap3A_245, %swap3A_246] {strides = array<i32>} : memref<64x128xf32, #tpu.memory_space<vmem>>, vector<1x16xf32>,
        %swap3A_248 = vector.shape_cast %swap3A_247 : vector<1x16xf32> to vector<16xf32>
        %swap3A_249 = vector.shape_cast %exp3A_244 : vector<16xf32> to vector<1x16xf32>
        tpu.vector_store %arg17[%swap3A_245, %swap3A_246], %swap3A_249 {strides = array<i32>} : memref<64x128xf32, #tpu.memory_space<vmem>>, vector<1x16xf32>,
        %get3A_250 = arith.index_cast %scan3A_195 : i32 to index
        %get3A_251 = arith.constant 80 : index
        %get3A_252 = tpu.vector_load %arg15[%get3A_250, %get3A_251] {strides = array<i32>} : memref<64x128xf32, #tpu.memory_space<vmem>>, vector<1x16xf32>,
        %get3A_253 = vector.shape_cast %get3A_252 : vector<1x16xf32> to vector<16xf32>
        %mul3A_254 = arith.mulf %exp3A_244, %get3A_253 : vector<16xf32>
        %swap3A_255 = arith.index_cast %scan3A_195 : i32 to index
        %swap3A_256 = arith.constant 80 : index
        %swap3A_257 = tpu.vector_load %arg17[%swap3A_255, %swap3A_256] {strides = array<i32>} : memref<64x128xf32, #tpu.memory_space<vmem>>, vector<1x16xf32>,
        %swap3A_258 = vector.shape_cast %swap3A_257 : vector<1x16xf32> to vector<16xf32>
        %swap3A_259 = vector.shape_cast %mul3A_254 : vector<16xf32> to vector<1x16xf32>
        tpu.vector_store %arg17[%swap3A_255, %swap3A_256], %swap3A_259 {strides = array<i32>} : memref<64x128xf32, #tpu.memory_space<vmem>>, vector<1x16xf32>,
        %get3A_260 = arith.index_cast %scan3A_195 : i32 to index
        %get3A_261 = arith.constant 32 : index
        %get3A_262 = tpu.vector_load %arg15[%get3A_260, %get3A_261] {strides = array<i32>} : memref<64x128xf32, #tpu.memory_space<vmem>>, vector<1x16xf32>,
        %get3A_263 = vector.shape_cast %get3A_262 : vector<1x16xf32> to vector<16xf32>
        %get3A_264 = arith.index_cast %scan3A_195 : i32 to index
        %get3A_265 = arith.constant 32 : index
        %get3A_266 = tpu.vector_load %arg16[%get3A_264, %get3A_265] {strides = array<i32>} : memref<64x128xf32, #tpu.memory_space<vmem>>, vector<1x16xf32>,
        %get3A_267 = vector.shape_cast %get3A_266 : vector<1x16xf32> to vector<16xf32>
        %add3A_268 = arith.addf %get3A_263, %get3A_267 : vector<16xf32>
        %ge3A_269 = arith.constant 0.000000e+00 : f32
        %ge3A_270 = vector.broadcast %ge3A_269 : f32 to vector<16xf32>
        %ge3A_271 = arith.cmpf oge, %add3A_268, %ge3A_270 : vector<16xf32>
        %mul3A_272 = arith.constant 2.000000e-01 : f32
        %mul3A_273 = vector.broadcast %mul3A_272 : f32 to vector<16xf32>
        %mul3A_274 = arith.mulf %mul3A_273, %add3A_268 : vector<16xf32>
        %select_n3A_275 = arith.select %ge3A_271, %add3A_268, %mul3A_274 : vector<16xi1>, vector<16xf32>
        %exp3A_276 = math.exp %select_n3A_275 : vector<16xf32>
        %swap3A_277 = arith.index_cast %scan3A_195 : i32 to index
        %swap3A_278 = arith.constant 32 : index
        %swap3A_279 = tpu.vector_load %arg17[%swap3A_277, %swap3A_278] {strides = array<i32>} : memref<64x128xf32, #tpu.memory_space<vmem>>, vector<1x16xf32>,
        %swap3A_280 = vector.shape_cast %swap3A_279 : vector<1x16xf32> to vector<16xf32>
        %swap3A_281 = vector.shape_cast %exp3A_276 : vector<16xf32> to vector<1x16xf32>
        tpu.vector_store %arg17[%swap3A_277, %swap3A_278], %swap3A_281 {strides = array<i32>} : memref<64x128xf32, #tpu.memory_space<vmem>>, vector<1x16xf32>,
        %get3A_282 = arith.index_cast %scan3A_195 : i32 to index
        %get3A_283 = arith.constant 96 : index
        %get3A_284 = tpu.vector_load %arg15[%get3A_282, %get3A_283] {strides = array<i32>} : memref<64x128xf32, #tpu.memory_space<vmem>>, vector<1x16xf32>,
        %get3A_285 = vector.shape_cast %get3A_284 : vector<1x16xf32> to vector<16xf32>
        %mul3A_286 = arith.mulf %exp3A_276, %get3A_285 : vector<16xf32>
        %swap3A_287 = arith.index_cast %scan3A_195 : i32 to index
        %swap3A_288 = arith.constant 96 : index
        %swap3A_289 = tpu.vector_load %arg17[%swap3A_287, %swap3A_288] {strides = array<i32>} : memref<64x128xf32, #tpu.memory_space<vmem>>, vector<1x16xf32>,
        %swap3A_290 = vector.shape_cast %swap3A_289 : vector<1x16xf32> to vector<16xf32>
        %swap3A_291 = vector.shape_cast %mul3A_286 : vector<16xf32> to vector<1x16xf32>
        tpu.vector_store %arg17[%swap3A_287, %swap3A_288], %swap3A_291 {strides = array<i32>} : memref<64x128xf32, #tpu.memory_space<vmem>>, vector<1x16xf32>,
        %get3A_292 = arith.index_cast %scan3A_195 : i32 to index
        %get3A_293 = arith.constant 48 : index
        %get3A_294 = tpu.vector_load %arg15[%get3A_292, %get3A_293] {strides = array<i32>} : memref<64x128xf32, #tpu.memory_space<vmem>>, vector<1x16xf32>,
        %get3A_295 = vector.shape_cast %get3A_294 : vector<1x16xf32> to vector<16xf32>
        %get3A_296 = arith.index_cast %scan3A_195 : i32 to index
        %get3A_297 = arith.constant 48 : index
        %get3A_298 = tpu.vector_load %arg16[%get3A_296, %get3A_297] {strides = array<i32>} : memref<64x128xf32, #tpu.memory_space<vmem>>, vector<1x16xf32>,
        %get3A_299 = vector.shape_cast %get3A_298 : vector<1x16xf32> to vector<16xf32>
        %add3A_300 = arith.addf %get3A_295, %get3A_299 : vector<16xf32>
        %ge3A_301 = arith.constant 0.000000e+00 : f32
        %ge3A_302 = vector.broadcast %ge3A_301 : f32 to vector<16xf32>
        %ge3A_303 = arith.cmpf oge, %add3A_300, %ge3A_302 : vector<16xf32>
        %mul3A_304 = arith.constant 2.000000e-01 : f32
        %mul3A_305 = vector.broadcast %mul3A_304 : f32 to vector<16xf32>
        %mul3A_306 = arith.mulf %mul3A_305, %add3A_300 : vector<16xf32>
        %select_n3A_307 = arith.select %ge3A_303, %add3A_300, %mul3A_306 : vector<16xi1>, vector<16xf32>
        %exp3A_308 = math.exp %select_n3A_307 : vector<16xf32>
        %swap3A_309 = arith.index_cast %scan3A_195 : i32 to index
        %swap3A_310 = arith.constant 48 : index
        %swap3A_311 = tpu.vector_load %arg17[%swap3A_309, %swap3A_310] {strides = array<i32>} : memref<64x128xf32, #tpu.memory_space<vmem>>, vector<1x16xf32>,
        %swap3A_312 = vector.shape_cast %swap3A_311 : vector<1x16xf32> to vector<16xf32>
        %swap3A_313 = vector.shape_cast %exp3A_308 : vector<16xf32> to vector<1x16xf32>
        tpu.vector_store %arg17[%swap3A_309, %swap3A_310], %swap3A_313 {strides = array<i32>} : memref<64x128xf32, #tpu.memory_space<vmem>>, vector<1x16xf32>,
        %get3A_314 = arith.index_cast %scan3A_195 : i32 to index
        %get3A_315 = arith.constant 112 : index
        %get3A_316 = tpu.vector_load %arg15[%get3A_314, %get3A_315] {strides = array<i32>} : memref<64x128xf32, #tpu.memory_space<vmem>>, vector<1x16xf32>,
        %get3A_317 = vector.shape_cast %get3A_316 : vector<1x16xf32> to vector<16xf32>
        %mul3A_318 = arith.mulf %exp3A_308, %get3A_317 : vector<16xf32>
        %swap3A_319 = arith.index_cast %scan3A_195 : i32 to index
        %swap3A_320 = arith.constant 112 : index
        %swap3A_321 = tpu.vector_load %arg17[%swap3A_319, %swap3A_320] {strides = array<i32>} : memref<64x128xf32, #tpu.memory_space<vmem>>, vector<1x16xf32>,
        %swap3A_322 = vector.shape_cast %swap3A_321 : vector<1x16xf32> to vector<16xf32>
        %swap3A_323 = vector.shape_cast %mul3A_318 : vector<16xf32> to vector<1x16xf32>
        tpu.vector_store %arg17[%swap3A_319, %swap3A_320], %swap3A_323 {strides = array<i32>} : memref<64x128xf32, #tpu.memory_space<vmem>>, vector<1x16xf32>,
        %scan3A_324 = arith.constant 0 : i32
        scf.yield %scan3A_324 : i32
      }
      %scan3A_66 = arith.constant 64 : i32
      "tpu.region"() ({
        %run_scoped3A = tpu.sem_alloc : memref<!tpu.dma_semaphore, #tpu.memory_space<semaphore_mem>>
        %dma_start3A_68 = arith.constant 0 : i32
        %dma_start3A_69 = arith.constant 0 : i32
        %dma_start3A_70 = tpu.memref_slice %arg18[%dma_start3A_68, %dma_start3A_69] : memref<10112x128xf32, #tpu.memory_space<vmem_shared>> -> memref<10112x128xf32, #tpu.memory_space<vmem_shared>>
        tpu.enqueue_indirect_dma source(%arg17 : memref<64x128xf32, #tpu.memory_space<vmem>>) target(%dma_start3A_70 : memref<10112x128xf32, #tpu.memory_space<vmem_shared>>) offsets(%arg14 : memref<64xi32, #tpu.memory_space<vmem>>) semaphore(%run_scoped3A : memref<!tpu.dma_semaphore, #tpu.memory_space<semaphore_mem>>) {add = true}
        %dma_wait3A_71 = arith.constant 0 : i32
        %dma_wait3A_72 = arith.constant 0 : i32
        %dma_wait3A_73 = tpu.memref_slice %arg18[%dma_wait3A_71, %dma_wait3A_72] : memref<10112x128xf32, #tpu.memory_space<vmem_shared>> -> memref<10112x128xf32, #tpu.memory_space<vmem_shared>>
        tpu.wait_indirect_dma semaphore(%run_scoped3A : memref<!tpu.dma_semaphore, #tpu.memory_space<semaphore_mem>>) src(%arg17 : memref<64x128xf32, #tpu.memory_space<vmem>>) dst(%dma_wait3A_73 : memref<10112x128xf32, #tpu.memory_space<vmem_shared>>)
        tpu.yield
      }) : () -> ()
      %scan3A_67 = arith.constant 0 : i32
      scf.yield %scan3A_67 : i32
    }
    %scan3A_19 = arith.constant 81 : i32
    %barrier3A_20 = arith.constant 0 : index
    tpu.barrier barrier_id(%barrier3A_20)
    "tpu.region"() ({
      %run_scoped3A = tpu.sem_alloc : memref<!tpu.dma_semaphore, #tpu.memory_space<semaphore_mem>>
      %dma_start3A_21 = arith.constant 0 : i32
      %dma_start3A_22 = tpu.memref_slice %arg7[%arg0, %mul3A_2, %dma_start3A_21] : memref<2x10112x128xf32, #tpu.memory_space<hbm>> -> memref<1x632x128xf32, #tpu.memory_space<hbm>>
      %dma_start3A_23 = tpu.memref_squeeze %dma_start3A_22 : memref<1x632x128xf32, #tpu.memory_space<hbm>> -> memref<632x128xf32, #tpu.memory_space<hbm>>
      %dma_start3A_24 = arith.constant 0 : i32
      %dma_start3A_25 = tpu.memref_slice %arg18[%mul3A_2, %dma_start3A_24] : memref<10112x128xf32, #tpu.memory_space<vmem_shared>> -> memref<632x128xf32, #tpu.memory_space<vmem_shared>>
      tpu.enqueue_dma source(%dma_start3A_25 : memref<632x128xf32, #tpu.memory_space<vmem_shared>>) target(%dma_start3A_23 : memref<632x128xf32, #tpu.memory_space<hbm>>) target_semaphore(%run_scoped3A : memref<!tpu.dma_semaphore, #tpu.memory_space<semaphore_mem>>)
      %dma_wait3A = arith.constant 0 : i32
      %dma_wait3A_26 = tpu.memref_slice %arg7[%arg0, %mul3A_2, %dma_wait3A] : memref<2x10112x128xf32, #tpu.memory_space<hbm>> -> memref<1x632x128xf32, #tpu.memory_space<hbm>>
      %dma_wait3A_27 = tpu.memref_squeeze %dma_wait3A_26 : memref<1x632x128xf32, #tpu.memory_space<hbm>> -> memref<632x128xf32, #tpu.memory_space<hbm>>
      %dma_wait3A_28 = arith.constant 0 : i32
      %dma_wait3A_29 = tpu.memref_slice %arg18[%mul3A_2, %dma_wait3A_28] : memref<10112x128xf32, #tpu.memory_space<vmem_shared>> -> memref<632x128xf32, #tpu.memory_space<vmem_shared>>
      tpu.wait_dma2 semaphore(%run_scoped3A : memref<!tpu.dma_semaphore, #tpu.memory_space<semaphore_mem>>) src(%dma_wait3A_29 : memref<632x128xf32, #tpu.memory_space<vmem_shared>>) dst(%dma_wait3A_27 : memref<632x128xf32, #tpu.memory_space<hbm>>)
      tpu.yield
    }) : () -> ()
    return
  }
}

#map = affine_map<(d0, d1) -> (0, 0)>
#map1 = affine_map<(d0, d1) -> (0)>
#map2 = affine_map<(d0, d1) -> (0, 0, 0)>
module attributes {stable_mosaic.version = 14 : i64} {
  func.func @body(%arg0: i32, %arg1: i32, %arg2: memref<10240x128xf32, #tpu.memory_space<hbm>>, %arg3: memref<10240x128xf32, #tpu.memory_space<hbm>>, %arg4: memref<331776xi32, #tpu.memory_space<hbm>>, %arg5: memref<331776xi32, #tpu.memory_space<hbm>>, %arg6: memref<10112x128xf32, #tpu.memory_space<hbm>>, %arg7: memref<2x10112x128xf32, #tpu.memory_space<hbm>>, %arg8: memref<64xi32, #tpu.memory_space<vmem>>, %arg9: memref<64xi32, #tpu.memory_space<vmem>>, %arg10: memref<64x128xf32, #tpu.memory_space<vmem>>, %arg11: memref<64x128xf32, #tpu.memory_space<vmem>>, %arg12: memref<64x128xf32, #tpu.memory_space<vmem>>, %arg13: memref<64xi32, #tpu.memory_space<vmem>>, %arg14: memref<64xi32, #tpu.memory_space<vmem>>, %arg15: memref<64x128xf32, #tpu.memory_space<vmem>>, %arg16: memref<64x128xf32, #tpu.memory_space<vmem>>, %arg17: memref<64x128xf32, #tpu.memory_space<vmem>>, %arg18: memref<10112x128xf32, #tpu.memory_space<vmem_shared>>, %arg19: memref<!tpu.dma_semaphore, #tpu.memory_space<semaphore_mem>>, %arg20: memref<!tpu.dma_semaphore, #tpu.memory_space<semaphore_mem>>, %arg21: memref<!tpu.dma_semaphore, #tpu.memory_space<semaphore_mem>>, %arg22: memref<!tpu.dma_semaphore, #tpu.memory_space<semaphore_mem>>) attributes {dimension_semantics = [#tpu.dimension_semantics<core_parallel>, #tpu.dimension_semantics<subcore_parallel>], iteration_bounds = array<i64: 2, 16>, scalar_prefetch = 0 : i64, scratch_operands = 15 : i64, tpu.core_type = #tpu.core_type<sc_vector_subcore>, window_params = [{transform_indices = #map}, {transform_indices = #map}, {transform_indices = #map1}, {transform_indices = #map1}, {transform_indices = #map}, {transform_indices = #map2}]} {
    %mul3A = arith.constant 16 : i32
    %mul3A_0 = arith.muli %arg0, %mul3A : i32
    %add3A = arith.addi %mul3A_0, %arg1 : i32
    %mul3A_1 = arith.constant 632 : i32
    %mul3A_2 = arith.muli %arg1, %mul3A_1 : i32
    "tpu.region"() ({
      %run_scoped3A = tpu.sem_alloc : memref<!tpu.dma_semaphore, #tpu.memory_space<semaphore_mem>>
      %dma_start3A_21 = arith.constant 0 : i32
      %dma_start3A_22 = tpu.memref_slice %arg18[%mul3A_2, %dma_start3A_21] : memref<10112x128xf32, #tpu.memory_space<vmem_shared>> -> memref<632x128xf32, #tpu.memory_space<vmem_shared>>
      %dma_start3A_23 = arith.constant 0 : i32
      %dma_start3A_24 = tpu.memref_slice %arg6[%mul3A_2, %dma_start3A_23] : memref<10112x128xf32, #tpu.memory_space<hbm>> -> memref<632x128xf32, #tpu.memory_space<hbm>>
      tpu.enqueue_dma source(%dma_start3A_24 : memref<632x128xf32, #tpu.memory_space<hbm>>) target(%dma_start3A_22 : memref<632x128xf32, #tpu.memory_space<vmem_shared>>) target_semaphore(%run_scoped3A : memref<!tpu.dma_semaphore, #tpu.memory_space<semaphore_mem>>)
      %dma_wait3A = arith.constant 0 : i32
      %dma_wait3A_25 = tpu.memref_slice %arg18[%mul3A_2, %dma_wait3A] : memref<10112x128xf32, #tpu.memory_space<vmem_shared>> -> memref<632x128xf32, #tpu.memory_space<vmem_shared>>
      %dma_wait3A_26 = arith.constant 0 : i32
      %dma_wait3A_27 = tpu.memref_slice %arg6[%mul3A_2, %dma_wait3A_26] : memref<10112x128xf32, #tpu.memory_space<hbm>> -> memref<632x128xf32, #tpu.memory_space<hbm>>
      tpu.wait_dma2 semaphore(%run_scoped3A : memref<!tpu.dma_semaphore, #tpu.memory_space<semaphore_mem>>) src(%dma_wait3A_27 : memref<632x128xf32, #tpu.memory_space<hbm>>) dst(%dma_wait3A_25 : memref<632x128xf32, #tpu.memory_space<vmem_shared>>)
      tpu.yield
    }) : () -> ()
    %mul3A_3 = arith.constant 162 : i32
    %mul3A_4 = arith.muli %add3A, %mul3A_3 : i32
    %add3A_5 = arith.constant 0 : i32
    %add3A_6 = arith.addi %mul3A_4, %add3A_5 : i32
    %mul3A_7 = arith.constant 64 : i32
    %mul3A_8 = arith.muli %add3A_6, %mul3A_7 : i32
    "tpu.region"() ({
      %run_scoped3A = tpu.sem_alloc : memref<!tpu.dma_semaphore, #tpu.memory_space<semaphore_mem>>
      %dma_start3A_21 = tpu.memref_slice %arg4[%mul3A_8] : memref<331776xi32, #tpu.memory_space<hbm>> -> memref<64xi32, #tpu.memory_space<hbm>>
      %dma_start3A_22 = tpu.memref_slice %arg4[%mul3A_8] : memref<331776xi32, #tpu.memory_space<hbm>> -> memref<64xi32, #tpu.memory_space<hbm>>
      tpu.enqueue_dma source(%dma_start3A_22 : memref<64xi32, #tpu.memory_space<hbm>>) target(%arg8 : memref<64xi32, #tpu.memory_space<vmem>>) target_semaphore(%run_scoped3A : memref<!tpu.dma_semaphore, #tpu.memory_space<semaphore_mem>>)
      %dma_wait3A = tpu.memref_slice %arg4[%mul3A_8] : memref<331776xi32, #tpu.memory_space<hbm>> -> memref<64xi32, #tpu.memory_space<hbm>>
      %dma_wait3A_23 = tpu.memref_slice %arg4[%mul3A_8] : memref<331776xi32, #tpu.memory_space<hbm>> -> memref<64xi32, #tpu.memory_space<hbm>>
      tpu.wait_dma2 semaphore(%run_scoped3A : memref<!tpu.dma_semaphore, #tpu.memory_space<semaphore_mem>>) src(%dma_wait3A_23 : memref<64xi32, #tpu.memory_space<hbm>>) dst(%arg8 : memref<64xi32, #tpu.memory_space<vmem>>)
      tpu.yield
    }) : () -> ()
    "tpu.region"() ({
      %run_scoped3A = tpu.sem_alloc : memref<!tpu.dma_semaphore, #tpu.memory_space<semaphore_mem>>
      %dma_start3A_21 = tpu.memref_slice %arg5[%mul3A_8] : memref<331776xi32, #tpu.memory_space<hbm>> -> memref<64xi32, #tpu.memory_space<hbm>>
      %dma_start3A_22 = tpu.memref_slice %arg5[%mul3A_8] : memref<331776xi32, #tpu.memory_space<hbm>> -> memref<64xi32, #tpu.memory_space<hbm>>
      tpu.enqueue_dma source(%dma_start3A_22 : memref<64xi32, #tpu.memory_space<hbm>>) target(%arg9 : memref<64xi32, #tpu.memory_space<vmem>>) target_semaphore(%run_scoped3A : memref<!tpu.dma_semaphore, #tpu.memory_space<semaphore_mem>>)
      %dma_wait3A = tpu.memref_slice %arg5[%mul3A_8] : memref<331776xi32, #tpu.memory_space<hbm>> -> memref<64xi32, #tpu.memory_space<hbm>>
      %dma_wait3A_23 = tpu.memref_slice %arg5[%mul3A_8] : memref<331776xi32, #tpu.memory_space<hbm>> -> memref<64xi32, #tpu.memory_space<hbm>>
      tpu.wait_dma2 semaphore(%run_scoped3A : memref<!tpu.dma_semaphore, #tpu.memory_space<semaphore_mem>>) src(%dma_wait3A_23 : memref<64xi32, #tpu.memory_space<hbm>>) dst(%arg9 : memref<64xi32, #tpu.memory_space<vmem>>)
      tpu.yield
    }) : () -> ()
    %dma_start3A = arith.constant 0 : i32
    %dma_start3A_9 = arith.constant 0 : i32
    %dma_start3A_10 = tpu.memref_slice %arg2[%dma_start3A, %dma_start3A_9] : memref<10240x128xf32, #tpu.memory_space<hbm>> -> memref<10240x128xf32, #tpu.memory_space<hbm>>
    tpu.enqueue_indirect_dma source(%dma_start3A_10 : memref<10240x128xf32, #tpu.memory_space<hbm>>) target(%arg10 : memref<64x128xf32, #tpu.memory_space<vmem>>) offsets(%arg8 : memref<64xi32, #tpu.memory_space<vmem>>) semaphore(%arg19 : memref<!tpu.dma_semaphore, #tpu.memory_space<semaphore_mem>>)
    %dma_start3A_11 = arith.constant 0 : i32
    %dma_start3A_12 = arith.constant 0 : i32
    %dma_start3A_13 = tpu.memref_slice %arg3[%dma_start3A_11, %dma_start3A_12] : memref<10240x128xf32, #tpu.memory_space<hbm>> -> memref<10240x128xf32, #tpu.memory_space<hbm>>
    tpu.enqueue_indirect_dma source(%dma_start3A_13 : memref<10240x128xf32, #tpu.memory_space<hbm>>) target(%arg11 : memref<64x128xf32, #tpu.memory_space<vmem>>) offsets(%arg9 : memref<64xi32, #tpu.memory_space<vmem>>) semaphore(%arg20 : memref<!tpu.dma_semaphore, #tpu.memory_space<semaphore_mem>>)
    %barrier3A = arith.constant 0 : index
    tpu.barrier barrier_id(%barrier3A)
    %scan3A = arith.constant 0 : i32
    %scan3A_14 = arith.constant 0 : i32
    %scan3A_15 = arith.constant 81 : i32
    %scan3A_16 = arith.addi %scan3A_14, %scan3A_15 : i32
    %scan3A_17 = arith.constant 1 : i32
    %scan3A_18 = scf.for %scan3A_21 = %scan3A_14 to %scan3A_16 step %scan3A_17 iter_args(%scan3A_22 = %scan3A) -> (i32)  : i32 {
      %mul3A_23 = arith.constant 2 : i32
      %mul3A_24 = arith.muli %mul3A_23, %scan3A_21 : i32
      %add3A_25 = arith.constant 0 : i32
      %add3A_26 = arith.addi %mul3A_24, %add3A_25 : i32
      %dma_wait3A = arith.constant 0 : i32
      %dma_wait3A_27 = arith.constant 0 : i32
      %dma_wait3A_28 = tpu.memref_slice %arg2[%dma_wait3A, %dma_wait3A_27] : memref<10240x128xf32, #tpu.memory_space<hbm>> -> memref<10240x128xf32, #tpu.memory_space<hbm>>
      tpu.wait_indirect_dma semaphore(%arg19 : memref<!tpu.dma_semaphore, #tpu.memory_space<semaphore_mem>>) src(%dma_wait3A_28 : memref<10240x128xf32, #tpu.memory_space<hbm>>) dst(%arg10 : memref<64x128xf32, #tpu.memory_space<vmem>>)
      %dma_wait3A_29 = arith.constant 0 : i32
      %dma_wait3A_30 = arith.constant 0 : i32
      %dma_wait3A_31 = tpu.memref_slice %arg3[%dma_wait3A_29, %dma_wait3A_30] : memref<10240x128xf32, #tpu.memory_space<hbm>> -> memref<10240x128xf32, #tpu.memory_space<hbm>>
      tpu.wait_indirect_dma semaphore(%arg20 : memref<!tpu.dma_semaphore, #tpu.memory_space<semaphore_mem>>) src(%dma_wait3A_31 : memref<10240x128xf32, #tpu.memory_space<hbm>>) dst(%arg11 : memref<64x128xf32, #tpu.memory_space<vmem>>)
      %add3A_32 = arith.constant 1 : i32
      %add3A_33 = arith.addi %add3A_26, %add3A_32 : i32
      %lt3A = arith.constant 162 : i32
      %lt3A_34 = arith.cmpi slt, %add3A_33, %lt3A : i32
      %convert_element_type3A = arith.extui %lt3A_34 : i1 to i32
      %cond3A = arith.constant 0 : i32
      %cond3A_35 = arith.cmpi ne, %convert_element_type3A, %cond3A : i32
      scf.if %cond3A_35 {
        %add3A_68 = arith.constant 1 : i32
        %add3A_69 = arith.addi %add3A_26, %add3A_68 : i32
        %mul3A_70 = arith.constant 162 : i32
        %mul3A_71 = arith.muli %add3A, %mul3A_70 : i32
        %add3A_72 = arith.addi %mul3A_71, %add3A_69 : i32
        %mul3A_73 = arith.constant 64 : i32
        %mul3A_74 = arith.muli %add3A_72, %mul3A_73 : i32
        "tpu.region"() ({
          %run_scoped3A = tpu.sem_alloc : memref<!tpu.dma_semaphore, #tpu.memory_space<semaphore_mem>>
          %dma_start3A_81 = tpu.memref_slice %arg4[%mul3A_74] : memref<331776xi32, #tpu.memory_space<hbm>> -> memref<64xi32, #tpu.memory_space<hbm>>
          %dma_start3A_82 = tpu.memref_slice %arg4[%mul3A_74] : memref<331776xi32, #tpu.memory_space<hbm>> -> memref<64xi32, #tpu.memory_space<hbm>>
          tpu.enqueue_dma source(%dma_start3A_82 : memref<64xi32, #tpu.memory_space<hbm>>) target(%arg13 : memref<64xi32, #tpu.memory_space<vmem>>) target_semaphore(%run_scoped3A : memref<!tpu.dma_semaphore, #tpu.memory_space<semaphore_mem>>)
          %dma_wait3A_83 = tpu.memref_slice %arg4[%mul3A_74] : memref<331776xi32, #tpu.memory_space<hbm>> -> memref<64xi32, #tpu.memory_space<hbm>>
          %dma_wait3A_84 = tpu.memref_slice %arg4[%mul3A_74] : memref<331776xi32, #tpu.memory_space<hbm>> -> memref<64xi32, #tpu.memory_space<hbm>>
          tpu.wait_dma2 semaphore(%run_scoped3A : memref<!tpu.dma_semaphore, #tpu.memory_space<semaphore_mem>>) src(%dma_wait3A_84 : memref<64xi32, #tpu.memory_space<hbm>>) dst(%arg13 : memref<64xi32, #tpu.memory_space<vmem>>)
          tpu.yield
        }) : () -> ()
        "tpu.region"() ({
          %run_scoped3A = tpu.sem_alloc : memref<!tpu.dma_semaphore, #tpu.memory_space<semaphore_mem>>
          %dma_start3A_81 = tpu.memref_slice %arg5[%mul3A_74] : memref<331776xi32, #tpu.memory_space<hbm>> -> memref<64xi32, #tpu.memory_space<hbm>>
          %dma_start3A_82 = tpu.memref_slice %arg5[%mul3A_74] : memref<331776xi32, #tpu.memory_space<hbm>> -> memref<64xi32, #tpu.memory_space<hbm>>
          tpu.enqueue_dma source(%dma_start3A_82 : memref<64xi32, #tpu.memory_space<hbm>>) target(%arg14 : memref<64xi32, #tpu.memory_space<vmem>>) target_semaphore(%run_scoped3A : memref<!tpu.dma_semaphore, #tpu.memory_space<semaphore_mem>>)
          %dma_wait3A_83 = tpu.memref_slice %arg5[%mul3A_74] : memref<331776xi32, #tpu.memory_space<hbm>> -> memref<64xi32, #tpu.memory_space<hbm>>
          %dma_wait3A_84 = tpu.memref_slice %arg5[%mul3A_74] : memref<331776xi32, #tpu.memory_space<hbm>> -> memref<64xi32, #tpu.memory_space<hbm>>
          tpu.wait_dma2 semaphore(%run_scoped3A : memref<!tpu.dma_semaphore, #tpu.memory_space<semaphore_mem>>) src(%dma_wait3A_84 : memref<64xi32, #tpu.memory_space<hbm>>) dst(%arg14 : memref<64xi32, #tpu.memory_space<vmem>>)
          tpu.yield
        }) : () -> ()
        %dma_start3A_75 = arith.constant 0 : i32
        %dma_start3A_76 = arith.constant 0 : i32
        %dma_start3A_77 = tpu.memref_slice %arg2[%dma_start3A_75, %dma_start3A_76] : memref<10240x128xf32, #tpu.memory_space<hbm>> -> memref<10240x128xf32, #tpu.memory_space<hbm>>
        tpu.enqueue_indirect_dma source(%dma_start3A_77 : memref<10240x128xf32, #tpu.memory_space<hbm>>) target(%arg15 : memref<64x128xf32, #tpu.memory_space<vmem>>) offsets(%arg13 : memref<64xi32, #tpu.memory_space<vmem>>) semaphore(%arg21 : memref<!tpu.dma_semaphore, #tpu.memory_space<semaphore_mem>>)
        %dma_start3A_78 = arith.constant 0 : i32
        %dma_start3A_79 = arith.constant 0 : i32
        %dma_start3A_80 = tpu.memref_slice %arg3[%dma_start3A_78, %dma_start3A_79] : memref<10240x128xf32, #tpu.memory_space<hbm>> -> memref<10240x128xf32, #tpu.memory_space<hbm>>
        tpu.enqueue_indirect_dma source(%dma_start3A_80 : memref<10240x128xf32, #tpu.memory_space<hbm>>) target(%arg16 : memref<64x128xf32, #tpu.memory_space<vmem>>) offsets(%arg14 : memref<64xi32, #tpu.memory_space<vmem>>) semaphore(%arg22 : memref<!tpu.dma_semaphore, #tpu.memory_space<semaphore_mem>>)
      } else {
      }
      %scan3A_36 = arith.constant 0 : i32
      %scan3A_37 = arith.constant 0 : i32
      %scan3A_38 = arith.constant 64 : i32
      %scan3A_39 = arith.addi %scan3A_37, %scan3A_38 : i32
      %scan3A_40 = arith.constant 2 : i32
      %scan3A_41 = scf.for %scan3A_68 = %scan3A_37 to %scan3A_39 step %scan3A_40 iter_args(%scan3A_69 = %scan3A_36) -> (i32)  : i32 {
        %get3A = arith.index_cast %scan3A_68 : i32 to index
        %get3A_70 = arith.constant 0 : index
        %get3A_71 = tpu.vector_load %arg10[%get3A, %get3A_70] {strides = array<i32>} : memref<64x128xf32, #tpu.memory_space<vmem>>, vector<1x16xf32>,
        %get3A_72 = vector.shape_cast %get3A_71 : vector<1x16xf32> to vector<16xf32>
        %get3A_73 = arith.index_cast %scan3A_68 : i32 to index
        %get3A_74 = arith.constant 0 : index
        %get3A_75 = tpu.vector_load %arg11[%get3A_73, %get3A_74] {strides = array<i32>} : memref<64x128xf32, #tpu.memory_space<vmem>>, vector<1x16xf32>,
        %get3A_76 = vector.shape_cast %get3A_75 : vector<1x16xf32> to vector<16xf32>
        %add3A_77 = arith.addf %get3A_72, %get3A_76 : vector<16xf32>
        %ge3A = arith.constant 0.000000e+00 : f32
        %ge3A_78 = vector.broadcast %ge3A : f32 to vector<16xf32>
        %ge3A_79 = arith.cmpf oge, %add3A_77, %ge3A_78 : vector<16xf32>
        %mul3A_80 = arith.constant 2.000000e-01 : f32
        %mul3A_81 = vector.broadcast %mul3A_80 : f32 to vector<16xf32>
        %mul3A_82 = arith.mulf %mul3A_81, %add3A_77 : vector<16xf32>
        %select_n3A = arith.select %ge3A_79, %add3A_77, %mul3A_82 : vector<16xi1>, vector<16xf32>
        %exp3A = math.exp %select_n3A : vector<16xf32>
        %swap3A = arith.index_cast %scan3A_68 : i32 to index
        %swap3A_83 = arith.constant 0 : index
        %swap3A_84 = tpu.vector_load %arg12[%swap3A, %swap3A_83] {strides = array<i32>} : memref<64x128xf32, #tpu.memory_space<vmem>>, vector<1x16xf32>,
        %swap3A_85 = vector.shape_cast %swap3A_84 : vector<1x16xf32> to vector<16xf32>
        %swap3A_86 = vector.shape_cast %exp3A : vector<16xf32> to vector<1x16xf32>
        tpu.vector_store %arg12[%swap3A, %swap3A_83], %swap3A_86 {strides = array<i32>} : memref<64x128xf32, #tpu.memory_space<vmem>>, vector<1x16xf32>,
        %get3A_87 = arith.index_cast %scan3A_68 : i32 to index
        %get3A_88 = arith.constant 64 : index
        %get3A_89 = tpu.vector_load %arg10[%get3A_87, %get3A_88] {strides = array<i32>} : memref<64x128xf32, #tpu.memory_space<vmem>>, vector<1x16xf32>,
        %get3A_90 = vector.shape_cast %get3A_89 : vector<1x16xf32> to vector<16xf32>
        %mul3A_91 = arith.mulf %exp3A, %get3A_90 : vector<16xf32>
        %swap3A_92 = arith.index_cast %scan3A_68 : i32 to index
        %swap3A_93 = arith.constant 64 : index
        %swap3A_94 = tpu.vector_load %arg12[%swap3A_92, %swap3A_93] {strides = array<i32>} : memref<64x128xf32, #tpu.memory_space<vmem>>, vector<1x16xf32>,
        %swap3A_95 = vector.shape_cast %swap3A_94 : vector<1x16xf32> to vector<16xf32>
        %swap3A_96 = vector.shape_cast %mul3A_91 : vector<16xf32> to vector<1x16xf32>
        tpu.vector_store %arg12[%swap3A_92, %swap3A_93], %swap3A_96 {strides = array<i32>} : memref<64x128xf32, #tpu.memory_space<vmem>>, vector<1x16xf32>,
        %get3A_97 = arith.index_cast %scan3A_68 : i32 to index
        %get3A_98 = arith.constant 16 : index
        %get3A_99 = tpu.vector_load %arg10[%get3A_97, %get3A_98] {strides = array<i32>} : memref<64x128xf32, #tpu.memory_space<vmem>>, vector<1x16xf32>,
        %get3A_100 = vector.shape_cast %get3A_99 : vector<1x16xf32> to vector<16xf32>
        %get3A_101 = arith.index_cast %scan3A_68 : i32 to index
        %get3A_102 = arith.constant 16 : index
        %get3A_103 = tpu.vector_load %arg11[%get3A_101, %get3A_102] {strides = array<i32>} : memref<64x128xf32, #tpu.memory_space<vmem>>, vector<1x16xf32>,
        %get3A_104 = vector.shape_cast %get3A_103 : vector<1x16xf32> to vector<16xf32>
        %add3A_105 = arith.addf %get3A_100, %get3A_104 : vector<16xf32>
        %ge3A_106 = arith.constant 0.000000e+00 : f32
        %ge3A_107 = vector.broadcast %ge3A_106 : f32 to vector<16xf32>
        %ge3A_108 = arith.cmpf oge, %add3A_105, %ge3A_107 : vector<16xf32>
        %mul3A_109 = arith.constant 2.000000e-01 : f32
        %mul3A_110 = vector.broadcast %mul3A_109 : f32 to vector<16xf32>
        %mul3A_111 = arith.mulf %mul3A_110, %add3A_105 : vector<16xf32>
        %select_n3A_112 = arith.select %ge3A_108, %add3A_105, %mul3A_111 : vector<16xi1>, vector<16xf32>
        %exp3A_113 = math.exp %select_n3A_112 : vector<16xf32>
        %swap3A_114 = arith.index_cast %scan3A_68 : i32 to index
        %swap3A_115 = arith.constant 16 : index
        %swap3A_116 = tpu.vector_load %arg12[%swap3A_114, %swap3A_115] {strides = array<i32>} : memref<64x128xf32, #tpu.memory_space<vmem>>, vector<1x16xf32>,
        %swap3A_117 = vector.shape_cast %swap3A_116 : vector<1x16xf32> to vector<16xf32>
        %swap3A_118 = vector.shape_cast %exp3A_113 : vector<16xf32> to vector<1x16xf32>
        tpu.vector_store %arg12[%swap3A_114, %swap3A_115], %swap3A_118 {strides = array<i32>} : memref<64x128xf32, #tpu.memory_space<vmem>>, vector<1x16xf32>,
        %get3A_119 = arith.index_cast %scan3A_68 : i32 to index
        %get3A_120 = arith.constant 80 : index
        %get3A_121 = tpu.vector_load %arg10[%get3A_119, %get3A_120] {strides = array<i32>} : memref<64x128xf32, #tpu.memory_space<vmem>>, vector<1x16xf32>,
        %get3A_122 = vector.shape_cast %get3A_121 : vector<1x16xf32> to vector<16xf32>
        %mul3A_123 = arith.mulf %exp3A_113, %get3A_122 : vector<16xf32>
        %swap3A_124 = arith.index_cast %scan3A_68 : i32 to index
        %swap3A_125 = arith.constant 80 : index
        %swap3A_126 = tpu.vector_load %arg12[%swap3A_124, %swap3A_125] {strides = array<i32>} : memref<64x128xf32, #tpu.memory_space<vmem>>, vector<1x16xf32>,
        %swap3A_127 = vector.shape_cast %swap3A_126 : vector<1x16xf32> to vector<16xf32>
        %swap3A_128 = vector.shape_cast %mul3A_123 : vector<16xf32> to vector<1x16xf32>
        tpu.vector_store %arg12[%swap3A_124, %swap3A_125], %swap3A_128 {strides = array<i32>} : memref<64x128xf32, #tpu.memory_space<vmem>>, vector<1x16xf32>,
        %get3A_129 = arith.index_cast %scan3A_68 : i32 to index
        %get3A_130 = arith.constant 32 : index
        %get3A_131 = tpu.vector_load %arg10[%get3A_129, %get3A_130] {strides = array<i32>} : memref<64x128xf32, #tpu.memory_space<vmem>>, vector<1x16xf32>,
        %get3A_132 = vector.shape_cast %get3A_131 : vector<1x16xf32> to vector<16xf32>
        %get3A_133 = arith.index_cast %scan3A_68 : i32 to index
        %get3A_134 = arith.constant 32 : index
        %get3A_135 = tpu.vector_load %arg11[%get3A_133, %get3A_134] {strides = array<i32>} : memref<64x128xf32, #tpu.memory_space<vmem>>, vector<1x16xf32>,
        %get3A_136 = vector.shape_cast %get3A_135 : vector<1x16xf32> to vector<16xf32>
        %add3A_137 = arith.addf %get3A_132, %get3A_136 : vector<16xf32>
        %ge3A_138 = arith.constant 0.000000e+00 : f32
        %ge3A_139 = vector.broadcast %ge3A_138 : f32 to vector<16xf32>
        %ge3A_140 = arith.cmpf oge, %add3A_137, %ge3A_139 : vector<16xf32>
        %mul3A_141 = arith.constant 2.000000e-01 : f32
        %mul3A_142 = vector.broadcast %mul3A_141 : f32 to vector<16xf32>
        %mul3A_143 = arith.mulf %mul3A_142, %add3A_137 : vector<16xf32>
        %select_n3A_144 = arith.select %ge3A_140, %add3A_137, %mul3A_143 : vector<16xi1>, vector<16xf32>
        %exp3A_145 = math.exp %select_n3A_144 : vector<16xf32>
        %swap3A_146 = arith.index_cast %scan3A_68 : i32 to index
        %swap3A_147 = arith.constant 32 : index
        %swap3A_148 = tpu.vector_load %arg12[%swap3A_146, %swap3A_147] {strides = array<i32>} : memref<64x128xf32, #tpu.memory_space<vmem>>, vector<1x16xf32>,
        %swap3A_149 = vector.shape_cast %swap3A_148 : vector<1x16xf32> to vector<16xf32>
        %swap3A_150 = vector.shape_cast %exp3A_145 : vector<16xf32> to vector<1x16xf32>
        tpu.vector_store %arg12[%swap3A_146, %swap3A_147], %swap3A_150 {strides = array<i32>} : memref<64x128xf32, #tpu.memory_space<vmem>>, vector<1x16xf32>,
        %get3A_151 = arith.index_cast %scan3A_68 : i32 to index
        %get3A_152 = arith.constant 96 : index
        %get3A_153 = tpu.vector_load %arg10[%get3A_151, %get3A_152] {strides = array<i32>} : memref<64x128xf32, #tpu.memory_space<vmem>>, vector<1x16xf32>,
        %get3A_154 = vector.shape_cast %get3A_153 : vector<1x16xf32> to vector<16xf32>
        %mul3A_155 = arith.mulf %exp3A_145, %get3A_154 : vector<16xf32>
        %swap3A_156 = arith.index_cast %scan3A_68 : i32 to index
        %swap3A_157 = arith.constant 96 : index
        %swap3A_158 = tpu.vector_load %arg12[%swap3A_156, %swap3A_157] {strides = array<i32>} : memref<64x128xf32, #tpu.memory_space<vmem>>, vector<1x16xf32>,
        %swap3A_159 = vector.shape_cast %swap3A_158 : vector<1x16xf32> to vector<16xf32>
        %swap3A_160 = vector.shape_cast %mul3A_155 : vector<16xf32> to vector<1x16xf32>
        tpu.vector_store %arg12[%swap3A_156, %swap3A_157], %swap3A_160 {strides = array<i32>} : memref<64x128xf32, #tpu.memory_space<vmem>>, vector<1x16xf32>,
        %get3A_161 = arith.index_cast %scan3A_68 : i32 to index
        %get3A_162 = arith.constant 48 : index
        %get3A_163 = tpu.vector_load %arg10[%get3A_161, %get3A_162] {strides = array<i32>} : memref<64x128xf32, #tpu.memory_space<vmem>>, vector<1x16xf32>,
        %get3A_164 = vector.shape_cast %get3A_163 : vector<1x16xf32> to vector<16xf32>
        %get3A_165 = arith.index_cast %scan3A_68 : i32 to index
        %get3A_166 = arith.constant 48 : index
        %get3A_167 = tpu.vector_load %arg11[%get3A_165, %get3A_166] {strides = array<i32>} : memref<64x128xf32, #tpu.memory_space<vmem>>, vector<1x16xf32>,
        %get3A_168 = vector.shape_cast %get3A_167 : vector<1x16xf32> to vector<16xf32>
        %add3A_169 = arith.addf %get3A_164, %get3A_168 : vector<16xf32>
        %ge3A_170 = arith.constant 0.000000e+00 : f32
        %ge3A_171 = vector.broadcast %ge3A_170 : f32 to vector<16xf32>
        %ge3A_172 = arith.cmpf oge, %add3A_169, %ge3A_171 : vector<16xf32>
        %mul3A_173 = arith.constant 2.000000e-01 : f32
        %mul3A_174 = vector.broadcast %mul3A_173 : f32 to vector<16xf32>
        %mul3A_175 = arith.mulf %mul3A_174, %add3A_169 : vector<16xf32>
        %select_n3A_176 = arith.select %ge3A_172, %add3A_169, %mul3A_175 : vector<16xi1>, vector<16xf32>
        %exp3A_177 = math.exp %select_n3A_176 : vector<16xf32>
        %swap3A_178 = arith.index_cast %scan3A_68 : i32 to index
        %swap3A_179 = arith.constant 48 : index
        %swap3A_180 = tpu.vector_load %arg12[%swap3A_178, %swap3A_179] {strides = array<i32>} : memref<64x128xf32, #tpu.memory_space<vmem>>, vector<1x16xf32>,
        %swap3A_181 = vector.shape_cast %swap3A_180 : vector<1x16xf32> to vector<16xf32>
        %swap3A_182 = vector.shape_cast %exp3A_177 : vector<16xf32> to vector<1x16xf32>
        tpu.vector_store %arg12[%swap3A_178, %swap3A_179], %swap3A_182 {strides = array<i32>} : memref<64x128xf32, #tpu.memory_space<vmem>>, vector<1x16xf32>,
        %get3A_183 = arith.index_cast %scan3A_68 : i32 to index
        %get3A_184 = arith.constant 112 : index
        %get3A_185 = tpu.vector_load %arg10[%get3A_183, %get3A_184] {strides = array<i32>} : memref<64x128xf32, #tpu.memory_space<vmem>>, vector<1x16xf32>,
        %get3A_186 = vector.shape_cast %get3A_185 : vector<1x16xf32> to vector<16xf32>
        %mul3A_187 = arith.mulf %exp3A_177, %get3A_186 : vector<16xf32>
        %swap3A_188 = arith.index_cast %scan3A_68 : i32 to index
        %swap3A_189 = arith.constant 112 : index
        %swap3A_190 = tpu.vector_load %arg12[%swap3A_188, %swap3A_189] {strides = array<i32>} : memref<64x128xf32, #tpu.memory_space<vmem>>, vector<1x16xf32>,
        %swap3A_191 = vector.shape_cast %swap3A_190 : vector<1x16xf32> to vector<16xf32>
        %swap3A_192 = vector.shape_cast %mul3A_187 : vector<16xf32> to vector<1x16xf32>
        tpu.vector_store %arg12[%swap3A_188, %swap3A_189], %swap3A_192 {strides = array<i32>} : memref<64x128xf32, #tpu.memory_space<vmem>>, vector<1x16xf32>,
        %scan3A_193 = arith.constant 0 : i32
        %scan3A_194 = arith.constant 1 : i32
        %scan3A_195 = arith.addi %scan3A_68, %scan3A_194 : i32
        %get3A_196 = arith.index_cast %scan3A_195 : i32 to index
        %get3A_197 = arith.constant 0 : index
        %get3A_198 = tpu.vector_load %arg10[%get3A_196, %get3A_197] {strides = array<i32>} : memref<64x128xf32, #tpu.memory_space<vmem>>, vector<1x16xf32>,
        %get3A_199 = vector.shape_cast %get3A_198 : vector<1x16xf32> to vector<16xf32>
        %get3A_200 = arith.index_cast %scan3A_195 : i32 to index
        %get3A_201 = arith.constant 0 : index
        %get3A_202 = tpu.vector_load %arg11[%get3A_200, %get3A_201] {strides = array<i32>} : memref<64x128xf32, #tpu.memory_space<vmem>>, vector<1x16xf32>,
        %get3A_203 = vector.shape_cast %get3A_202 : vector<1x16xf32> to vector<16xf32>
        %add3A_204 = arith.addf %get3A_199, %get3A_203 : vector<16xf32>
        %ge3A_205 = arith.constant 0.000000e+00 : f32
        %ge3A_206 = vector.broadcast %ge3A_205 : f32 to vector<16xf32>
        %ge3A_207 = arith.cmpf oge, %add3A_204, %ge3A_206 : vector<16xf32>
        %mul3A_208 = arith.constant 2.000000e-01 : f32
        %mul3A_209 = vector.broadcast %mul3A_208 : f32 to vector<16xf32>
        %mul3A_210 = arith.mulf %mul3A_209, %add3A_204 : vector<16xf32>
        %select_n3A_211 = arith.select %ge3A_207, %add3A_204, %mul3A_210 : vector<16xi1>, vector<16xf32>
        %exp3A_212 = math.exp %select_n3A_211 : vector<16xf32>
        %swap3A_213 = arith.index_cast %scan3A_195 : i32 to index
        %swap3A_214 = arith.constant 0 : index
        %swap3A_215 = tpu.vector_load %arg12[%swap3A_213, %swap3A_214] {strides = array<i32>} : memref<64x128xf32, #tpu.memory_space<vmem>>, vector<1x16xf32>,
        %swap3A_216 = vector.shape_cast %swap3A_215 : vector<1x16xf32> to vector<16xf32>
        %swap3A_217 = vector.shape_cast %exp3A_212 : vector<16xf32> to vector<1x16xf32>
        tpu.vector_store %arg12[%swap3A_213, %swap3A_214], %swap3A_217 {strides = array<i32>} : memref<64x128xf32, #tpu.memory_space<vmem>>, vector<1x16xf32>,
        %get3A_218 = arith.index_cast %scan3A_195 : i32 to index
        %get3A_219 = arith.constant 64 : index
        %get3A_220 = tpu.vector_load %arg10[%get3A_218, %get3A_219] {strides = array<i32>} : memref<64x128xf32, #tpu.memory_space<vmem>>, vector<1x16xf32>,
        %get3A_221 = vector.shape_cast %get3A_220 : vector<1x16xf32> to vector<16xf32>
        %mul3A_222 = arith.mulf %exp3A_212, %get3A_221 : vector<16xf32>
        %swap3A_223 = arith.index_cast %scan3A_195 : i32 to index
        %swap3A_224 = arith.constant 64 : index
        %swap3A_225 = tpu.vector_load %arg12[%swap3A_223, %swap3A_224] {strides = array<i32>} : memref<64x128xf32, #tpu.memory_space<vmem>>, vector<1x16xf32>,
        %swap3A_226 = vector.shape_cast %swap3A_225 : vector<1x16xf32> to vector<16xf32>
        %swap3A_227 = vector.shape_cast %mul3A_222 : vector<16xf32> to vector<1x16xf32>
        tpu.vector_store %arg12[%swap3A_223, %swap3A_224], %swap3A_227 {strides = array<i32>} : memref<64x128xf32, #tpu.memory_space<vmem>>, vector<1x16xf32>,
        %get3A_228 = arith.index_cast %scan3A_195 : i32 to index
        %get3A_229 = arith.constant 16 : index
        %get3A_230 = tpu.vector_load %arg10[%get3A_228, %get3A_229] {strides = array<i32>} : memref<64x128xf32, #tpu.memory_space<vmem>>, vector<1x16xf32>,
        %get3A_231 = vector.shape_cast %get3A_230 : vector<1x16xf32> to vector<16xf32>
        %get3A_232 = arith.index_cast %scan3A_195 : i32 to index
        %get3A_233 = arith.constant 16 : index
        %get3A_234 = tpu.vector_load %arg11[%get3A_232, %get3A_233] {strides = array<i32>} : memref<64x128xf32, #tpu.memory_space<vmem>>, vector<1x16xf32>,
        %get3A_235 = vector.shape_cast %get3A_234 : vector<1x16xf32> to vector<16xf32>
        %add3A_236 = arith.addf %get3A_231, %get3A_235 : vector<16xf32>
        %ge3A_237 = arith.constant 0.000000e+00 : f32
        %ge3A_238 = vector.broadcast %ge3A_237 : f32 to vector<16xf32>
        %ge3A_239 = arith.cmpf oge, %add3A_236, %ge3A_238 : vector<16xf32>
        %mul3A_240 = arith.constant 2.000000e-01 : f32
        %mul3A_241 = vector.broadcast %mul3A_240 : f32 to vector<16xf32>
        %mul3A_242 = arith.mulf %mul3A_241, %add3A_236 : vector<16xf32>
        %select_n3A_243 = arith.select %ge3A_239, %add3A_236, %mul3A_242 : vector<16xi1>, vector<16xf32>
        %exp3A_244 = math.exp %select_n3A_243 : vector<16xf32>
        %swap3A_245 = arith.index_cast %scan3A_195 : i32 to index
        %swap3A_246 = arith.constant 16 : index
        %swap3A_247 = tpu.vector_load %arg12[%swap3A_245, %swap3A_246] {strides = array<i32>} : memref<64x128xf32, #tpu.memory_space<vmem>>, vector<1x16xf32>,
        %swap3A_248 = vector.shape_cast %swap3A_247 : vector<1x16xf32> to vector<16xf32>
        %swap3A_249 = vector.shape_cast %exp3A_244 : vector<16xf32> to vector<1x16xf32>
        tpu.vector_store %arg12[%swap3A_245, %swap3A_246], %swap3A_249 {strides = array<i32>} : memref<64x128xf32, #tpu.memory_space<vmem>>, vector<1x16xf32>,
        %get3A_250 = arith.index_cast %scan3A_195 : i32 to index
        %get3A_251 = arith.constant 80 : index
        %get3A_252 = tpu.vector_load %arg10[%get3A_250, %get3A_251] {strides = array<i32>} : memref<64x128xf32, #tpu.memory_space<vmem>>, vector<1x16xf32>,
        %get3A_253 = vector.shape_cast %get3A_252 : vector<1x16xf32> to vector<16xf32>
        %mul3A_254 = arith.mulf %exp3A_244, %get3A_253 : vector<16xf32>
        %swap3A_255 = arith.index_cast %scan3A_195 : i32 to index
        %swap3A_256 = arith.constant 80 : index
        %swap3A_257 = tpu.vector_load %arg12[%swap3A_255, %swap3A_256] {strides = array<i32>} : memref<64x128xf32, #tpu.memory_space<vmem>>, vector<1x16xf32>,
        %swap3A_258 = vector.shape_cast %swap3A_257 : vector<1x16xf32> to vector<16xf32>
        %swap3A_259 = vector.shape_cast %mul3A_254 : vector<16xf32> to vector<1x16xf32>
        tpu.vector_store %arg12[%swap3A_255, %swap3A_256], %swap3A_259 {strides = array<i32>} : memref<64x128xf32, #tpu.memory_space<vmem>>, vector<1x16xf32>,
        %get3A_260 = arith.index_cast %scan3A_195 : i32 to index
        %get3A_261 = arith.constant 32 : index
        %get3A_262 = tpu.vector_load %arg10[%get3A_260, %get3A_261] {strides = array<i32>} : memref<64x128xf32, #tpu.memory_space<vmem>>, vector<1x16xf32>,
        %get3A_263 = vector.shape_cast %get3A_262 : vector<1x16xf32> to vector<16xf32>
        %get3A_264 = arith.index_cast %scan3A_195 : i32 to index
        %get3A_265 = arith.constant 32 : index
        %get3A_266 = tpu.vector_load %arg11[%get3A_264, %get3A_265] {strides = array<i32>} : memref<64x128xf32, #tpu.memory_space<vmem>>, vector<1x16xf32>,
        %get3A_267 = vector.shape_cast %get3A_266 : vector<1x16xf32> to vector<16xf32>
        %add3A_268 = arith.addf %get3A_263, %get3A_267 : vector<16xf32>
        %ge3A_269 = arith.constant 0.000000e+00 : f32
        %ge3A_270 = vector.broadcast %ge3A_269 : f32 to vector<16xf32>
        %ge3A_271 = arith.cmpf oge, %add3A_268, %ge3A_270 : vector<16xf32>
        %mul3A_272 = arith.constant 2.000000e-01 : f32
        %mul3A_273 = vector.broadcast %mul3A_272 : f32 to vector<16xf32>
        %mul3A_274 = arith.mulf %mul3A_273, %add3A_268 : vector<16xf32>
        %select_n3A_275 = arith.select %ge3A_271, %add3A_268, %mul3A_274 : vector<16xi1>, vector<16xf32>
        %exp3A_276 = math.exp %select_n3A_275 : vector<16xf32>
        %swap3A_277 = arith.index_cast %scan3A_195 : i32 to index
        %swap3A_278 = arith.constant 32 : index
        %swap3A_279 = tpu.vector_load %arg12[%swap3A_277, %swap3A_278] {strides = array<i32>} : memref<64x128xf32, #tpu.memory_space<vmem>>, vector<1x16xf32>,
        %swap3A_280 = vector.shape_cast %swap3A_279 : vector<1x16xf32> to vector<16xf32>
        %swap3A_281 = vector.shape_cast %exp3A_276 : vector<16xf32> to vector<1x16xf32>
        tpu.vector_store %arg12[%swap3A_277, %swap3A_278], %swap3A_281 {strides = array<i32>} : memref<64x128xf32, #tpu.memory_space<vmem>>, vector<1x16xf32>,
        %get3A_282 = arith.index_cast %scan3A_195 : i32 to index
        %get3A_283 = arith.constant 96 : index
        %get3A_284 = tpu.vector_load %arg10[%get3A_282, %get3A_283] {strides = array<i32>} : memref<64x128xf32, #tpu.memory_space<vmem>>, vector<1x16xf32>,
        %get3A_285 = vector.shape_cast %get3A_284 : vector<1x16xf32> to vector<16xf32>
        %mul3A_286 = arith.mulf %exp3A_276, %get3A_285 : vector<16xf32>
        %swap3A_287 = arith.index_cast %scan3A_195 : i32 to index
        %swap3A_288 = arith.constant 96 : index
        %swap3A_289 = tpu.vector_load %arg12[%swap3A_287, %swap3A_288] {strides = array<i32>} : memref<64x128xf32, #tpu.memory_space<vmem>>, vector<1x16xf32>,
        %swap3A_290 = vector.shape_cast %swap3A_289 : vector<1x16xf32> to vector<16xf32>
        %swap3A_291 = vector.shape_cast %mul3A_286 : vector<16xf32> to vector<1x16xf32>
        tpu.vector_store %arg12[%swap3A_287, %swap3A_288], %swap3A_291 {strides = array<i32>} : memref<64x128xf32, #tpu.memory_space<vmem>>, vector<1x16xf32>,
        %get3A_292 = arith.index_cast %scan3A_195 : i32 to index
        %get3A_293 = arith.constant 48 : index
        %get3A_294 = tpu.vector_load %arg10[%get3A_292, %get3A_293] {strides = array<i32>} : memref<64x128xf32, #tpu.memory_space<vmem>>, vector<1x16xf32>,
        %get3A_295 = vector.shape_cast %get3A_294 : vector<1x16xf32> to vector<16xf32>
        %get3A_296 = arith.index_cast %scan3A_195 : i32 to index
        %get3A_297 = arith.constant 48 : index
        %get3A_298 = tpu.vector_load %arg11[%get3A_296, %get3A_297] {strides = array<i32>} : memref<64x128xf32, #tpu.memory_space<vmem>>, vector<1x16xf32>,
        %get3A_299 = vector.shape_cast %get3A_298 : vector<1x16xf32> to vector<16xf32>
        %add3A_300 = arith.addf %get3A_295, %get3A_299 : vector<16xf32>
        %ge3A_301 = arith.constant 0.000000e+00 : f32
        %ge3A_302 = vector.broadcast %ge3A_301 : f32 to vector<16xf32>
        %ge3A_303 = arith.cmpf oge, %add3A_300, %ge3A_302 : vector<16xf32>
        %mul3A_304 = arith.constant 2.000000e-01 : f32
        %mul3A_305 = vector.broadcast %mul3A_304 : f32 to vector<16xf32>
        %mul3A_306 = arith.mulf %mul3A_305, %add3A_300 : vector<16xf32>
        %select_n3A_307 = arith.select %ge3A_303, %add3A_300, %mul3A_306 : vector<16xi1>, vector<16xf32>
        %exp3A_308 = math.exp %select_n3A_307 : vector<16xf32>
        %swap3A_309 = arith.index_cast %scan3A_195 : i32 to index
        %swap3A_310 = arith.constant 48 : index
        %swap3A_311 = tpu.vector_load %arg12[%swap3A_309, %swap3A_310] {strides = array<i32>} : memref<64x128xf32, #tpu.memory_space<vmem>>, vector<1x16xf32>,
        %swap3A_312 = vector.shape_cast %swap3A_311 : vector<1x16xf32> to vector<16xf32>
        %swap3A_313 = vector.shape_cast %exp3A_308 : vector<16xf32> to vector<1x16xf32>
        tpu.vector_store %arg12[%swap3A_309, %swap3A_310], %swap3A_313 {strides = array<i32>} : memref<64x128xf32, #tpu.memory_space<vmem>>, vector<1x16xf32>,
        %get3A_314 = arith.index_cast %scan3A_195 : i32 to index
        %get3A_315 = arith.constant 112 : index
        %get3A_316 = tpu.vector_load %arg10[%get3A_314, %get3A_315] {strides = array<i32>} : memref<64x128xf32, #tpu.memory_space<vmem>>, vector<1x16xf32>,
        %get3A_317 = vector.shape_cast %get3A_316 : vector<1x16xf32> to vector<16xf32>
        %mul3A_318 = arith.mulf %exp3A_308, %get3A_317 : vector<16xf32>
        %swap3A_319 = arith.index_cast %scan3A_195 : i32 to index
        %swap3A_320 = arith.constant 112 : index
        %swap3A_321 = tpu.vector_load %arg12[%swap3A_319, %swap3A_320] {strides = array<i32>} : memref<64x128xf32, #tpu.memory_space<vmem>>, vector<1x16xf32>,
        %swap3A_322 = vector.shape_cast %swap3A_321 : vector<1x16xf32> to vector<16xf32>
        %swap3A_323 = vector.shape_cast %mul3A_318 : vector<16xf32> to vector<1x16xf32>
        tpu.vector_store %arg12[%swap3A_319, %swap3A_320], %swap3A_323 {strides = array<i32>} : memref<64x128xf32, #tpu.memory_space<vmem>>, vector<1x16xf32>,
        %scan3A_324 = arith.constant 0 : i32
        scf.yield %scan3A_324 : i32
      }
      %scan3A_42 = arith.constant 64 : i32
      "tpu.region"() ({
        %run_scoped3A = tpu.sem_alloc : memref<!tpu.dma_semaphore, #tpu.memory_space<semaphore_mem>>
        %dma_start3A_68 = arith.constant 0 : i32
        %dma_start3A_69 = arith.constant 0 : i32
        %dma_start3A_70 = tpu.memref_slice %arg18[%dma_start3A_68, %dma_start3A_69] : memref<10112x128xf32, #tpu.memory_space<vmem_shared>> -> memref<10112x128xf32, #tpu.memory_space<vmem_shared>>
        tpu.enqueue_indirect_dma source(%arg12 : memref<64x128xf32, #tpu.memory_space<vmem>>) target(%dma_start3A_70 : memref<10112x128xf32, #tpu.memory_space<vmem_shared>>) offsets(%arg9 : memref<64xi32, #tpu.memory_space<vmem>>) semaphore(%run_scoped3A : memref<!tpu.dma_semaphore, #tpu.memory_space<semaphore_mem>>) {add = true}
        %dma_wait3A_71 = arith.constant 0 : i32
        %dma_wait3A_72 = arith.constant 0 : i32
        %dma_wait3A_73 = tpu.memref_slice %arg18[%dma_wait3A_71, %dma_wait3A_72] : memref<10112x128xf32, #tpu.memory_space<vmem_shared>> -> memref<10112x128xf32, #tpu.memory_space<vmem_shared>>
        tpu.wait_indirect_dma semaphore(%run_scoped3A : memref<!tpu.dma_semaphore, #tpu.memory_space<semaphore_mem>>) src(%arg12 : memref<64x128xf32, #tpu.memory_space<vmem>>) dst(%dma_wait3A_73 : memref<10112x128xf32, #tpu.memory_space<vmem_shared>>)
        tpu.yield
      }) : () -> ()
      %mul3A_43 = arith.constant 2 : i32
      %mul3A_44 = arith.muli %mul3A_43, %scan3A_21 : i32
      %add3A_45 = arith.constant 1 : i32
      %add3A_46 = arith.addi %mul3A_44, %add3A_45 : i32
      %dma_wait3A_47 = arith.constant 0 : i32
      %dma_wait3A_48 = arith.constant 0 : i32
      %dma_wait3A_49 = tpu.memref_slice %arg2[%dma_wait3A_47, %dma_wait3A_48] : memref<10240x128xf32, #tpu.memory_space<hbm>> -> memref<10240x128xf32, #tpu.memory_space<hbm>>
      tpu.wait_indirect_dma semaphore(%arg21 : memref<!tpu.dma_semaphore, #tpu.memory_space<semaphore_mem>>) src(%dma_wait3A_49 : memref<10240x128xf32, #tpu.memory_space<hbm>>) dst(%arg15 : memref<64x128xf32, #tpu.memory_space<vmem>>)
      %dma_wait3A_50 = arith.constant 0 : i32
      %dma_wait3A_51 = arith.constant 0 : i32
      %dma_wait3A_52 = tpu.memref_slice %arg3[%dma_wait3A_50, %dma_wait3A_51] : memref<10240x128xf32, #tpu.memory_space<hbm>> -> memref<10240x128xf32, #tpu.memory_space<hbm>>
      tpu.wait_indirect_dma semaphore(%arg22 : memref<!tpu.dma_semaphore, #tpu.memory_space<semaphore_mem>>) src(%dma_wait3A_52 : memref<10240x128xf32, #tpu.memory_space<hbm>>) dst(%arg16 : memref<64x128xf32, #tpu.memory_space<vmem>>)
      %add3A_53 = arith.constant 1 : i32
      %add3A_54 = arith.addi %add3A_46, %add3A_53 : i32
      %lt3A_55 = arith.constant 162 : i32
      %lt3A_56 = arith.cmpi slt, %add3A_54, %lt3A_55 : i32
      %convert_element_type3A_57 = arith.extui %lt3A_56 : i1 to i32
      %cond3A_58 = arith.constant 0 : i32
      %cond3A_59 = arith.cmpi ne, %convert_element_type3A_57, %cond3A_58 : i32
      scf.if %cond3A_59 {
        %add3A_68 = arith.constant 1 : i32
        %add3A_69 = arith.addi %add3A_46, %add3A_68 : i32
        %mul3A_70 = arith.constant 162 : i32
        %mul3A_71 = arith.muli %add3A, %mul3A_70 : i32
        %add3A_72 = arith.addi %mul3A_71, %add3A_69 : i32
        %mul3A_73 = arith.constant 64 : i32
        %mul3A_74 = arith.muli %add3A_72, %mul3A_73 : i32
        "tpu.region"() ({
          %run_scoped3A = tpu.sem_alloc : memref<!tpu.dma_semaphore, #tpu.memory_space<semaphore_mem>>
          %dma_start3A_81 = tpu.memref_slice %arg4[%mul3A_74] : memref<331776xi32, #tpu.memory_space<hbm>> -> memref<64xi32, #tpu.memory_space<hbm>>
          %dma_start3A_82 = tpu.memref_slice %arg4[%mul3A_74] : memref<331776xi32, #tpu.memory_space<hbm>> -> memref<64xi32, #tpu.memory_space<hbm>>
          tpu.enqueue_dma source(%dma_start3A_82 : memref<64xi32, #tpu.memory_space<hbm>>) target(%arg8 : memref<64xi32, #tpu.memory_space<vmem>>) target_semaphore(%run_scoped3A : memref<!tpu.dma_semaphore, #tpu.memory_space<semaphore_mem>>)
          %dma_wait3A_83 = tpu.memref_slice %arg4[%mul3A_74] : memref<331776xi32, #tpu.memory_space<hbm>> -> memref<64xi32, #tpu.memory_space<hbm>>
          %dma_wait3A_84 = tpu.memref_slice %arg4[%mul3A_74] : memref<331776xi32, #tpu.memory_space<hbm>> -> memref<64xi32, #tpu.memory_space<hbm>>
          tpu.wait_dma2 semaphore(%run_scoped3A : memref<!tpu.dma_semaphore, #tpu.memory_space<semaphore_mem>>) src(%dma_wait3A_84 : memref<64xi32, #tpu.memory_space<hbm>>) dst(%arg8 : memref<64xi32, #tpu.memory_space<vmem>>)
          tpu.yield
        }) : () -> ()
        "tpu.region"() ({
          %run_scoped3A = tpu.sem_alloc : memref<!tpu.dma_semaphore, #tpu.memory_space<semaphore_mem>>
          %dma_start3A_81 = tpu.memref_slice %arg5[%mul3A_74] : memref<331776xi32, #tpu.memory_space<hbm>> -> memref<64xi32, #tpu.memory_space<hbm>>
          %dma_start3A_82 = tpu.memref_slice %arg5[%mul3A_74] : memref<331776xi32, #tpu.memory_space<hbm>> -> memref<64xi32, #tpu.memory_space<hbm>>
          tpu.enqueue_dma source(%dma_start3A_82 : memref<64xi32, #tpu.memory_space<hbm>>) target(%arg9 : memref<64xi32, #tpu.memory_space<vmem>>) target_semaphore(%run_scoped3A : memref<!tpu.dma_semaphore, #tpu.memory_space<semaphore_mem>>)
          %dma_wait3A_83 = tpu.memref_slice %arg5[%mul3A_74] : memref<331776xi32, #tpu.memory_space<hbm>> -> memref<64xi32, #tpu.memory_space<hbm>>
          %dma_wait3A_84 = tpu.memref_slice %arg5[%mul3A_74] : memref<331776xi32, #tpu.memory_space<hbm>> -> memref<64xi32, #tpu.memory_space<hbm>>
          tpu.wait_dma2 semaphore(%run_scoped3A : memref<!tpu.dma_semaphore, #tpu.memory_space<semaphore_mem>>) src(%dma_wait3A_84 : memref<64xi32, #tpu.memory_space<hbm>>) dst(%arg9 : memref<64xi32, #tpu.memory_space<vmem>>)
          tpu.yield
        }) : () -> ()
        %dma_start3A_75 = arith.constant 0 : i32
        %dma_start3A_76 = arith.constant 0 : i32
        %dma_start3A_77 = tpu.memref_slice %arg2[%dma_start3A_75, %dma_start3A_76] : memref<10240x128xf32, #tpu.memory_space<hbm>> -> memref<10240x128xf32, #tpu.memory_space<hbm>>
        tpu.enqueue_indirect_dma source(%dma_start3A_77 : memref<10240x128xf32, #tpu.memory_space<hbm>>) target(%arg10 : memref<64x128xf32, #tpu.memory_space<vmem>>) offsets(%arg8 : memref<64xi32, #tpu.memory_space<vmem>>) semaphore(%arg19 : memref<!tpu.dma_semaphore, #tpu.memory_space<semaphore_mem>>)
        %dma_start3A_78 = arith.constant 0 : i32
        %dma_start3A_79 = arith.constant 0 : i32
        %dma_start3A_80 = tpu.memref_slice %arg3[%dma_start3A_78, %dma_start3A_79] : memref<10240x128xf32, #tpu.memory_space<hbm>> -> memref<10240x128xf32, #tpu.memory_space<hbm>>
        tpu.enqueue_indirect_dma source(%dma_start3A_80 : memref<10240x128xf32, #tpu.memory_space<hbm>>) target(%arg11 : memref<64x128xf32, #tpu.memory_space<vmem>>) offsets(%arg9 : memref<64xi32, #tpu.memory_space<vmem>>) semaphore(%arg20 : memref<!tpu.dma_semaphore, #tpu.memory_space<semaphore_mem>>)
      } else {
      }
      %scan3A_60 = arith.constant 0 : i32
      %scan3A_61 = arith.constant 0 : i32
      %scan3A_62 = arith.constant 64 : i32
      %scan3A_63 = arith.addi %scan3A_61, %scan3A_62 : i32
      %scan3A_64 = arith.constant 2 : i32
      %scan3A_65 = scf.for %scan3A_68 = %scan3A_61 to %scan3A_63 step %scan3A_64 iter_args(%scan3A_69 = %scan3A_60) -> (i32)  : i32 {
        %get3A = arith.index_cast %scan3A_68 : i32 to index
        %get3A_70 = arith.constant 0 : index
        %get3A_71 = tpu.vector_load %arg15[%get3A, %get3A_70] {strides = array<i32>} : memref<64x128xf32, #tpu.memory_space<vmem>>, vector<1x16xf32>,
        %get3A_72 = vector.shape_cast %get3A_71 : vector<1x16xf32> to vector<16xf32>
        %get3A_73 = arith.index_cast %scan3A_68 : i32 to index
        %get3A_74 = arith.constant 0 : index
        %get3A_75 = tpu.vector_load %arg16[%get3A_73, %get3A_74] {strides = array<i32>} : memref<64x128xf32, #tpu.memory_space<vmem>>, vector<1x16xf32>,
        %get3A_76 = vector.shape_cast %get3A_75 : vector<1x16xf32> to vector<16xf32>
        %add3A_77 = arith.addf %get3A_72, %get3A_76 : vector<16xf32>
        %ge3A = arith.constant 0.000000e+00 : f32
        %ge3A_78 = vector.broadcast %ge3A : f32 to vector<16xf32>
        %ge3A_79 = arith.cmpf oge, %add3A_77, %ge3A_78 : vector<16xf32>
        %mul3A_80 = arith.constant 2.000000e-01 : f32
        %mul3A_81 = vector.broadcast %mul3A_80 : f32 to vector<16xf32>
        %mul3A_82 = arith.mulf %mul3A_81, %add3A_77 : vector<16xf32>
        %select_n3A = arith.select %ge3A_79, %add3A_77, %mul3A_82 : vector<16xi1>, vector<16xf32>
        %exp3A = math.exp %select_n3A : vector<16xf32>
        %swap3A = arith.index_cast %scan3A_68 : i32 to index
        %swap3A_83 = arith.constant 0 : index
        %swap3A_84 = tpu.vector_load %arg17[%swap3A, %swap3A_83] {strides = array<i32>} : memref<64x128xf32, #tpu.memory_space<vmem>>, vector<1x16xf32>,
        %swap3A_85 = vector.shape_cast %swap3A_84 : vector<1x16xf32> to vector<16xf32>
        %swap3A_86 = vector.shape_cast %exp3A : vector<16xf32> to vector<1x16xf32>
        tpu.vector_store %arg17[%swap3A, %swap3A_83], %swap3A_86 {strides = array<i32>} : memref<64x128xf32, #tpu.memory_space<vmem>>, vector<1x16xf32>,
        %get3A_87 = arith.index_cast %scan3A_68 : i32 to index
        %get3A_88 = arith.constant 64 : index
        %get3A_89 = tpu.vector_load %arg15[%get3A_87, %get3A_88] {strides = array<i32>} : memref<64x128xf32, #tpu.memory_space<vmem>>, vector<1x16xf32>,
        %get3A_90 = vector.shape_cast %get3A_89 : vector<1x16xf32> to vector<16xf32>
        %mul3A_91 = arith.mulf %exp3A, %get3A_90 : vector<16xf32>
        %swap3A_92 = arith.index_cast %scan3A_68 : i32 to index
        %swap3A_93 = arith.constant 64 : index
        %swap3A_94 = tpu.vector_load %arg17[%swap3A_92, %swap3A_93] {strides = array<i32>} : memref<64x128xf32, #tpu.memory_space<vmem>>, vector<1x16xf32>,
        %swap3A_95 = vector.shape_cast %swap3A_94 : vector<1x16xf32> to vector<16xf32>
        %swap3A_96 = vector.shape_cast %mul3A_91 : vector<16xf32> to vector<1x16xf32>
        tpu.vector_store %arg17[%swap3A_92, %swap3A_93], %swap3A_96 {strides = array<i32>} : memref<64x128xf32, #tpu.memory_space<vmem>>, vector<1x16xf32>,
        %get3A_97 = arith.index_cast %scan3A_68 : i32 to index
        %get3A_98 = arith.constant 16 : index
        %get3A_99 = tpu.vector_load %arg15[%get3A_97, %get3A_98] {strides = array<i32>} : memref<64x128xf32, #tpu.memory_space<vmem>>, vector<1x16xf32>,
        %get3A_100 = vector.shape_cast %get3A_99 : vector<1x16xf32> to vector<16xf32>
        %get3A_101 = arith.index_cast %scan3A_68 : i32 to index
        %get3A_102 = arith.constant 16 : index
        %get3A_103 = tpu.vector_load %arg16[%get3A_101, %get3A_102] {strides = array<i32>} : memref<64x128xf32, #tpu.memory_space<vmem>>, vector<1x16xf32>,
        %get3A_104 = vector.shape_cast %get3A_103 : vector<1x16xf32> to vector<16xf32>
        %add3A_105 = arith.addf %get3A_100, %get3A_104 : vector<16xf32>
        %ge3A_106 = arith.constant 0.000000e+00 : f32
        %ge3A_107 = vector.broadcast %ge3A_106 : f32 to vector<16xf32>
        %ge3A_108 = arith.cmpf oge, %add3A_105, %ge3A_107 : vector<16xf32>
        %mul3A_109 = arith.constant 2.000000e-01 : f32
        %mul3A_110 = vector.broadcast %mul3A_109 : f32 to vector<16xf32>
        %mul3A_111 = arith.mulf %mul3A_110, %add3A_105 : vector<16xf32>
        %select_n3A_112 = arith.select %ge3A_108, %add3A_105, %mul3A_111 : vector<16xi1>, vector<16xf32>
        %exp3A_113 = math.exp %select_n3A_112 : vector<16xf32>
        %swap3A_114 = arith.index_cast %scan3A_68 : i32 to index
        %swap3A_115 = arith.constant 16 : index
        %swap3A_116 = tpu.vector_load %arg17[%swap3A_114, %swap3A_115] {strides = array<i32>} : memref<64x128xf32, #tpu.memory_space<vmem>>, vector<1x16xf32>,
        %swap3A_117 = vector.shape_cast %swap3A_116 : vector<1x16xf32> to vector<16xf32>
        %swap3A_118 = vector.shape_cast %exp3A_113 : vector<16xf32> to vector<1x16xf32>
        tpu.vector_store %arg17[%swap3A_114, %swap3A_115], %swap3A_118 {strides = array<i32>} : memref<64x128xf32, #tpu.memory_space<vmem>>, vector<1x16xf32>,
        %get3A_119 = arith.index_cast %scan3A_68 : i32 to index
        %get3A_120 = arith.constant 80 : index
        %get3A_121 = tpu.vector_load %arg15[%get3A_119, %get3A_120] {strides = array<i32>} : memref<64x128xf32, #tpu.memory_space<vmem>>, vector<1x16xf32>,
        %get3A_122 = vector.shape_cast %get3A_121 : vector<1x16xf32> to vector<16xf32>
        %mul3A_123 = arith.mulf %exp3A_113, %get3A_122 : vector<16xf32>
        %swap3A_124 = arith.index_cast %scan3A_68 : i32 to index
        %swap3A_125 = arith.constant 80 : index
        %swap3A_126 = tpu.vector_load %arg17[%swap3A_124, %swap3A_125] {strides = array<i32>} : memref<64x128xf32, #tpu.memory_space<vmem>>, vector<1x16xf32>,
        %swap3A_127 = vector.shape_cast %swap3A_126 : vector<1x16xf32> to vector<16xf32>
        %swap3A_128 = vector.shape_cast %mul3A_123 : vector<16xf32> to vector<1x16xf32>
        tpu.vector_store %arg17[%swap3A_124, %swap3A_125], %swap3A_128 {strides = array<i32>} : memref<64x128xf32, #tpu.memory_space<vmem>>, vector<1x16xf32>,
        %get3A_129 = arith.index_cast %scan3A_68 : i32 to index
        %get3A_130 = arith.constant 32 : index
        %get3A_131 = tpu.vector_load %arg15[%get3A_129, %get3A_130] {strides = array<i32>} : memref<64x128xf32, #tpu.memory_space<vmem>>, vector<1x16xf32>,
        %get3A_132 = vector.shape_cast %get3A_131 : vector<1x16xf32> to vector<16xf32>
        %get3A_133 = arith.index_cast %scan3A_68 : i32 to index
        %get3A_134 = arith.constant 32 : index
        %get3A_135 = tpu.vector_load %arg16[%get3A_133, %get3A_134] {strides = array<i32>} : memref<64x128xf32, #tpu.memory_space<vmem>>, vector<1x16xf32>,
        %get3A_136 = vector.shape_cast %get3A_135 : vector<1x16xf32> to vector<16xf32>
        %add3A_137 = arith.addf %get3A_132, %get3A_136 : vector<16xf32>
        %ge3A_138 = arith.constant 0.000000e+00 : f32
        %ge3A_139 = vector.broadcast %ge3A_138 : f32 to vector<16xf32>
        %ge3A_140 = arith.cmpf oge, %add3A_137, %ge3A_139 : vector<16xf32>
        %mul3A_141 = arith.constant 2.000000e-01 : f32
        %mul3A_142 = vector.broadcast %mul3A_141 : f32 to vector<16xf32>
        %mul3A_143 = arith.mulf %mul3A_142, %add3A_137 : vector<16xf32>
        %select_n3A_144 = arith.select %ge3A_140, %add3A_137, %mul3A_143 : vector<16xi1>, vector<16xf32>
        %exp3A_145 = math.exp %select_n3A_144 : vector<16xf32>
        %swap3A_146 = arith.index_cast %scan3A_68 : i32 to index
        %swap3A_147 = arith.constant 32 : index
        %swap3A_148 = tpu.vector_load %arg17[%swap3A_146, %swap3A_147] {strides = array<i32>} : memref<64x128xf32, #tpu.memory_space<vmem>>, vector<1x16xf32>,
        %swap3A_149 = vector.shape_cast %swap3A_148 : vector<1x16xf32> to vector<16xf32>
        %swap3A_150 = vector.shape_cast %exp3A_145 : vector<16xf32> to vector<1x16xf32>
        tpu.vector_store %arg17[%swap3A_146, %swap3A_147], %swap3A_150 {strides = array<i32>} : memref<64x128xf32, #tpu.memory_space<vmem>>, vector<1x16xf32>,
        %get3A_151 = arith.index_cast %scan3A_68 : i32 to index
        %get3A_152 = arith.constant 96 : index
        %get3A_153 = tpu.vector_load %arg15[%get3A_151, %get3A_152] {strides = array<i32>} : memref<64x128xf32, #tpu.memory_space<vmem>>, vector<1x16xf32>,
        %get3A_154 = vector.shape_cast %get3A_153 : vector<1x16xf32> to vector<16xf32>
        %mul3A_155 = arith.mulf %exp3A_145, %get3A_154 : vector<16xf32>
        %swap3A_156 = arith.index_cast %scan3A_68 : i32 to index
        %swap3A_157 = arith.constant 96 : index
        %swap3A_158 = tpu.vector_load %arg17[%swap3A_156, %swap3A_157] {strides = array<i32>} : memref<64x128xf32, #tpu.memory_space<vmem>>, vector<1x16xf32>,
        %swap3A_159 = vector.shape_cast %swap3A_158 : vector<1x16xf32> to vector<16xf32>
        %swap3A_160 = vector.shape_cast %mul3A_155 : vector<16xf32> to vector<1x16xf32>
        tpu.vector_store %arg17[%swap3A_156, %swap3A_157], %swap3A_160 {strides = array<i32>} : memref<64x128xf32, #tpu.memory_space<vmem>>, vector<1x16xf32>,
        %get3A_161 = arith.index_cast %scan3A_68 : i32 to index
        %get3A_162 = arith.constant 48 : index
        %get3A_163 = tpu.vector_load %arg15[%get3A_161, %get3A_162] {strides = array<i32>} : memref<64x128xf32, #tpu.memory_space<vmem>>, vector<1x16xf32>,
        %get3A_164 = vector.shape_cast %get3A_163 : vector<1x16xf32> to vector<16xf32>
        %get3A_165 = arith.index_cast %scan3A_68 : i32 to index
        %get3A_166 = arith.constant 48 : index
        %get3A_167 = tpu.vector_load %arg16[%get3A_165, %get3A_166] {strides = array<i32>} : memref<64x128xf32, #tpu.memory_space<vmem>>, vector<1x16xf32>,
        %get3A_168 = vector.shape_cast %get3A_167 : vector<1x16xf32> to vector<16xf32>
        %add3A_169 = arith.addf %get3A_164, %get3A_168 : vector<16xf32>
        %ge3A_170 = arith.constant 0.000000e+00 : f32
        %ge3A_171 = vector.broadcast %ge3A_170 : f32 to vector<16xf32>
        %ge3A_172 = arith.cmpf oge, %add3A_169, %ge3A_171 : vector<16xf32>
        %mul3A_173 = arith.constant 2.000000e-01 : f32
        %mul3A_174 = vector.broadcast %mul3A_173 : f32 to vector<16xf32>
        %mul3A_175 = arith.mulf %mul3A_174, %add3A_169 : vector<16xf32>
        %select_n3A_176 = arith.select %ge3A_172, %add3A_169, %mul3A_175 : vector<16xi1>, vector<16xf32>
        %exp3A_177 = math.exp %select_n3A_176 : vector<16xf32>
        %swap3A_178 = arith.index_cast %scan3A_68 : i32 to index
        %swap3A_179 = arith.constant 48 : index
        %swap3A_180 = tpu.vector_load %arg17[%swap3A_178, %swap3A_179] {strides = array<i32>} : memref<64x128xf32, #tpu.memory_space<vmem>>, vector<1x16xf32>,
        %swap3A_181 = vector.shape_cast %swap3A_180 : vector<1x16xf32> to vector<16xf32>
        %swap3A_182 = vector.shape_cast %exp3A_177 : vector<16xf32> to vector<1x16xf32>
        tpu.vector_store %arg17[%swap3A_178, %swap3A_179], %swap3A_182 {strides = array<i32>} : memref<64x128xf32, #tpu.memory_space<vmem>>, vector<1x16xf32>,
        %get3A_183 = arith.index_cast %scan3A_68 : i32 to index
        %get3A_184 = arith.constant 112 : index
        %get3A_185 = tpu.vector_load %arg15[%get3A_183, %get3A_184] {strides = array<i32>} : memref<64x128xf32, #tpu.memory_space<vmem>>, vector<1x16xf32>,
        %get3A_186 = vector.shape_cast %get3A_185 : vector<1x16xf32> to vector<16xf32>
        %mul3A_187 = arith.mulf %exp3A_177, %get3A_186 : vector<16xf32>
        %swap3A_188 = arith.index_cast %scan3A_68 : i32 to index
        %swap3A_189 = arith.constant 112 : index
        %swap3A_190 = tpu.vector_load %arg17[%swap3A_188, %swap3A_189] {strides = array<i32>} : memref<64x128xf32, #tpu.memory_space<vmem>>, vector<1x16xf32>,
        %swap3A_191 = vector.shape_cast %swap3A_190 : vector<1x16xf32> to vector<16xf32>
        %swap3A_192 = vector.shape_cast %mul3A_187 : vector<16xf32> to vector<1x16xf32>
        tpu.vector_store %arg17[%swap3A_188, %swap3A_189], %swap3A_192 {strides = array<i32>} : memref<64x128xf32, #tpu.memory_space<vmem>>, vector<1x16xf32>,
        %scan3A_193 = arith.constant 0 : i32
        %scan3A_194 = arith.constant 1 : i32
        %scan3A_195 = arith.addi %scan3A_68, %scan3A_194 : i32
        %get3A_196 = arith.index_cast %scan3A_195 : i32 to index
        %get3A_197 = arith.constant 0 : index
        %get3A_198 = tpu.vector_load %arg15[%get3A_196, %get3A_197] {strides = array<i32>} : memref<64x128xf32, #tpu.memory_space<vmem>>, vector<1x16xf32>,
        %get3A_199 = vector.shape_cast %get3A_198 : vector<1x16xf32> to vector<16xf32>
        %get3A_200 = arith.index_cast %scan3A_195 : i32 to index
        %get3A_201 = arith.constant 0 : index
        %get3A_202 = tpu.vector_load %arg16[%get3A_200, %get3A_201] {strides = array<i32>} : memref<64x128xf32, #tpu.memory_space<vmem>>, vector<1x16xf32>,
        %get3A_203 = vector.shape_cast %get3A_202 : vector<1x16xf32> to vector<16xf32>
        %add3A_204 = arith.addf %get3A_199, %get3A_203 : vector<16xf32>
        %ge3A_205 = arith.constant 0.000000e+00 : f32
        %ge3A_206 = vector.broadcast %ge3A_205 : f32 to vector<16xf32>
        %ge3A_207 = arith.cmpf oge, %add3A_204, %ge3A_206 : vector<16xf32>
        %mul3A_208 = arith.constant 2.000000e-01 : f32
        %mul3A_209 = vector.broadcast %mul3A_208 : f32 to vector<16xf32>
        %mul3A_210 = arith.mulf %mul3A_209, %add3A_204 : vector<16xf32>
        %select_n3A_211 = arith.select %ge3A_207, %add3A_204, %mul3A_210 : vector<16xi1>, vector<16xf32>
        %exp3A_212 = math.exp %select_n3A_211 : vector<16xf32>
        %swap3A_213 = arith.index_cast %scan3A_195 : i32 to index
        %swap3A_214 = arith.constant 0 : index
        %swap3A_215 = tpu.vector_load %arg17[%swap3A_213, %swap3A_214] {strides = array<i32>} : memref<64x128xf32, #tpu.memory_space<vmem>>, vector<1x16xf32>,
        %swap3A_216 = vector.shape_cast %swap3A_215 : vector<1x16xf32> to vector<16xf32>
        %swap3A_217 = vector.shape_cast %exp3A_212 : vector<16xf32> to vector<1x16xf32>
        tpu.vector_store %arg17[%swap3A_213, %swap3A_214], %swap3A_217 {strides = array<i32>} : memref<64x128xf32, #tpu.memory_space<vmem>>, vector<1x16xf32>,
        %get3A_218 = arith.index_cast %scan3A_195 : i32 to index
        %get3A_219 = arith.constant 64 : index
        %get3A_220 = tpu.vector_load %arg15[%get3A_218, %get3A_219] {strides = array<i32>} : memref<64x128xf32, #tpu.memory_space<vmem>>, vector<1x16xf32>,
        %get3A_221 = vector.shape_cast %get3A_220 : vector<1x16xf32> to vector<16xf32>
        %mul3A_222 = arith.mulf %exp3A_212, %get3A_221 : vector<16xf32>
        %swap3A_223 = arith.index_cast %scan3A_195 : i32 to index
        %swap3A_224 = arith.constant 64 : index
        %swap3A_225 = tpu.vector_load %arg17[%swap3A_223, %swap3A_224] {strides = array<i32>} : memref<64x128xf32, #tpu.memory_space<vmem>>, vector<1x16xf32>,
        %swap3A_226 = vector.shape_cast %swap3A_225 : vector<1x16xf32> to vector<16xf32>
        %swap3A_227 = vector.shape_cast %mul3A_222 : vector<16xf32> to vector<1x16xf32>
        tpu.vector_store %arg17[%swap3A_223, %swap3A_224], %swap3A_227 {strides = array<i32>} : memref<64x128xf32, #tpu.memory_space<vmem>>, vector<1x16xf32>,
        %get3A_228 = arith.index_cast %scan3A_195 : i32 to index
        %get3A_229 = arith.constant 16 : index
        %get3A_230 = tpu.vector_load %arg15[%get3A_228, %get3A_229] {strides = array<i32>} : memref<64x128xf32, #tpu.memory_space<vmem>>, vector<1x16xf32>,
        %get3A_231 = vector.shape_cast %get3A_230 : vector<1x16xf32> to vector<16xf32>
        %get3A_232 = arith.index_cast %scan3A_195 : i32 to index
        %get3A_233 = arith.constant 16 : index
        %get3A_234 = tpu.vector_load %arg16[%get3A_232, %get3A_233] {strides = array<i32>} : memref<64x128xf32, #tpu.memory_space<vmem>>, vector<1x16xf32>,
        %get3A_235 = vector.shape_cast %get3A_234 : vector<1x16xf32> to vector<16xf32>
        %add3A_236 = arith.addf %get3A_231, %get3A_235 : vector<16xf32>
        %ge3A_237 = arith.constant 0.000000e+00 : f32
        %ge3A_238 = vector.broadcast %ge3A_237 : f32 to vector<16xf32>
        %ge3A_239 = arith.cmpf oge, %add3A_236, %ge3A_238 : vector<16xf32>
        %mul3A_240 = arith.constant 2.000000e-01 : f32
        %mul3A_241 = vector.broadcast %mul3A_240 : f32 to vector<16xf32>
        %mul3A_242 = arith.mulf %mul3A_241, %add3A_236 : vector<16xf32>
        %select_n3A_243 = arith.select %ge3A_239, %add3A_236, %mul3A_242 : vector<16xi1>, vector<16xf32>
        %exp3A_244 = math.exp %select_n3A_243 : vector<16xf32>
        %swap3A_245 = arith.index_cast %scan3A_195 : i32 to index
        %swap3A_246 = arith.constant 16 : index
        %swap3A_247 = tpu.vector_load %arg17[%swap3A_245, %swap3A_246] {strides = array<i32>} : memref<64x128xf32, #tpu.memory_space<vmem>>, vector<1x16xf32>,
        %swap3A_248 = vector.shape_cast %swap3A_247 : vector<1x16xf32> to vector<16xf32>
        %swap3A_249 = vector.shape_cast %exp3A_244 : vector<16xf32> to vector<1x16xf32>
        tpu.vector_store %arg17[%swap3A_245, %swap3A_246], %swap3A_249 {strides = array<i32>} : memref<64x128xf32, #tpu.memory_space<vmem>>, vector<1x16xf32>,
        %get3A_250 = arith.index_cast %scan3A_195 : i32 to index
        %get3A_251 = arith.constant 80 : index
        %get3A_252 = tpu.vector_load %arg15[%get3A_250, %get3A_251] {strides = array<i32>} : memref<64x128xf32, #tpu.memory_space<vmem>>, vector<1x16xf32>,
        %get3A_253 = vector.shape_cast %get3A_252 : vector<1x16xf32> to vector<16xf32>
        %mul3A_254 = arith.mulf %exp3A_244, %get3A_253 : vector<16xf32>
        %swap3A_255 = arith.index_cast %scan3A_195 : i32 to index
        %swap3A_256 = arith.constant 80 : index
        %swap3A_257 = tpu.vector_load %arg17[%swap3A_255, %swap3A_256] {strides = array<i32>} : memref<64x128xf32, #tpu.memory_space<vmem>>, vector<1x16xf32>,
        %swap3A_258 = vector.shape_cast %swap3A_257 : vector<1x16xf32> to vector<16xf32>
        %swap3A_259 = vector.shape_cast %mul3A_254 : vector<16xf32> to vector<1x16xf32>
        tpu.vector_store %arg17[%swap3A_255, %swap3A_256], %swap3A_259 {strides = array<i32>} : memref<64x128xf32, #tpu.memory_space<vmem>>, vector<1x16xf32>,
        %get3A_260 = arith.index_cast %scan3A_195 : i32 to index
        %get3A_261 = arith.constant 32 : index
        %get3A_262 = tpu.vector_load %arg15[%get3A_260, %get3A_261] {strides = array<i32>} : memref<64x128xf32, #tpu.memory_space<vmem>>, vector<1x16xf32>,
        %get3A_263 = vector.shape_cast %get3A_262 : vector<1x16xf32> to vector<16xf32>
        %get3A_264 = arith.index_cast %scan3A_195 : i32 to index
        %get3A_265 = arith.constant 32 : index
        %get3A_266 = tpu.vector_load %arg16[%get3A_264, %get3A_265] {strides = array<i32>} : memref<64x128xf32, #tpu.memory_space<vmem>>, vector<1x16xf32>,
        %get3A_267 = vector.shape_cast %get3A_266 : vector<1x16xf32> to vector<16xf32>
        %add3A_268 = arith.addf %get3A_263, %get3A_267 : vector<16xf32>
        %ge3A_269 = arith.constant 0.000000e+00 : f32
        %ge3A_270 = vector.broadcast %ge3A_269 : f32 to vector<16xf32>
        %ge3A_271 = arith.cmpf oge, %add3A_268, %ge3A_270 : vector<16xf32>
        %mul3A_272 = arith.constant 2.000000e-01 : f32
        %mul3A_273 = vector.broadcast %mul3A_272 : f32 to vector<16xf32>
        %mul3A_274 = arith.mulf %mul3A_273, %add3A_268 : vector<16xf32>
        %select_n3A_275 = arith.select %ge3A_271, %add3A_268, %mul3A_274 : vector<16xi1>, vector<16xf32>
        %exp3A_276 = math.exp %select_n3A_275 : vector<16xf32>
        %swap3A_277 = arith.index_cast %scan3A_195 : i32 to index
        %swap3A_278 = arith.constant 32 : index
        %swap3A_279 = tpu.vector_load %arg17[%swap3A_277, %swap3A_278] {strides = array<i32>} : memref<64x128xf32, #tpu.memory_space<vmem>>, vector<1x16xf32>,
        %swap3A_280 = vector.shape_cast %swap3A_279 : vector<1x16xf32> to vector<16xf32>
        %swap3A_281 = vector.shape_cast %exp3A_276 : vector<16xf32> to vector<1x16xf32>
        tpu.vector_store %arg17[%swap3A_277, %swap3A_278], %swap3A_281 {strides = array<i32>} : memref<64x128xf32, #tpu.memory_space<vmem>>, vector<1x16xf32>,
        %get3A_282 = arith.index_cast %scan3A_195 : i32 to index
        %get3A_283 = arith.constant 96 : index
        %get3A_284 = tpu.vector_load %arg15[%get3A_282, %get3A_283] {strides = array<i32>} : memref<64x128xf32, #tpu.memory_space<vmem>>, vector<1x16xf32>,
        %get3A_285 = vector.shape_cast %get3A_284 : vector<1x16xf32> to vector<16xf32>
        %mul3A_286 = arith.mulf %exp3A_276, %get3A_285 : vector<16xf32>
        %swap3A_287 = arith.index_cast %scan3A_195 : i32 to index
        %swap3A_288 = arith.constant 96 : index
        %swap3A_289 = tpu.vector_load %arg17[%swap3A_287, %swap3A_288] {strides = array<i32>} : memref<64x128xf32, #tpu.memory_space<vmem>>, vector<1x16xf32>,
        %swap3A_290 = vector.shape_cast %swap3A_289 : vector<1x16xf32> to vector<16xf32>
        %swap3A_291 = vector.shape_cast %mul3A_286 : vector<16xf32> to vector<1x16xf32>
        tpu.vector_store %arg17[%swap3A_287, %swap3A_288], %swap3A_291 {strides = array<i32>} : memref<64x128xf32, #tpu.memory_space<vmem>>, vector<1x16xf32>,
        %get3A_292 = arith.index_cast %scan3A_195 : i32 to index
        %get3A_293 = arith.constant 48 : index
        %get3A_294 = tpu.vector_load %arg15[%get3A_292, %get3A_293] {strides = array<i32>} : memref<64x128xf32, #tpu.memory_space<vmem>>, vector<1x16xf32>,
        %get3A_295 = vector.shape_cast %get3A_294 : vector<1x16xf32> to vector<16xf32>
        %get3A_296 = arith.index_cast %scan3A_195 : i32 to index
        %get3A_297 = arith.constant 48 : index
        %get3A_298 = tpu.vector_load %arg16[%get3A_296, %get3A_297] {strides = array<i32>} : memref<64x128xf32, #tpu.memory_space<vmem>>, vector<1x16xf32>,
        %get3A_299 = vector.shape_cast %get3A_298 : vector<1x16xf32> to vector<16xf32>
        %add3A_300 = arith.addf %get3A_295, %get3A_299 : vector<16xf32>
        %ge3A_301 = arith.constant 0.000000e+00 : f32
        %ge3A_302 = vector.broadcast %ge3A_301 : f32 to vector<16xf32>
        %ge3A_303 = arith.cmpf oge, %add3A_300, %ge3A_302 : vector<16xf32>
        %mul3A_304 = arith.constant 2.000000e-01 : f32
        %mul3A_305 = vector.broadcast %mul3A_304 : f32 to vector<16xf32>
        %mul3A_306 = arith.mulf %mul3A_305, %add3A_300 : vector<16xf32>
        %select_n3A_307 = arith.select %ge3A_303, %add3A_300, %mul3A_306 : vector<16xi1>, vector<16xf32>
        %exp3A_308 = math.exp %select_n3A_307 : vector<16xf32>
        %swap3A_309 = arith.index_cast %scan3A_195 : i32 to index
        %swap3A_310 = arith.constant 48 : index
        %swap3A_311 = tpu.vector_load %arg17[%swap3A_309, %swap3A_310] {strides = array<i32>} : memref<64x128xf32, #tpu.memory_space<vmem>>, vector<1x16xf32>,
        %swap3A_312 = vector.shape_cast %swap3A_311 : vector<1x16xf32> to vector<16xf32>
        %swap3A_313 = vector.shape_cast %exp3A_308 : vector<16xf32> to vector<1x16xf32>
        tpu.vector_store %arg17[%swap3A_309, %swap3A_310], %swap3A_313 {strides = array<i32>} : memref<64x128xf32, #tpu.memory_space<vmem>>, vector<1x16xf32>,
        %get3A_314 = arith.index_cast %scan3A_195 : i32 to index
        %get3A_315 = arith.constant 112 : index
        %get3A_316 = tpu.vector_load %arg15[%get3A_314, %get3A_315] {strides = array<i32>} : memref<64x128xf32, #tpu.memory_space<vmem>>, vector<1x16xf32>,
        %get3A_317 = vector.shape_cast %get3A_316 : vector<1x16xf32> to vector<16xf32>
        %mul3A_318 = arith.mulf %exp3A_308, %get3A_317 : vector<16xf32>
        %swap3A_319 = arith.index_cast %scan3A_195 : i32 to index
        %swap3A_320 = arith.constant 112 : index
        %swap3A_321 = tpu.vector_load %arg17[%swap3A_319, %swap3A_320] {strides = array<i32>} : memref<64x128xf32, #tpu.memory_space<vmem>>, vector<1x16xf32>,
        %swap3A_322 = vector.shape_cast %swap3A_321 : vector<1x16xf32> to vector<16xf32>
        %swap3A_323 = vector.shape_cast %mul3A_318 : vector<16xf32> to vector<1x16xf32>
        tpu.vector_store %arg17[%swap3A_319, %swap3A_320], %swap3A_323 {strides = array<i32>} : memref<64x128xf32, #tpu.memory_space<vmem>>, vector<1x16xf32>,
        %scan3A_324 = arith.constant 0 : i32
        scf.yield %scan3A_324 : i32
      }
      %scan3A_66 = arith.constant 64 : i32
      "tpu.region"() ({
        %run_scoped3A = tpu.sem_alloc : memref<!tpu.dma_semaphore, #tpu.memory_space<semaphore_mem>>
        %dma_start3A_68 = arith.constant 0 : i32
        %dma_start3A_69 = arith.constant 0 : i32
        %dma_start3A_70 = tpu.memref_slice %arg18[%dma_start3A_68, %dma_start3A_69] : memref<10112x128xf32, #tpu.memory_space<vmem_shared>> -> memref<10112x128xf32, #tpu.memory_space<vmem_shared>>
        tpu.enqueue_indirect_dma source(%arg17 : memref<64x128xf32, #tpu.memory_space<vmem>>) target(%dma_start3A_70 : memref<10112x128xf32, #tpu.memory_space<vmem_shared>>) offsets(%arg14 : memref<64xi32, #tpu.memory_space<vmem>>) semaphore(%run_scoped3A : memref<!tpu.dma_semaphore, #tpu.memory_space<semaphore_mem>>) {add = true}
        %dma_wait3A_71 = arith.constant 0 : i32
        %dma_wait3A_72 = arith.constant 0 : i32
        %dma_wait3A_73 = tpu.memref_slice %arg18[%dma_wait3A_71, %dma_wait3A_72] : memref<10112x128xf32, #tpu.memory_space<vmem_shared>> -> memref<10112x128xf32, #tpu.memory_space<vmem_shared>>
        tpu.wait_indirect_dma semaphore(%run_scoped3A : memref<!tpu.dma_semaphore, #tpu.memory_space<semaphore_mem>>) src(%arg17 : memref<64x128xf32, #tpu.memory_space<vmem>>) dst(%dma_wait3A_73 : memref<10112x128xf32, #tpu.memory_space<vmem_shared>>)
        tpu.yield
      }) : () -> ()
      %scan3A_67 = arith.constant 0 : i32
      scf.yield %scan3A_67 : i32
    }
    %scan3A_19 = arith.constant 81 : i32
    %barrier3A_20 = arith.constant 0 : index
    tpu.barrier barrier_id(%barrier3A_20)
    "tpu.region"() ({
      %run_scoped3A = tpu.sem_alloc : memref<!tpu.dma_semaphore, #tpu.memory_space<semaphore_mem>>
      %dma_start3A_21 = arith.constant 0 : i32
      %dma_start3A_22 = tpu.memref_slice %arg7[%arg0, %mul3A_2, %dma_start3A_21] : memref<2x10112x128xf32, #tpu.memory_space<hbm>> -> memref<1x632x128xf32, #tpu.memory_space<hbm>>
      %dma_start3A_23 = tpu.memref_squeeze %dma_start3A_22 : memref<1x632x128xf32, #tpu.memory_space<hbm>> -> memref<632x128xf32, #tpu.memory_space<hbm>>
      %dma_start3A_24 = arith.constant 0 : i32
      %dma_start3A_25 = tpu.memref_slice %arg18[%mul3A_2, %dma_start3A_24] : memref<10112x128xf32, #tpu.memory_space<vmem_shared>> -> memref<632x128xf32, #tpu.memory_space<vmem_shared>>
      tpu.enqueue_dma source(%dma_start3A_25 : memref<632x128xf32, #tpu.memory_space<vmem_shared>>) target(%dma_start3A_23 : memref<632x128xf32, #tpu.memory_space<hbm>>) target_semaphore(%run_scoped3A : memref<!tpu.dma_semaphore, #tpu.memory_space<semaphore_mem>>)
      %dma_wait3A = arith.constant 0 : i32
      %dma_wait3A_26 = tpu.memref_slice %arg7[%arg0, %mul3A_2, %dma_wait3A] : memref<2x10112x128xf32, #tpu.memory_space<hbm>> -> memref<1x632x128xf32, #tpu.memory_space<hbm>>
      %dma_wait3A_27 = tpu.memref_squeeze %dma_wait3A_26 : memref<1x632x128xf32, #tpu.memory_space<hbm>> -> memref<632x128xf32, #tpu.memory_space<hbm>>
      %dma_wait3A_28 = arith.constant 0 : i32
      %dma_wait3A_29 = tpu.memref_slice %arg18[%mul3A_2, %dma_wait3A_28] : memref<10112x128xf32, #tpu.memory_space<vmem_shared>> -> memref<632x128xf32, #tpu.memory_space<vmem_shared>>
      tpu.wait_dma2 semaphore(%run_scoped3A : memref<!tpu.dma_semaphore, #tpu.memory_space<semaphore_mem>>) src(%dma_wait3A_29 : memref<632x128xf32, #tpu.memory_space<vmem_shared>>) dst(%dma_wait3A_27 : memref<632x128xf32, #tpu.memory_space<hbm>>)
      tpu.yield
    }) : () -> ()
    return
  }
}

module attributes {stable_mosaic.version = 14 : i64} {
  func.func @_pre_body(%arg0: i32, %arg1: memref<256x128xf32, #tpu.memory_space<vmem>>, %arg2: memref<128x64xf32, #tpu.memory_space<vmem>>, %arg3: memref<64x64xf32, #tpu.memory_space<vmem>>, %arg4: memref<64x64xf32, #tpu.memory_space<vmem>>, %arg5: memref<256x64xf32, #tpu.memory_space<vmem>>, %arg6: memref<256x64xf32, #tpu.memory_space<vmem>>, %arg7: memref<256x64xf32, #tpu.memory_space<vmem>>) attributes {dimension_semantics = [#tpu.dimension_semantics<arbitrary>], iteration_bounds = array<i64: 40>, scalar_prefetch = 0 : i64, scratch_operands = 0 : i64, tpu.core_type = #tpu.core_type<tc>, window_params = [{transform_indices = @transform_0, window_bounds = array<i64: 256, 128>}, {pipeline_mode = #tpu.pipeline_mode<synchronous>, transform_indices = @transform_1, window_bounds = array<i64: 128, 64>}, {pipeline_mode = #tpu.pipeline_mode<synchronous>, transform_indices = @transform_2, window_bounds = array<i64: 64, 64>}, {pipeline_mode = #tpu.pipeline_mode<synchronous>, transform_indices = @transform_3, window_bounds = array<i64: 64, 64>}, {transform_indices = @transform_4, window_bounds = array<i64: 256, 64>}, {transform_indices = @transform_5, window_bounds = array<i64: 256, 64>}, {transform_indices = @transform_6, window_bounds = array<i64: 256, 64>}]} {
    %get3A = arith.constant 0 : index
    %get3A_0 = arith.constant 0 : index
    %get3A_1 = vector.load %arg1[%get3A, %get3A_0] : memref<256x128xf32, #tpu.memory_space<vmem>>, vector<256x128xf32>
    %get3A_2 = arith.constant 0 : index
    %get3A_3 = arith.constant 0 : index
    %get3A_4 = vector.load %arg2[%get3A_2, %get3A_3] : memref<128x64xf32, #tpu.memory_space<vmem>>, vector<128x64xf32>
    %dot_general3A = arith.constant dense<0.000000e+00> : vector<256x64xf32>
    %dot_general3A_5 = tpu.matmul %get3A_1, %get3A_4, %dot_general3A {dimension_numbers = #tpu.dot_dimension_numbers<[1], [0], [0], [1], [0, 0, 1, 1], [], []>, transpose_lhs_hint = false} : vector<256x128xf32>, vector<128x64xf32>, vector<256x64xf32> -> vector<256x64xf32>
    %swap3A = arith.constant 0 : index
    %swap3A_6 = arith.constant 0 : index
    %swap3A_7 = vector.load %arg5[%swap3A, %swap3A_6] : memref<256x64xf32, #tpu.memory_space<vmem>>, vector<256x64xf32>
    tpu.vector_store %arg5[%swap3A, %swap3A_6], %dot_general3A_5 {strides = array<i32>} : memref<256x64xf32, #tpu.memory_space<vmem>>, vector<256x64xf32>,
    %get3A_8 = arith.constant 0 : index
    %get3A_9 = arith.constant 0 : index
    %get3A_10 = vector.load %arg3[%get3A_8, %get3A_9] : memref<64x64xf32, #tpu.memory_space<vmem>>, vector<64x64xf32>
    %dot_general3A_11 = arith.constant dense<0.000000e+00> : vector<256x64xf32>
    %dot_general3A_12 = tpu.matmul %dot_general3A_5, %get3A_10, %dot_general3A_11 {dimension_numbers = #tpu.dot_dimension_numbers<[1], [0], [0], [1], [0, 0, 1, 1], [], []>, transpose_lhs_hint = false} : vector<256x64xf32>, vector<64x64xf32>, vector<256x64xf32> -> vector<256x64xf32>
    %swap3A_13 = arith.constant 0 : index
    %swap3A_14 = arith.constant 0 : index
    %swap3A_15 = vector.load %arg6[%swap3A_13, %swap3A_14] : memref<256x64xf32, #tpu.memory_space<vmem>>, vector<256x64xf32>
    tpu.vector_store %arg6[%swap3A_13, %swap3A_14], %dot_general3A_12 {strides = array<i32>} : memref<256x64xf32, #tpu.memory_space<vmem>>, vector<256x64xf32>,
    %get3A_16 = arith.constant 0 : index
    %get3A_17 = arith.constant 0 : index
    %get3A_18 = vector.load %arg4[%get3A_16, %get3A_17] : memref<64x64xf32, #tpu.memory_space<vmem>>, vector<64x64xf32>
    %dot_general3A_19 = arith.constant dense<0.000000e+00> : vector<256x64xf32>
    %dot_general3A_20 = tpu.matmul %dot_general3A_5, %get3A_18, %dot_general3A_19 {dimension_numbers = #tpu.dot_dimension_numbers<[1], [0], [0], [1], [0, 0, 1, 1], [], []>, transpose_lhs_hint = false} : vector<256x64xf32>, vector<64x64xf32>, vector<256x64xf32> -> vector<256x64xf32>
    %swap3A_21 = arith.constant 0 : index
    %swap3A_22 = arith.constant 0 : index
    %swap3A_23 = vector.load %arg7[%swap3A_21, %swap3A_22] : memref<256x64xf32, #tpu.memory_space<vmem>>, vector<256x64xf32>
    tpu.vector_store %arg7[%swap3A_21, %swap3A_22], %dot_general3A_20 {strides = array<i32>} : memref<256x64xf32, #tpu.memory_space<vmem>>, vector<256x64xf32>,
    return
  }
  func.func @transform_0(%arg0: i32) -> (i32, i32) {
    %c0_i32 = arith.constant 0 : i32
    %c0_i32_0 = arith.constant 0 : i32
    return %arg0, %c0_i32 : i32, i32
  }
  func.func @transform_1(%arg0: i32) -> (i32, i32) {
    %c0_i32 = arith.constant 0 : i32
    %c0_i32_0 = arith.constant 0 : i32
    %c0_i32_1 = arith.constant 0 : i32
    return %c0_i32, %c0_i32_0 : i32, i32
  }
  func.func @transform_2(%arg0: i32) -> (i32, i32) {
    %c0_i32 = arith.constant 0 : i32
    %c0_i32_0 = arith.constant 0 : i32
    %c0_i32_1 = arith.constant 0 : i32
    return %c0_i32, %c0_i32_0 : i32, i32
  }
  func.func @transform_3(%arg0: i32) -> (i32, i32) {
    %c0_i32 = arith.constant 0 : i32
    %c0_i32_0 = arith.constant 0 : i32
    %c0_i32_1 = arith.constant 0 : i32
    return %c0_i32, %c0_i32_0 : i32, i32
  }
  func.func @transform_4(%arg0: i32) -> (i32, i32) {
    %c0_i32 = arith.constant 0 : i32
    %c0_i32_0 = arith.constant 0 : i32
    return %arg0, %c0_i32 : i32, i32
  }
  func.func @transform_5(%arg0: i32) -> (i32, i32) {
    %c0_i32 = arith.constant 0 : i32
    %c0_i32_0 = arith.constant 0 : i32
    return %arg0, %c0_i32 : i32, i32
  }
  func.func @transform_6(%arg0: i32) -> (i32, i32) {
    %c0_i32 = arith.constant 0 : i32
    %c0_i32_0 = arith.constant 0 : i32
    return %arg0, %c0_i32 : i32, i32
  }
}

module attributes {stable_mosaic.version = 14 : i64} {
  func.func @_mid_body(%arg0: i32, %arg1: memref<256x128xf32, #tpu.memory_space<vmem>>, %arg2: memref<256x128xf32, #tpu.memory_space<vmem>>, %arg3: memref<128x64xf32, #tpu.memory_space<vmem>>, %arg4: memref<128x64xf32, #tpu.memory_space<vmem>>, %arg5: memref<1x64xf32, #tpu.memory_space<vmem>>, %arg6: memref<64x64xf32, #tpu.memory_space<vmem>>, %arg7: memref<64x64xf32, #tpu.memory_space<vmem>>, %arg8: memref<64x64xf32, #tpu.memory_space<vmem>>, %arg9: memref<256x64xf32, #tpu.memory_space<vmem>>, %arg10: memref<256x64xf32, #tpu.memory_space<vmem>>, %arg11: memref<256x64xf32, #tpu.memory_space<vmem>>) attributes {dimension_semantics = [#tpu.dimension_semantics<arbitrary>], iteration_bounds = array<i64: 40>, scalar_prefetch = 0 : i64, scratch_operands = 0 : i64, tpu.core_type = #tpu.core_type<tc>, window_params = [{transform_indices = @transform_0, window_bounds = array<i64: 256, 128>}, {transform_indices = @transform_1, window_bounds = array<i64: 256, 128>}, {pipeline_mode = #tpu.pipeline_mode<synchronous>, transform_indices = @transform_2, window_bounds = array<i64: 128, 64>}, {pipeline_mode = #tpu.pipeline_mode<synchronous>, transform_indices = @transform_3, window_bounds = array<i64: 128, 64>}, {pipeline_mode = #tpu.pipeline_mode<synchronous>, transform_indices = @transform_4, window_bounds = array<i64: 1, 64>}, {pipeline_mode = #tpu.pipeline_mode<synchronous>, transform_indices = @transform_5, window_bounds = array<i64: 64, 64>}, {pipeline_mode = #tpu.pipeline_mode<synchronous>, transform_indices = @transform_6, window_bounds = array<i64: 64, 64>}, {pipeline_mode = #tpu.pipeline_mode<synchronous>, transform_indices = @transform_7, window_bounds = array<i64: 64, 64>}, {transform_indices = @transform_8, window_bounds = array<i64: 256, 64>}, {transform_indices = @transform_9, window_bounds = array<i64: 256, 64>}, {transform_indices = @transform_10, window_bounds = array<i64: 256, 64>}]} {
    %get3A = arith.constant 0 : index
    %get3A_0 = arith.constant 0 : index
    %get3A_1 = vector.load %arg1[%get3A, %get3A_0] : memref<256x128xf32, #tpu.memory_space<vmem>>, vector<256x128xf32>
    %get3A_2 = arith.constant 0 : index
    %get3A_3 = arith.constant 0 : index
    %get3A_4 = vector.load %arg2[%get3A_2, %get3A_3] : memref<256x128xf32, #tpu.memory_space<vmem>>, vector<256x128xf32>
    %add3A = arith.addf %get3A_1, %get3A_4 : vector<256x128xf32>
    %get3A_5 = arith.constant 0 : index
    %get3A_6 = arith.constant 0 : index
    %get3A_7 = vector.load %arg3[%get3A_5, %get3A_6] : memref<128x64xf32, #tpu.memory_space<vmem>>, vector<128x64xf32>
    %dot_general3A = arith.constant dense<0.000000e+00> : vector<256x64xf32>
    %dot_general3A_8 = tpu.matmul %add3A, %get3A_7, %dot_general3A {dimension_numbers = #tpu.dot_dimension_numbers<[1], [0], [0], [1], [0, 0, 1, 1], [], []>, transpose_lhs_hint = false} : vector<256x128xf32>, vector<128x64xf32>, vector<256x64xf32> -> vector<256x64xf32>
    %max3A = arith.constant 1.000000e-30 : f32
    %max3A_9 = vector.broadcast %max3A : f32 to vector<256x64xf32>
    %max3A_10 = arith.maximumf %dot_general3A_8, %max3A_9 : vector<256x64xf32>
    %get3A_11 = arith.constant 0 : index
    %get3A_12 = arith.constant 0 : index
    %get3A_13 = vector.load %arg4[%get3A_11, %get3A_12] : memref<128x64xf32, #tpu.memory_space<vmem>>, vector<128x64xf32>
    %dot_general3A_14 = arith.constant dense<0.000000e+00> : vector<256x64xf32>
    %dot_general3A_15 = tpu.matmul %add3A, %get3A_13, %dot_general3A_14 {dimension_numbers = #tpu.dot_dimension_numbers<[1], [0], [0], [1], [0, 0, 1, 1], [], []>, transpose_lhs_hint = false} : vector<256x128xf32>, vector<128x64xf32>, vector<256x64xf32> -> vector<256x64xf32>
    %div3A = arith.divf %dot_general3A_15, %max3A_10 : vector<256x64xf32>
    %get3A_16 = arith.constant 0 : index
    %get3A_17 = arith.constant 0 : index
    %get3A_18 = vector.load %arg5[%get3A_16, %get3A_17] : memref<1x64xf32, #tpu.memory_space<vmem>>, vector<1x64xf32>
    %add3A_19 = vector.broadcast %get3A_18 : vector<1x64xf32> to vector<256x64xf32>
    %add3A_20 = arith.addf %div3A, %add3A_19 : vector<256x64xf32>
    %gt3A = arith.constant 0.000000e+00 : f32
    %gt3A_21 = vector.broadcast %gt3A : f32 to vector<256x64xf32>
    %gt3A_22 = arith.cmpf ogt, %add3A_20, %gt3A_21 : vector<256x64xf32>
    %exp3A = math.exp %add3A_20 : vector<256x64xf32>
    %sub3A = arith.constant 1.000000e+00 : f32
    %sub3A_23 = vector.broadcast %sub3A : f32 to vector<256x64xf32>
    %sub3A_24 = arith.subf %exp3A, %sub3A_23 : vector<256x64xf32>
    %select_n3A = arith.select %gt3A_22, %add3A_20, %sub3A_24 : vector<256x64xi1>, vector<256x64xf32>
    %get3A_25 = arith.constant 0 : index
    %get3A_26 = arith.constant 0 : index
    %get3A_27 = vector.load %arg6[%get3A_25, %get3A_26] : memref<64x64xf32, #tpu.memory_space<vmem>>, vector<64x64xf32>
    %dot_general3A_28 = arith.constant dense<0.000000e+00> : vector<256x64xf32>
    %dot_general3A_29 = tpu.matmul %select_n3A, %get3A_27, %dot_general3A_28 {dimension_numbers = #tpu.dot_dimension_numbers<[1], [0], [0], [1], [0, 0, 1, 1], [], []>, transpose_lhs_hint = false} : vector<256x64xf32>, vector<64x64xf32>, vector<256x64xf32> -> vector<256x64xf32>
    %swap3A = arith.constant 0 : index
    %swap3A_30 = arith.constant 0 : index
    %swap3A_31 = vector.load %arg9[%swap3A, %swap3A_30] : memref<256x64xf32, #tpu.memory_space<vmem>>, vector<256x64xf32>
    tpu.vector_store %arg9[%swap3A, %swap3A_30], %dot_general3A_29 {strides = array<i32>} : memref<256x64xf32, #tpu.memory_space<vmem>>, vector<256x64xf32>,
    %get3A_32 = arith.constant 0 : index
    %get3A_33 = arith.constant 0 : index
    %get3A_34 = vector.load %arg7[%get3A_32, %get3A_33] : memref<64x64xf32, #tpu.memory_space<vmem>>, vector<64x64xf32>
    %dot_general3A_35 = arith.constant dense<0.000000e+00> : vector<256x64xf32>
    %dot_general3A_36 = tpu.matmul %dot_general3A_29, %get3A_34, %dot_general3A_35 {dimension_numbers = #tpu.dot_dimension_numbers<[1], [0], [0], [1], [0, 0, 1, 1], [], []>, transpose_lhs_hint = false} : vector<256x64xf32>, vector<64x64xf32>, vector<256x64xf32> -> vector<256x64xf32>
    %swap3A_37 = arith.constant 0 : index
    %swap3A_38 = arith.constant 0 : index
    %swap3A_39 = vector.load %arg10[%swap3A_37, %swap3A_38] : memref<256x64xf32, #tpu.memory_space<vmem>>, vector<256x64xf32>
    tpu.vector_store %arg10[%swap3A_37, %swap3A_38], %dot_general3A_36 {strides = array<i32>} : memref<256x64xf32, #tpu.memory_space<vmem>>, vector<256x64xf32>,
    %get3A_40 = arith.constant 0 : index
    %get3A_41 = arith.constant 0 : index
    %get3A_42 = vector.load %arg8[%get3A_40, %get3A_41] : memref<64x64xf32, #tpu.memory_space<vmem>>, vector<64x64xf32>
    %dot_general3A_43 = arith.constant dense<0.000000e+00> : vector<256x64xf32>
    %dot_general3A_44 = tpu.matmul %dot_general3A_29, %get3A_42, %dot_general3A_43 {dimension_numbers = #tpu.dot_dimension_numbers<[1], [0], [0], [1], [0, 0, 1, 1], [], []>, transpose_lhs_hint = false} : vector<256x64xf32>, vector<64x64xf32>, vector<256x64xf32> -> vector<256x64xf32>
    %swap3A_45 = arith.constant 0 : index
    %swap3A_46 = arith.constant 0 : index
    %swap3A_47 = vector.load %arg11[%swap3A_45, %swap3A_46] : memref<256x64xf32, #tpu.memory_space<vmem>>, vector<256x64xf32>
    tpu.vector_store %arg11[%swap3A_45, %swap3A_46], %dot_general3A_44 {strides = array<i32>} : memref<256x64xf32, #tpu.memory_space<vmem>>, vector<256x64xf32>,
    return
  }
  func.func @transform_0(%arg0: i32) -> (i32, i32) {
    %c0_i32 = arith.constant 0 : i32
    %c0_i32_0 = arith.constant 0 : i32
    return %arg0, %c0_i32 : i32, i32
  }
  func.func @transform_1(%arg0: i32) -> (i32, i32) {
    %c0_i32 = arith.constant 0 : i32
    %c0_i32_0 = arith.constant 0 : i32
    return %arg0, %c0_i32 : i32, i32
  }
  func.func @transform_2(%arg0: i32) -> (i32, i32) {
    %c0_i32 = arith.constant 0 : i32
    %c0_i32_0 = arith.constant 0 : i32
    %c0_i32_1 = arith.constant 0 : i32
    return %c0_i32, %c0_i32_0 : i32, i32
  }
  func.func @transform_3(%arg0: i32) -> (i32, i32) {
    %c0_i32 = arith.constant 0 : i32
    %c0_i32_0 = arith.constant 0 : i32
    %c0_i32_1 = arith.constant 0 : i32
    return %c0_i32, %c0_i32_0 : i32, i32
  }
  func.func @transform_4(%arg0: i32) -> (i32, i32) {
    %c0_i32 = arith.constant 0 : i32
    %c0_i32_0 = arith.constant 0 : i32
    %c0_i32_1 = arith.constant 0 : i32
    return %c0_i32, %c0_i32_0 : i32, i32
  }
  func.func @transform_5(%arg0: i32) -> (i32, i32) {
    %c0_i32 = arith.constant 0 : i32
    %c0_i32_0 = arith.constant 0 : i32
    %c0_i32_1 = arith.constant 0 : i32
    return %c0_i32, %c0_i32_0 : i32, i32
  }
  func.func @transform_6(%arg0: i32) -> (i32, i32) {
    %c0_i32 = arith.constant 0 : i32
    %c0_i32_0 = arith.constant 0 : i32
    %c0_i32_1 = arith.constant 0 : i32
    return %c0_i32, %c0_i32_0 : i32, i32
  }
  func.func @transform_7(%arg0: i32) -> (i32, i32) {
    %c0_i32 = arith.constant 0 : i32
    %c0_i32_0 = arith.constant 0 : i32
    %c0_i32_1 = arith.constant 0 : i32
    return %c0_i32, %c0_i32_0 : i32, i32
  }
  func.func @transform_8(%arg0: i32) -> (i32, i32) {
    %c0_i32 = arith.constant 0 : i32
    %c0_i32_0 = arith.constant 0 : i32
    return %arg0, %c0_i32 : i32, i32
  }
  func.func @transform_9(%arg0: i32) -> (i32, i32) {
    %c0_i32 = arith.constant 0 : i32
    %c0_i32_0 = arith.constant 0 : i32
    return %arg0, %c0_i32 : i32, i32
  }
  func.func @transform_10(%arg0: i32) -> (i32, i32) {
    %c0_i32 = arith.constant 0 : i32
    %c0_i32_0 = arith.constant 0 : i32
    return %arg0, %c0_i32 : i32, i32
  }
}

module attributes {stable_mosaic.version = 14 : i64} {
  func.func @_post_body(%arg0: i32, %arg1: memref<256x128xf32, #tpu.memory_space<vmem>>, %arg2: memref<256x128xf32, #tpu.memory_space<vmem>>, %arg3: memref<128x64xf32, #tpu.memory_space<vmem>>, %arg4: memref<128x64xf32, #tpu.memory_space<vmem>>, %arg5: memref<1x64xf32, #tpu.memory_space<vmem>>, %arg6: memref<256x1xi32, #tpu.memory_space<vmem>>, %arg7: memref<128x64xf32, #tpu.memory_space<vmem>>, %arg8: memref<128x8xf32, #tpu.memory_space<vmem>>) attributes {dimension_semantics = [#tpu.dimension_semantics<arbitrary>], iteration_bounds = array<i64: 40>, scalar_prefetch = 0 : i64, scratch_operands = 0 : i64, tpu.core_type = #tpu.core_type<tc>, window_params = [{transform_indices = @transform_0, window_bounds = array<i64: 256, 128>}, {transform_indices = @transform_1, window_bounds = array<i64: 256, 128>}, {pipeline_mode = #tpu.pipeline_mode<synchronous>, transform_indices = @transform_2, window_bounds = array<i64: 128, 64>}, {pipeline_mode = #tpu.pipeline_mode<synchronous>, transform_indices = @transform_3, window_bounds = array<i64: 128, 64>}, {pipeline_mode = #tpu.pipeline_mode<synchronous>, transform_indices = @transform_4, window_bounds = array<i64: 1, 64>}, {transform_indices = @transform_5, window_bounds = array<i64: 256, 1>}, {pipeline_mode = #tpu.pipeline_mode<synchronous>, transform_indices = @transform_6, window_bounds = array<i64: 128, 64>}, {pipeline_mode = #tpu.pipeline_mode<synchronous>, transform_indices = @transform_7, window_bounds = array<i64: 128, 8>}]} {
    %get3A = arith.constant 0 : index
    %get3A_0 = arith.constant 0 : index
    %get3A_1 = vector.load %arg1[%get3A, %get3A_0] : memref<256x128xf32, #tpu.memory_space<vmem>>, vector<256x128xf32>
    %get3A_2 = arith.constant 0 : index
    %get3A_3 = arith.constant 0 : index
    %get3A_4 = vector.load %arg2[%get3A_2, %get3A_3] : memref<256x128xf32, #tpu.memory_space<vmem>>, vector<256x128xf32>
    %add3A = arith.addf %get3A_1, %get3A_4 : vector<256x128xf32>
    %get3A_5 = arith.constant 0 : index
    %get3A_6 = arith.constant 0 : index
    %get3A_7 = vector.load %arg3[%get3A_5, %get3A_6] : memref<128x64xf32, #tpu.memory_space<vmem>>, vector<128x64xf32>
    %dot_general3A = arith.constant dense<0.000000e+00> : vector<256x64xf32>
    %dot_general3A_8 = tpu.matmul %add3A, %get3A_7, %dot_general3A {dimension_numbers = #tpu.dot_dimension_numbers<[1], [0], [0], [1], [0, 0, 1, 1], [], []>, transpose_lhs_hint = false} : vector<256x128xf32>, vector<128x64xf32>, vector<256x64xf32> -> vector<256x64xf32>
    %max3A = arith.constant 1.000000e-30 : f32
    %max3A_9 = vector.broadcast %max3A : f32 to vector<256x64xf32>
    %max3A_10 = arith.maximumf %dot_general3A_8, %max3A_9 : vector<256x64xf32>
    %get3A_11 = arith.constant 0 : index
    %get3A_12 = arith.constant 0 : index
    %get3A_13 = vector.load %arg4[%get3A_11, %get3A_12] : memref<128x64xf32, #tpu.memory_space<vmem>>, vector<128x64xf32>
    %dot_general3A_14 = arith.constant dense<0.000000e+00> : vector<256x64xf32>
    %dot_general3A_15 = tpu.matmul %add3A, %get3A_13, %dot_general3A_14 {dimension_numbers = #tpu.dot_dimension_numbers<[1], [0], [0], [1], [0, 0, 1, 1], [], []>, transpose_lhs_hint = false} : vector<256x128xf32>, vector<128x64xf32>, vector<256x64xf32> -> vector<256x64xf32>
    %div3A = arith.divf %dot_general3A_15, %max3A_10 : vector<256x64xf32>
    %get3A_16 = arith.constant 0 : index
    %get3A_17 = arith.constant 0 : index
    %get3A_18 = vector.load %arg5[%get3A_16, %get3A_17] : memref<1x64xf32, #tpu.memory_space<vmem>>, vector<1x64xf32>
    %add3A_19 = vector.broadcast %get3A_18 : vector<1x64xf32> to vector<256x64xf32>
    %add3A_20 = arith.addf %div3A, %add3A_19 : vector<256x64xf32>
    %get3A_21 = arith.constant 0 : index
    %get3A_22 = arith.constant 0 : index
    %get3A_23 = vector.load %arg6[%get3A_21, %get3A_22] : memref<256x1xi32, #tpu.memory_space<vmem>>, vector<256x1xi32>
    %iota3A = tpu.iota {dimensions = array<i32: 1>} : vector<256x128xi32>
    %eq3A = vector.broadcast %get3A_23 : vector<256x1xi32> to vector<256x128xi32>
    %eq3A_24 = arith.cmpi eq, %eq3A, %iota3A : vector<256x128xi32>
    %convert_element_type3A = arith.extui %eq3A_24 : vector<256x128xi1> to vector<256x128xi32>
    %convert_element_type3A_25 = arith.sitofp %convert_element_type3A : vector<256x128xi32> to vector<256x128xf32>
    %dot_general3A_26 = arith.constant dense<0.000000e+00> : vector<128x64xf32>
    %dot_general3A_27 = tpu.matmul %convert_element_type3A_25, %add3A_20, %dot_general3A_26 {dimension_numbers = #tpu.dot_dimension_numbers<[0], [0], [1], [1], [0, 1, 1, 1], [], []>, transpose_lhs_hint = false} : vector<256x128xf32>, vector<256x64xf32>, vector<128x64xf32> -> vector<128x64xf32>
    %broadcast_in_dim3A = arith.constant 1.000000e+00 : f32
    %broadcast_in_dim3A_28 = vector.broadcast %broadcast_in_dim3A : f32 to vector<256x8xf32>
    %dot_general3A_29 = arith.constant dense<0.000000e+00> : vector<128x8xf32>
    %dot_general3A_30 = tpu.matmul %convert_element_type3A_25, %broadcast_in_dim3A_28, %dot_general3A_29 {dimension_numbers = #tpu.dot_dimension_numbers<[0], [0], [1], [1], [0, 1, 1, 1], [], []>, transpose_lhs_hint = false} : vector<256x128xf32>, vector<256x8xf32>, vector<128x8xf32> -> vector<128x8xf32>
    %eq3A_31 = arith.constant 0 : i32
    %eq3A_32 = arith.cmpi eq, %arg0, %eq3A_31 : i32
    %convert_element_type3A_33 = arith.extui %eq3A_32 : i1 to i32
    %cond3A = arith.constant 0 : i32
    %cond3A_34 = arith.cmpi ne, %convert_element_type3A_33, %cond3A : i32
    scf.if %cond3A_34 {
      %broadcast_in_dim3A_48 = arith.constant 0.000000e+00 : f32
      %broadcast_in_dim3A_49 = vector.broadcast %broadcast_in_dim3A_48 : f32 to vector<128x64xf32>
      %swap3A_50 = arith.constant 0 : index
      %swap3A_51 = arith.constant 0 : index
      %swap3A_52 = vector.load %arg7[%swap3A_50, %swap3A_51] : memref<128x64xf32, #tpu.memory_space<vmem>>, vector<128x64xf32>
      tpu.vector_store %arg7[%swap3A_50, %swap3A_51], %broadcast_in_dim3A_49 {strides = array<i32>} : memref<128x64xf32, #tpu.memory_space<vmem>>, vector<128x64xf32>,
      %broadcast_in_dim3A_53 = arith.constant 0.000000e+00 : f32
      %broadcast_in_dim3A_54 = vector.broadcast %broadcast_in_dim3A_53 : f32 to vector<128x8xf32>
      %swap3A_55 = arith.constant 0 : index
      %swap3A_56 = arith.constant 0 : index
      %swap3A_57 = vector.load %arg8[%swap3A_55, %swap3A_56] : memref<128x8xf32, #tpu.memory_space<vmem>>, vector<128x8xf32>
      tpu.vector_store %arg8[%swap3A_55, %swap3A_56], %broadcast_in_dim3A_54 {strides = array<i32>} : memref<128x8xf32, #tpu.memory_space<vmem>>, vector<128x8xf32>,
    } else {
    }
    %get3A_35 = arith.constant 0 : index
    %get3A_36 = arith.constant 0 : index
    %get3A_37 = vector.load %arg7[%get3A_35, %get3A_36] : memref<128x64xf32, #tpu.memory_space<vmem>>, vector<128x64xf32>
    %add3A_38 = arith.addf %get3A_37, %dot_general3A_27 : vector<128x64xf32>
    %swap3A = arith.constant 0 : index
    %swap3A_39 = arith.constant 0 : index
    %swap3A_40 = vector.load %arg7[%swap3A, %swap3A_39] : memref<128x64xf32, #tpu.memory_space<vmem>>, vector<128x64xf32>
    tpu.vector_store %arg7[%swap3A, %swap3A_39], %add3A_38 {strides = array<i32>} : memref<128x64xf32, #tpu.memory_space<vmem>>, vector<128x64xf32>,
    %get3A_41 = arith.constant 0 : index
    %get3A_42 = arith.constant 0 : index
    %get3A_43 = vector.load %arg8[%get3A_41, %get3A_42] : memref<128x8xf32, #tpu.memory_space<vmem>>, vector<128x8xf32>
    %add3A_44 = arith.addf %get3A_43, %dot_general3A_30 : vector<128x8xf32>
    %swap3A_45 = arith.constant 0 : index
    %swap3A_46 = arith.constant 0 : index
    %swap3A_47 = vector.load %arg8[%swap3A_45, %swap3A_46] : memref<128x8xf32, #tpu.memory_space<vmem>>, vector<128x8xf32>
    tpu.vector_store %arg8[%swap3A_45, %swap3A_46], %add3A_44 {strides = array<i32>} : memref<128x8xf32, #tpu.memory_space<vmem>>, vector<128x8xf32>,
    return
  }
  func.func @transform_0(%arg0: i32) -> (i32, i32) {
    %c0_i32 = arith.constant 0 : i32
    %c0_i32_0 = arith.constant 0 : i32
    return %arg0, %c0_i32 : i32, i32
  }
  func.func @transform_1(%arg0: i32) -> (i32, i32) {
    %c0_i32 = arith.constant 0 : i32
    %c0_i32_0 = arith.constant 0 : i32
    return %arg0, %c0_i32 : i32, i32
  }
  func.func @transform_2(%arg0: i32) -> (i32, i32) {
    %c0_i32 = arith.constant 0 : i32
    %c0_i32_0 = arith.constant 0 : i32
    %c0_i32_1 = arith.constant 0 : i32
    return %c0_i32, %c0_i32_0 : i32, i32
  }
  func.func @transform_3(%arg0: i32) -> (i32, i32) {
    %c0_i32 = arith.constant 0 : i32
    %c0_i32_0 = arith.constant 0 : i32
    %c0_i32_1 = arith.constant 0 : i32
    return %c0_i32, %c0_i32_0 : i32, i32
  }
  func.func @transform_4(%arg0: i32) -> (i32, i32) {
    %c0_i32 = arith.constant 0 : i32
    %c0_i32_0 = arith.constant 0 : i32
    %c0_i32_1 = arith.constant 0 : i32
    return %c0_i32, %c0_i32_0 : i32, i32
  }
  func.func @transform_5(%arg0: i32) -> (i32, i32) {
    %c0_i32 = arith.constant 0 : i32
    %c0_i32_0 = arith.constant 0 : i32
    return %arg0, %c0_i32 : i32, i32
  }
  func.func @transform_6(%arg0: i32) -> (i32, i32) {
    %c0_i32 = arith.constant 0 : i32
    %c0_i32_0 = arith.constant 0 : i32
    %c0_i32_1 = arith.constant 0 : i32
    return %c0_i32, %c0_i32_0 : i32, i32
  }
  func.func @transform_7(%arg0: i32) -> (i32, i32) {
    %c0_i32 = arith.constant 0 : i32
    %c0_i32_0 = arith.constant 0 : i32
    %c0_i32_1 = arith.constant 0 : i32
    return %c0_i32, %c0_i32_0 : i32, i32
  }
}

module attributes {stable_mosaic.version = 14 : i64} {
  func.func @_head_body(%arg0: memref<128x64xf32, #tpu.memory_space<vmem>>, %arg1: memref<128x8xf32, #tpu.memory_space<vmem>>, %arg2: memref<64x10xf32, #tpu.memory_space<vmem>>, %arg3: memref<1x10xf32, #tpu.memory_space<vmem>>, %arg4: memref<128x10xf32, #tpu.memory_space<vmem>>) attributes {dimension_semantics = [], scalar_prefetch = 0 : i64, scratch_operands = 0 : i64, tpu.core_type = #tpu.core_type<tc>} {
    %iota3A = tpu.iota {dimensions = array<i32: 0>} : vector<8x1xi32>
    %eq3A = arith.constant 0 : i32
    %eq3A_0 = vector.broadcast %eq3A : i32 to vector<8x1xi32>
    %eq3A_1 = arith.cmpi eq, %iota3A, %eq3A_0 : vector<8x1xi32>
    %convert_element_type3A = arith.extui %eq3A_1 : vector<8x1xi1> to vector<8x1xi32>
    %convert_element_type3A_2 = arith.sitofp %convert_element_type3A : vector<8x1xi32> to vector<8x1xf32>
    %get3A = arith.constant 0 : index
    %get3A_3 = arith.constant 0 : index
    %get3A_4 = vector.load %arg1[%get3A, %get3A_3] : memref<128x8xf32, #tpu.memory_space<vmem>>, vector<128x8xf32>
    %dot_general3A = arith.constant dense<0.000000e+00> : vector<128x1xf32>
    %dot_general3A_5 = tpu.matmul %get3A_4, %convert_element_type3A_2, %dot_general3A {dimension_numbers = #tpu.dot_dimension_numbers<[1], [0], [0], [1], [0, 0, 1, 1], [], []>, transpose_lhs_hint = false} : vector<128x8xf32>, vector<8x1xf32>, vector<128x1xf32> -> vector<128x1xf32>
    %max3A = arith.constant 1.000000e+00 : f32
    %max3A_6 = vector.broadcast %max3A : f32 to vector<128x1xf32>
    %max3A_7 = arith.maximumf %dot_general3A_5, %max3A_6 : vector<128x1xf32>
    %get3A_8 = arith.constant 0 : index
    %get3A_9 = arith.constant 0 : index
    %get3A_10 = vector.load %arg0[%get3A_8, %get3A_9] : memref<128x64xf32, #tpu.memory_space<vmem>>, vector<128x64xf32>
    %div3A = vector.broadcast %max3A_7 : vector<128x1xf32> to vector<128x64xf32>
    %div3A_11 = arith.divf %get3A_10, %div3A : vector<128x64xf32>
    %get3A_12 = arith.constant 0 : index
    %get3A_13 = arith.constant 0 : index
    %get3A_14 = vector.load %arg2[%get3A_12, %get3A_13] : memref<64x10xf32, #tpu.memory_space<vmem>>, vector<64x10xf32>
    %dot_general3A_15 = arith.constant dense<0.000000e+00> : vector<128x10xf32>
    %dot_general3A_16 = tpu.matmul %div3A_11, %get3A_14, %dot_general3A_15 {dimension_numbers = #tpu.dot_dimension_numbers<[1], [0], [0], [1], [0, 0, 1, 1], [], []>, transpose_lhs_hint = false} : vector<128x64xf32>, vector<64x10xf32>, vector<128x10xf32> -> vector<128x10xf32>
    %get3A_17 = arith.constant 0 : index
    %get3A_18 = arith.constant 0 : index
    %get3A_19 = vector.load %arg3[%get3A_17, %get3A_18] : memref<1x10xf32, #tpu.memory_space<vmem>>, vector<1x10xf32>
    %add3A = vector.broadcast %get3A_19 : vector<1x10xf32> to vector<128x10xf32>
    %add3A_20 = arith.addf %dot_general3A_16, %add3A : vector<128x10xf32>
    %swap3A = arith.constant 0 : index
    %swap3A_21 = arith.constant 0 : index
    %swap3A_22 = vector.load %arg4[%swap3A, %swap3A_21] : memref<128x10xf32, #tpu.memory_space<vmem>>, vector<128x10xf32>
    tpu.vector_store %arg4[%swap3A, %swap3A_21], %add3A_20 {strides = array<i32>} : memref<128x10xf32, #tpu.memory_space<vmem>>, vector<128x10xf32>,
    return
  }
}

</mosaic_0001>

<sc_bundles>
// kernel: kernel.11.cloned.1.call-start
scs
__scs_entry_jumppad:
0x0: {  	(pc) =	sbr.rel $0x88, $3  }
0x1: {  	(tag) =	ssettag $0x0;
	lr =	simm.s32 $0x1  }
0x2: {  	[smem:$0x3F94] =	sst lr;
	_ =	strace $0xD0000000  }
0x3: {  	_ = 	snop  }
0x4: {  	_ = 	snop  }
0x5: {  	_ = 	snop  }
0x6: {  	_ = 	snop  }
0x7: {  	_ = 	snop  }
__scs_overlays_trampoline_lowered:
0x8: {  	[smem:$0x3FA3] =	sst s0  }
0x9: {  	[smem:$0x3FA4] =	sst s1  }
0xa: {  	[smem:$0x3FA5] =	sst s2  }
0xb: {  	[smem:$0x3FA6] =	sst s3  }
0xc: {  	[smem:$0x3FA7] =	sst s4  }
0xd: {  	[smem:$0x3FA8] =	sst s5  }
0xe: {  	[smem:$0x3FA9] =	sst s6  }
0xf: {  	[smem:$0x3FAA] =	sst s7  }
0x10: {  	[smem:$0x3FAB] =	sst s8  }
0x11: {  	[smem:$0x3FAC] =	sst s9;
	s0 =	simm.s32 @!p0 $0x0  }
0x12: {  	s1 =	sld [smem:$0x3F92];
	s0 =	simm.s32 @p0 $0x1  }
0x13: {  	[smem:$0x3FAD] =	sst s0;
	s0 =	simm.s32 @!p1 $0x0  }
0x14: {  	s2 =	sld [smem:$0x3F91];
	s0 =	simm.s32 @p1 $0x1  }
0x15: {  	[smem:$0x3FAE] =	sst s0;
	s0 =	simm.s32 @!p2 $0x0  }
0x16: {  	s3 =	sld [smem:$0x3FDB];
	s0 =	simm.s32 @p2 $0x1  }
0x17: {  	s4 =	simm.s32 $0x1BF5;
	[smem:$0x3FB0] =	sst s0  }
0x18: {  	s0 =	sld [smem:$0x3F93];
	_ =	swait.ge [sflag:s4], $0x0  }
0x19: {  	s7 =	sld [smem:$0x3F94]  }
0x1a: {  	s8 =	sadd.s32 $0xFFFFE003, lr  }
0x1b: {  	s9 =	sadd.s32 $0xFFFFFEF7, lr;
	s5 =	simm.s32 $0xFFFFFFFF;
	p2 =	slt.u32 s8, $0xFFFFF086  }
0x1c: {  	p1 =	slt.u32 s9, $0xF7A;
	s5 =	simm.s32 @!p2 $0x0  }
0x1d: {  	s5 =	simm.s32 @p1 $0x1;
	p0 =	seq.s32 s7, s2  }
0x1e: {  	s7 =	smul.u32 @!p0 $0xF7A, s2;
	p2 =	seq.s32 @!p0 s5, $0x0  }
0x1f: {  	s9 =	smul.u32 $0xF7A, s1;
	s8 =	simm.s32 @!p0 $0x1BF5;
	p2 =	por !p2, p0  }
0x20: {  	[sflag:s8] =	ssyncset.s32 @!p0 $0xFFFFF086;
	s6 =	sadd.s32 @!p0 s3, s7;
	s7 =	simm.s32 @!p0 $0x108  }
0x21: {  	s3 =	sadd.s32 s3, s9;
	s6 =	sadd.s32 @!p0 $0x88, s6;
	s7 =	simm.s32 @p2 $0x1082  }
0x22: {  	[simem:s7], [sflag:s8] =	dma.local @!p0 [hbm:s6], $0xF7A  }
0x23: {  	s9 =	sor.u32 $0xD0000000, s2;
	s6 =	simm.s32 $0x108;
	_ =	swait.ge @!p0 [sflag:s8], $0x0  }
0x24: {  	s3 =	sadd.s32 $0x88, s3;
	s6 =	simm.s32 @!p1 $0x1082;
	[sflag:s4] =	ssyncset.s32 $0xFFFFF086  }
0x25: {  	[simem:s6], [sflag:s4] =	dma.local [hbm:s3], $0xF7A  }
0x26: {  	[smem:$0x3F94] =	sst s1;
	(tag) =	ssettag s2;
	_ =	strace s9  }
0x27: {  	s1 =	sld [smem:$0x3FA4]  }
0x28: {  	s2 =	sld [smem:$0x3FA5]  }
0x29: {  	s4 =	sld [smem:$0x3FA7]  }
0x2a: {  	p0 =	seq.s32 s5, $0x0;
	s5 =	sld [smem:$0x3FA8]  }
0x2b: {  	s6 =	sld [smem:$0x3FA9]  }
0x2c: {  	s7 =	sld [smem:$0x3FAA]  }
0x2d: {  	s3 =	simm.s32 $0x108;
	s8 =	sld [smem:$0x3FAB]  }
0x2e: {  	s3 =	simm.s32 @!p0 $0x1082;
	s9 =	sld [smem:$0x3FAC]  }
0x2f: {  	lr =	sadd.s32 s0, s3;
	s0 =	sld [smem:$0x3FA3]  }
0x30: {  	s3 =	sld [smem:$0x3FA6]  }
0x31: {  	[smem:$0x3FAF] =	sst s10  }
0x32: {  	s10 =	sld [smem:$0x3FAD];
	_ =	sdelay $0x3  }
0x33: {  	p0 =	seq.s32 s10, $0x1;
	s10 =	sld [smem:$0x3FAF];
	_ =	sdelay $0x3  }
0x34: {  	[smem:$0x3FAF] =	sst s10  }
0x35: {  	s10 =	sld [smem:$0x3FAE];
	_ =	sdelay $0x3  }
0x36: {  	p1 =	seq.s32 s10, $0x1;
	s10 =	sld [smem:$0x3FAF];
	_ =	sdelay $0x3  }
0x37: {  	[smem:$0x3FAF] =	sst s10  }
0x38: {  	s10 =	sld [smem:$0x3FB0]  }
0x39: {  	_ = 	snop;
	(pc) =	sbr.ind lr, $3  }
0x3a: {  	_ = 	snop  }
0x3b: {  	_ = 	snop  }
0x3c: {  	p2 =	seq.s32 s10, $0x1;
	s10 =	sld [smem:$0x3FAF]  }
0x3d: {  	_ =	shalt  }
0x3e: {  	_ =	shalt  }
0x3f: {  	_ =	shalt  }
0x40: {  	_ =	shalt  }
0x41: {  	_ =	shalt  }
0x42: {  	_ =	shalt  }
0x43: {  	_ =	shalt  }
0x44: {  	_ =	shalt  }
0x45: {  	_ =	shalt  }
0x46: {  	_ =	shalt  }
0x47: {  	_ =	shalt  }
0x48: {  	_ =	shalt  }
0x49: {  	_ =	shalt  }
0x4a: {  	_ =	shalt  }
0x4b: {  	_ =	shalt  }
0x4c: {  	_ =	shalt  }
0x4d: {  	_ =	shalt  }
0x4e: {  	_ =	shalt  }
0x4f: {  	_ =	shalt  }
0x50: {  	_ =	shalt  }
0x51: {  	_ =	shalt  }
0x52: {  	_ =	shalt  }
0x53: {  	_ =	shalt  }
0x54: {  	_ =	shalt  }
0x55: {  	_ =	shalt  }
0x56: {  	_ =	shalt  }
0x57: {  	_ =	shalt  }
0x58: {  	_ =	shalt  }
0x59: {  	_ =	shalt  }
0x5a: {  	_ =	shalt  }
0x5b: {  	_ =	shalt  }
0x5c: {  	_ =	shalt  }
0x5d: {  	_ =	shalt  }
0x5e: {  	_ =	shalt  }
0x5f: {  	_ =	shalt  }
0x60: {  	_ =	shalt  }
0x61: {  	_ =	shalt  }
0x62: {  	_ =	shalt  }
0x63: {  	_ =	shalt  }
0x64: {  	_ =	shalt  }
0x65: {  	_ =	shalt  }
0x66: {  	_ =	shalt  }
0x67: {  	_ =	shalt  }
0x68: {  	_ =	shalt  }
0x69: {  	_ =	shalt  }
0x6a: {  	_ =	shalt  }
0x6b: {  	_ =	shalt  }
0x6c: {  	_ =	shalt  }
0x6d: {  	_ =	shalt  }
0x6e: {  	_ =	shalt  }
0x6f: {  	_ =	shalt  }
0x70: {  	_ =	shalt  }
0x71: {  	_ =	shalt  }
0x72: {  	_ =	shalt  }
0x73: {  	_ =	shalt  }
0x74: {  	_ =	shalt  }
0x75: {  	_ =	shalt  }
0x76: {  	_ =	shalt  }
0x77: {  	_ =	shalt  }
0x78: {  	_ =	shalt  }
0x79: {  	_ =	shalt  }
0x7a: {  	_ =	shalt  }
0x7b: {  	_ =	shalt  }
0x7c: {  	_ =	shalt  }
0x7d: {  	_ =	shalt  }
0x7e: {  	_ =	shalt  }
0x7f: {  	_ =	shalt  }
0x80: {  	_ =	shalt  }
0x81: {  	_ =	shalt  }
0x82: {  	_ =	shalt  }
0x83: {  	_ =	shalt  }
0x84: {  	_ =	shalt  }
0x85: {  	_ =	shalt  }
0x86: {  	_ =	shalt  }
0x87: {  	_ =	shalt  }
.Lfunc_end0:
.L_simem_size_0:
called_computation.1_lowered:
.L_overlay_start_0:
0x88: {  	s2 =	sld [smem:$0x3FD9]  }
0x89: {  	s3 =	sld [smem:$0x3FFE];
	_ =	sdelay $0x1  }
0x8a: {  	s1 =	srdreg.scid  }
0x8b: {  	s0 =	sand.u32 $0x1, s1  }
0x8c: {  	s16 =	sshll.u32 s0, $0xA;
	s2 =	sadd.s32 s3, s2  }
0x8d: {  	s2 =	sadd.s32 s2, s16  }
0x8e: {  	[smem:$0x3FBB] =	sst s2  }
0x8f: {  	_ = 	snop  }
0x90: {  	(tm) =	ssettm $0x1  }
0x91: {  	s17 =	sld [smem:$0x3FFB];
	_ =	sdelay $0x3  }
0x92: {  	_ =	strace s17  }
0x93: {  	s2 =	sld [smem:$0x3FFC];
	_ =	sdelay $0x3  }
0x94: {  	_ =	strace s2  }
0x95: {  	s2 =	sld [smem:$0x3FFD];
	_ =	sdelay $0x3  }
0x96: {  	_ =	strace s2  }
0x97: {  	_ =	strace $0x8FFFFFFF  }
0x98: {  	s18 =	sld [smem:$0x3FDB];
	_ =	sdelay $0x1  }
0x99: {  	s19 =	simm.s32 $_scs_section_size  }
0x9a: {  	s4 =	simm.s32 $_size__tile_overlayer_lowered;
	s5 =	simm.s32 $_tile_overlayer_lowered  }
0x9b: {  	s22 =	simm.s32 $0x1BFF;
	s21 =	sshll.u32 s5, $0x1;
	s2 =	sadd.s32 s19, s18  }
0x9c: {  	s6 =	simm.s32 $0x0;
	s20 =	sshll.u32 s4, $0x1;
	s4 =	sadd.s32 s21, s2  }
0x9d: {  	[timem:s6], [sflag:s22] =	dma.local [hbm:s4], s20  }
0x9e: {  	_ =	swait.ge [sflag:s22], s20  }
0x9f: {  	s3 =	ssub.s32 $0x0, s20;
	[sflag:s22] =	ssyncset.done $0x0  }
0xa0: {  	[sflag:s22] =	ssyncadd.s32 s3;
	_ =	sdelay $0x1  }
0xa1: {  	s23 =	simm.s32 $0x1B8B  }
0xa2: {  	_ =	swait.ge [sflag:s23], $0x1  }
0xa3: {  	[sflag:s23] =	ssyncset.done $0x0  }
0xa4: {  	s25 =	simm.s32 $0x1B8E;
	s24 =	sld [smem:$0x3FFE];
	[sflag:s23] =	ssyncadd.s32 $0xFFFFFFFF  }
0xa5: {  	s26 =	simm.s32 $execute0_lowered;
	[smem:$0x3FD2] =	sst s25  }
0xa6: {  	s4 =	sshll.u32 s26, $0x1;
	_ =	strace $0x80000049;
	[dreg:$0x1] =	wrdreg $0xFFFFFFFF  }
0xa7: {  	s28 =	simm.s32 $_size_execute0_lowered;
	s2 =	sadd.s32 s2, s4;
	[dreg:$0x0] =	wrdreg $0x0  }
0xa8: {  	s4 =	sshll.u32 s28, $0x1;
	[dreg:$0x2] =	wrdreg s2  }
0xa9: {  	[dreg:$0x3] =	wrdreg s4  }
0xaa: {  	[dreg:$0x4] =	wrdreg $0xC0  }
0xab: {  	_ =	task [dreg:s6], $0x5FFFF  }
0xac: {  	[dreg:$0x1] =	wrdreg $0xFFFFFFFF  }
0xad: {  	[dreg:$0x0] =	wrdreg $0x60  }
0xae: {  	[dreg:$0x2] =	wrdreg s24  }
0xaf: {  	[dreg:$0x3] =	wrdreg $0xC2000  }
0xb0: {  	[dreg:$0x4] =	wrdreg $0x9  }
0xb1: {  	_ =	task.clear_ibuf [dreg:s6], $0x5FFFF;
	_ =	strace $0x90000049  }
0xb2: {  	s29 =	simm.s32 $0x9;
	_ =	strace $0x8000004B  }
0xb3: {  	_ =	swait.ge [sflag:s29], $0x1  }
0xb4: {  	[sflag:s29] =	ssyncadd.s32 $0xFFFFFFFF  }
0xb5: {  	_ =	strace $0x9000004B  }
0xb6: {  	_ =	sfence  }
0xb7: {  	s30 =	sld [smem:$0x0];
	_ =	sdelay $0x2  }
0xb8: {  	s31 =	sshll.u32 s1, $0xD;
	s1 =	sshrl.u32 s1, $0x2  }
0xb9: {  	s3 =	sand.u32 $0x4000, s31;
	s1 =	sadd.s32 s1, s30  }
0xba: {  	s0 =	sor.u32 s3, s0;
	s1 =	sshll.u32 s1, $0x11  }
0xbb: {  	s0 =	sor.u32 s1, s0  }
0xbc: {  	s0 =	sadd.s32 $0x8F2B, s0  }
0xbd: {  	[sflag:s0] =	ssyncadd.remote.s32 $0x1  }
0xbe: {  	_ =	sfence.sel $0xFFFF  }
0xbf: {  	[dreg:$0x0] =	wrdreg $0xFFFFFFFF;
	(pc) =	sbr.abs _section_cstart, $3  }
0xc0: {  	[dreg:$0x1] =	wrdreg $0xFFFFFFFF  }
0xc1: {  	_ =	task.clear_ibuf [dreg:s6], $0x2FFFF;
	_ =	strace $0x9FFFFFFF  }
0xc2: {  	(tm) =	ssettm $0x7FFFFFFF  }
0xc3: {  	_ =	shalt  }
tec
execute0_lowered:
.L_overlay_start_1:
0x0: {  	(tag) =	ssettag $0x1  }
0x1: {  	s0 =	rddreg [dreg:$0x0]  }
0x2: {  	s2 =	rddreg [dreg:$0x1]  }
0x3: {  	s3 =	simm.s32 $0x0;
	s12 =	stileid.u32;
	s1 =	srdreg.scid  }
0x4: {  	s17 =	simm.s32 $0x5;
	s18 =	simm.s32 $0x80;
	s19 =	simm.s32 $0x40  }
0x5: {  	s28 =	simm.s32 $0x8200;
	s29 =	simm.s32 $0x4100;
	s30 =	simm.s32 $0x3  }
0x6: {  	s31 =	simm.s32 $0x4;
	[smem:$0x7FF] =	sst s3;
	s8 =	smul.u32 $0x13C00, s12  }
0x7: {  	s1 =	sand.u32 $0x1, s1;
	s4 =	sadd.s32 $0x2A000, s0;
	s5 =	sadd.s32 $0x2000, s0  }
0x8: {  	s6 =	sadd.s32 $0x5C200, s0;
	s7 =	sadd.s32 $0x52000, s0;
	s21 =	smul.u32 $0x4F000, s12  }
0x9: {  	s24 =	sshll.u32 s12, $0x6;
	_ =	strace $0x8000004A;
	s9 =	smul.u32 $0x13C000, s1  }
0xa: {  	s22 =	ssub.s32 $0x2, s1;
	s1 =	sshll.u32 s1, $0x4;
	s10 =	sshrl.u32 s8, $0x3  }
0xb: {  	s11 =	sshrl.u32 s22, $0x1;
	s1 =	sor.u32 s12, s1;
	s8 =	sadd.s32 s8, s9  }
0xc: {  	s20 =	sadd.s32 s10, s0;
	s10 =	sshrl.u32 s21, $0x2;
	s23 =	smul.u32 $0x510, s1  }
0xd: {  	s1 =	smul.u32 $0xA2, s1;
	s8 =	sshrl.u32 s8, $0x3;
	s10 =	sadd.s32 s10, s2  }
0xe: {  	s9 =	sadd.s32 $0x66400, s20;
	s0 =	sadd.s32 s8, s0;
	s8 =	ssub.s32 s22, s11  }
0xf: {  	[dreg:$0x3] =	wrdreg s9;
	s9 =	sor.u32 $0x1C05, s24;
	s25 =	sadd.s32 s6, s23  }
0x10: {  	s11 =	sadd.s32 s7, s23;
	s12 =	sor.u32 $0x1, s1;
	s13 =	sadd.s32 $0x2, s1  }
0x11: {  	s10 =	sshrl.u32 s10, $0x3;
	s22 =	simm.s32 $0x1;
	[dreg:$0x4] =	wrdreg s25  }
0x12: {  	s23 =	simm.s32 $0x2;
	s24 =	simm.s32 $0x6100;
	[dreg:$0x5] =	wrdreg s11  }
0x13: {  	s1 =	simm.s32 $0x0;
	s0 =	sadd.s32 $0x8DC00, s0;
	[dreg:$0x8] =	wrdreg s10  }
0x14: {  	s26 =	smax.u32 s8, $0x1;
	s25 =	simm.s32 $0x6180;
	[dreg:$0x6] =	wrdreg s0  }
0x15: {  	[dreg:$0x7] =	wrdreg s26;
	s26 =	simm.s32 $0x6200;
	s0 =	simm.s32 $0xA200  }
.LBB2_1:
0x16: {  	s8 =	rddreg [dreg:$0x3]  }
0x17: {  	[spmem:s10], [sflag:s9] =	dma.local [hbm:s8], $0x2780  }
0x18: {  	_ =	swait.ge [sflag:s17], $0x2780  }
0x19: {  	[sflag:s17] =	ssyncset.done $0x0  }
0x1a: {  	s14 =	rddreg [dreg:$0x4];
	[sflag:s17] =	ssyncadd.s32 $0xFFFFD880  }
0x1b: {  	[tilespmem:s3], [sflag:$0x5] =	stream.linear.gather [hbm4b:s14+s3], $0x40, $0x38;
	[tilespmem:$0x1FE00] =	vst v63  }
0x1c: {  	_ =	swait.ge [sflag:s17], $0x40  }
0x1d: {  	[sflag:s17] =	ssyncset.done $0x0  }
0x1e: {  	s15 =	rddreg [dreg:$0x5];
	[sflag:s17] =	ssyncadd.s32 $0xFFFFFFC0  }
0x1f: {  	[tilespmem:s18], [sflag:$0x5] =	stream.linear.gather [hbm4b:s15+s3], $0x40, $0x38;
	[tilespmem:$0x1FE00] =	vst v63  }
0x20: {  	_ =	swait.ge [sflag:s17], $0x40  }
0x21: {  	[sflag:s17] =	ssyncset.done $0x0  }
0x22: {  	s20 =	simm.s32 $0x100;
	[sflag:s17] =	ssyncadd.s32 $0xFFFFFFC0  }
0x23: {  	[tilespmem:s20], [sflag:$0x1] =	stream.indirect.gather [hbm4b:s4+s19], $0x80, s3, s19, $0xb8;
	[tilespmem:$0x1FE00] =	vst v63  }
0x24: {  	s21 =	simm.s32 $0x2100  }
0x25: {  	[tilespmem:s21], [sflag:$0x2] =	stream.indirect.gather [hbm4b:s5+s19], $0x80, s18, s19, $0xb8;
	[tilespmem:$0x1FE00] =	vst v63  }
0x26: {  	s16 =	smov.u32 s9;
	s20 =	simm.s32 $0x0;
	[bflag:$0x0] =	sbarrier.arrive $0xFFFF  }
.LBB2_2:
0x27: {  	_ =	swait.ge [sflag:s22], $0x2000  }
0x28: {  	s21 =	sshll.u32 s20, $0x1;
	[sflag:s22] =	ssyncset.done $0x0  }
0x29: {  	s8 =	sadd.s32 s21, s12;
	[sflag:s22] =	ssyncadd.s32 $0xFFFFE000  }
0x2a: {  	s8 =	sshll.u32 s8, $0x3;
	_ =	swait.ge [sflag:s23], $0x2000  }
0x2b: {  	s8 =	sand.u32 $0x1FFFFFF8, s8;
	[sflag:s23] =	ssyncset.done $0x0  }
0x2c: {  	s9 =	sadd.s32 s6, s8;
	[sflag:s23] =	ssyncadd.s32 $0xFFFFE000  }
0x2d: {  	[tilespmem:s24], [sflag:$0x5] =	stream.linear.gather [hbm4b:s9+s3], $0x40, $0x38;
	[tilespmem:$0x1FE00] =	vst v63  }
0x2e: {  	_ =	swait.ge [sflag:s17], $0x40  }
0x2f: {  	[sflag:s17] =	ssyncset.done $0x0  }
0x30: {  	s8 =	sadd.s32 s7, s8;
	[sflag:s17] =	ssyncadd.s32 $0xFFFFFFC0  }
0x31: {  	[tilespmem:s25], [sflag:$0x5] =	stream.linear.gather [hbm4b:s8+s3], $0x40, $0x38;
	[tilespmem:$0x1FE00] =	vst v63  }
0x32: {  	_ =	swait.ge [sflag:s17], $0x40  }
0x33: {  	[sflag:s17] =	ssyncset.done $0x0  }
0x34: {  	[sflag:s17] =	ssyncadd.s32 $0xFFFFFFC0  }
0x35: {  	[tilespmem:s26], [sflag:$0x3] =	stream.indirect.gather [hbm4b:s4+s19], $0x80, s24, s19, $0xb8;
	[tilespmem:$0x1FE00] =	vst v63  }
0x36: {  	s10 =	simm.s32 $0x180  }
0x37: {  	[tilespmem:s28], [sflag:$0x4] =	stream.indirect.gather [hbm4b:s5+s19], $0x80, s25, s19, $0xb8;
	[tilespmem:$0x1FE00] =	vst v63  }
0x38: {  	s8 =	simm.s32 $0x2180;
	v0 =	vld [tilespmem:s10+$0xFFFFFF80]  }
0x39: {  	v1 =	vld [tilespmem:s8+$0xFFFFFF80];
	_ =	sdelay $0x4  }
0x3a: {  	v0 =	vadd.f32 v1, v0;
	_ =	sdelay $0x1  }
0x3b: {  	v1 =	vmul.f32 $2.000000030e-01, v0  }
0x3c: {  	vm0 =	vge.f32 v0, $0.0e+00  }
0x3d: {  	v0 =	vsel vm0, v0, v1  }
0x3e: {  	v0 =	vmul.f32 $1.442695020e+00, v0;
	_ =	sdelay $0x1  }
0x3f: {  	(erf) = vpow2.f32 v0;
	_ =	sdelay $0x8  }
0x40: {  	s11 =	simm.s32 $0x4180;
	v0 =	vpop (erf)  }
0x41: {  	[tilespmem:s11+$0xFFFFFF80] =	vst v0  }
0x42: {  	v1 =	vld [tilespmem:s10+$0xFFFFFFC0];
	_ =	sdelay $0x4  }
0x43: {  	v0 =	vmul.f32 v0, v1;
	_ =	sdelay $0x1  }
0x44: {  	[tilespmem:s11+$0xFFFFFFC0] =	vst v0  }
0x45: {  	v0 =	vld [tilespmem:s10+$0xFFFFFF90]  }
0x46: {  	v1 =	vld [tilespmem:s8+$0xFFFFFF90];
	_ =	sdelay $0x4  }
0x47: {  	v0 =	vadd.f32 v1, v0;
	_ =	sdelay $0x1  }
0x48: {  	v1 =	vmul.f32 $2.000000030e-01, v0  }
0x49: {  	vm9 =	vge.f32 v0, $0.0e+00  }
0x4a: {  	v0 =	vsel vm9, v0, v1  }
0x4b: {  	v0 =	vmul.f32 $1.442695020e+00, v0;
	_ =	sdelay $0x1  }
0x4c: {  	(erf) = vpow2.f32 v0;
	_ =	sdelay $0x8  }
0x4d: {  	v0 =	vpop (erf)  }
0x4e: {  	[tilespmem:s11+$0xFFFFFF90] =	vst v0  }
0x4f: {  	v1 =	vld [tilespmem:s10+$0xFFFFFFD0];
	_ =	sdelay $0x4  }
0x50: {  	v0 =	vmul.f32 v0, v1;
	_ =	sdelay $0x1  }
0x51: {  	[tilespmem:s11+$0xFFFFFFD0] =	vst v0  }
0x52: {  	v0 =	vld [tilespmem:s10+$0xFFFFFFA0]  }
0x53: {  	v1 =	vld [tilespmem:s8+$0xFFFFFFA0];
	_ =	sdelay $0x4  }
0x54: {  	v0 =	vadd.f32 v1, v0;
	_ =	sdelay $0x1  }
0x55: {  	v1 =	vmul.f32 $2.000000030e-01, v0  }
0x56: {  	vm10 =	vge.f32 v0, $0.0e+00  }
0x57: {  	v0 =	vsel vm10, v0, v1  }
0x58: {  	v0 =	vmul.f32 $1.442695020e+00, v0;
	_ =	sdelay $0x1  }
0x59: {  	(erf) = vpow2.f32 v0;
	_ =	sdelay $0x8  }
0x5a: {  	v0 =	vpop (erf)  }
0x5b: {  	[tilespmem:s11+$0xFFFFFFA0] =	vst v0  }
0x5c: {  	v1 =	vld [tilespmem:s10+$0xFFFFFFE0];
	_ =	sdelay $0x4  }
0x5d: {  	v0 =	vmul.f32 v0, v1;
	_ =	sdelay $0x1  }
0x5e: {  	[tilespmem:s11+$0xFFFFFFE0] =	vst v0  }
0x5f: {  	v0 =	vld [tilespmem:s10+$0xFFFFFFB0]  }
0x60: {  	v1 =	vld [tilespmem:s8+$0xFFFFFFB0];
	_ =	sdelay $0x4  }
0x61: {  	v0 =	vadd.f32 v1, v0;
	_ =	sdelay $0x1  }
0x62: {  	v1 =	vmul.f32 $2.000000030e-01, v0  }
0x63: {  	vm11 =	vge.f32 v0, $0.0e+00  }
0x64: {  	v0 =	vsel vm11, v0, v1  }
0x65: {  	v0 =	vmul.f32 $1.442695020e+00, v0;
	_ =	sdelay $0x1  }
0x66: {  	(erf) = vpow2.f32 v0;
	_ =	sdelay $0x8  }
0x67: {  	v0 =	vpop (erf)  }
0x68: {  	[tilespmem:s11+$0xFFFFFFB0] =	vst v0  }
0x69: {  	v1 =	vld [tilespmem:s10+$0xFFFFFFF0];
	_ =	sdelay $0x4  }
0x6a: {  	v0 =	vmul.f32 v0, v1;
	_ =	sdelay $0x1  }
0x6b: {  	[tilespmem:s11+$0xFFFFFFF0] =	vst v0  }
0x6c: {  	v0 =	vld [tilespmem:s10+$0x0]  }
0x6d: {  	v1 =	vld [tilespmem:s8+$0x0];
	_ =	sdelay $0x4  }
0x6e: {  	v0 =	vadd.f32 v1, v0;
	_ =	sdelay $0x1  }
0x6f: {  	v1 =	vmul.f32 $2.000000030e-01, v0  }
0x70: {  	vm12 =	vge.f32 v0, $0.0e+00  }
0x71: {  	v0 =	vsel vm12, v0, v1  }
0x72: {  	v0 =	vmul.f32 $1.442695020e+00, v0;
	_ =	sdelay $0x1  }
0x73: {  	(erf) = vpow2.f32 v0;
	_ =	sdelay $0x8  }
0x74: {  	v0 =	vpop (erf)  }
0x75: {  	[tilespmem:s11+$0x0] =	vst v0  }
0x76: {  	v1 =	vld [tilespmem:s10+$0x40];
	_ =	sdelay $0x4  }
0x77: {  	v0 =	vmul.f32 v0, v1;
	_ =	sdelay $0x1  }
0x78: {  	[tilespmem:s11+$0x40] =	vst v0  }
0x79: {  	v0 =	vld [tilespmem:s10+$0x10]  }
0x7a: {  	v1 =	vld [tilespmem:s8+$0x10];
	_ =	sdelay $0x4  }
0x7b: {  	v0 =	vadd.f32 v1, v0;
	_ =	sdelay $0x1  }
0x7c: {  	v1 =	vmul.f32 $2.000000030e-01, v0  }
0x7d: {  	vm13 =	vge.f32 v0, $0.0e+00  }
0x7e: {  	v0 =	vsel vm13, v0, v1  }
0x7f: {  	v0 =	vmul.f32 $1.442695020e+00, v0;
	_ =	sdelay $0x1  }
0x80: {  	(erf) = vpow2.f32 v0;
	_ =	sdelay $0x8  }
0x81: {  	v0 =	vpop (erf)  }
0x82: {  	[tilespmem:s11+$0x10] =	vst v0  }
0x83: {  	v1 =	vld [tilespmem:s10+$0x50];
	_ =	sdelay $0x4  }
0x84: {  	v0 =	vmul.f32 v0, v1;
	_ =	sdelay $0x1  }
0x85: {  	[tilespmem:s11+$0x50] =	vst v0  }
0x86: {  	v0 =	vld [tilespmem:s10+$0x20]  }
0x87: {  	v1 =	vld [tilespmem:s8+$0x20];
	_ =	sdelay $0x4  }
0x88: {  	v0 =	vadd.f32 v1, v0;
	_ =	sdelay $0x1  }
0x89: {  	v1 =	vmul.f32 $2.000000030e-01, v0  }
0x8a: {  	vm14 =	vge.f32 v0, $0.0e+00  }
0x8b: {  	v0 =	vsel vm14, v0, v1  }
0x8c: {  	v0 =	vmul.f32 $1.442695020e+00, v0;
	_ =	sdelay $0x1  }
0x8d: {  	(erf) = vpow2.f32 v0;
	_ =	sdelay $0x8  }
0x8e: {  	v0 =	vpop (erf)  }
0x8f: {  	[tilespmem:s11+$0x20] =	vst v0  }
0x90: {  	v1 =	vld [tilespmem:s10+$0x60];
	_ =	sdelay $0x4  }
0x91: {  	v0 =	vmul.f32 v0, v1;
	_ =	sdelay $0x1  }
0x92: {  	[tilespmem:s11+$0x60] =	vst v0  }
0x93: {  	v0 =	vld [tilespmem:s10+$0x30]  }
0x94: {  	v1 =	vld [tilespmem:s8+$0x30];
	_ =	sdelay $0x4  }
0x95: {  	v0 =	vadd.f32 v1, v0;
	_ =	sdelay $0x1  }
0x96: {  	v1 =	vmul.f32 $2.000000030e-01, v0  }
0x97: {  	vm15 =	vge.f32 v0, $0.0e+00  }
0x98: {  	v0 =	vsel vm15, v0, v1  }
0x99: {  	v0 =	vmul.f32 $1.442695020e+00, v0;
	_ =	sdelay $0x1  }
0x9a: {  	(erf) = vpow2.f32 v0;
	_ =	sdelay $0x8  }
0x9b: {  	v0 =	vpop (erf)  }
0x9c: {  	s14 =	simm.s32 $0x0;
	s15 =	simm.s32 $0x4180;
	s9 =	simm.s32 $0x280;
	[tilespmem:s11+$0x30] =	vst v0  }
.LBB2_3:
0x9d: {  	s14 =	sadd.s32 $0x2, s14;
	v1 =	vld [tilespmem:s10+$0x70];
	s11 =	sadd.s32 $0x100, s11;
	s8 =	sadd.s32 $0x100, s8  }
0x9e: {  	s10 =	smov.u32 s9;
	p0 =	slt.u32 s14, $0x3E;
	_ =	sdelay $0x3  }
0x9f: {  	v0 =	vmul.f32 v0, v1;
	_ =	sdelay $0x1  }
0xa0: {  	[tilespmem:s15+$0x70] =	vst v0;
	s15 =	smov.u32 s11  }
0xa1: {  	v0 =	vld [tilespmem:s9+$0xFFFFFF80]  }
0xa2: {  	v1 =	vld [tilespmem:s8+$0xFFFFFF80];
	_ =	sdelay $0x4  }
0xa3: {  	v0 =	vadd.f32 v1, v0;
	_ =	sdelay $0x1  }
0xa4: {  	v1 =	vmul.f32 $2.000000030e-01, v0  }
0xa5: {  	vm0 =	vge.f32 v0, $0.0e+00  }
0xa6: {  	v0 =	vsel vm0, v0, v1  }
0xa7: {  	v0 =	vmul.f32 $1.442695020e+00, v0;
	_ =	sdelay $0x1  }
0xa8: {  	(erf) = vpow2.f32 v0;
	_ =	sdelay $0x8  }
0xa9: {  	v0 =	vpop (erf)  }
0xaa: {  	[tilespmem:s11+$0xFFFFFF80] =	vst v0  }
0xab: {  	v1 =	vld [tilespmem:s9+$0xFFFFFFC0];
	_ =	sdelay $0x4  }
0xac: {  	v0 =	vmul.f32 v0, v1;
	_ =	sdelay $0x1  }
0xad: {  	[tilespmem:s11+$0xFFFFFFC0] =	vst v0  }
0xae: {  	v0 =	vld [tilespmem:s9+$0xFFFFFF90]  }
0xaf: {  	v1 =	vld [tilespmem:s8+$0xFFFFFF90];
	_ =	sdelay $0x4  }
0xb0: {  	v0 =	vadd.f32 v1, v0;
	_ =	sdelay $0x1  }
0xb1: {  	vm0 =	vge.f32 v0, $0.0e+00;
	v1 =	vmul.f32 $2.000000030e-01, v0;
	_ =	sdelay $0x1  }
0xb2: {  	v0 =	vsel vm0, v0, v1  }
0xb3: {  	v0 =	vmul.f32 $1.442695020e+00, v0;
	_ =	sdelay $0x1  }
0xb4: {  	(erf) = vpow2.f32 v0;
	_ =	sdelay $0x8  }
0xb5: {  	v0 =	vpop (erf)  }
0xb6: {  	[tilespmem:s11+$0xFFFFFF90] =	vst v0  }
0xb7: {  	v1 =	vld [tilespmem:s9+$0xFFFFFFD0];
	_ =	sdelay $0x4  }
0xb8: {  	v0 =	vmul.f32 v0, v1;
	_ =	sdelay $0x1  }
0xb9: {  	[tilespmem:s11+$0xFFFFFFD0] =	vst v0  }
0xba: {  	v0 =	vld [tilespmem:s9+$0xFFFFFFA0]  }
0xbb: {  	v1 =	vld [tilespmem:s8+$0xFFFFFFA0];
	_ =	sdelay $0x4  }
0xbc: {  	v0 =	vadd.f32 v1, v0;
	_ =	sdelay $0x1  }
0xbd: {  	vm0 =	vge.f32 v0, $0.0e+00;
	v1 =	vmul.f32 $2.000000030e-01, v0;
	_ =	sdelay $0x1  }
0xbe: {  	v0 =	vsel vm0, v0, v1  }
0xbf: {  	v0 =	vmul.f32 $1.442695020e+00, v0;
	_ =	sdelay $0x1  }
0xc0: {  	(erf) = vpow2.f32 v0;
	_ =	sdelay $0x8  }
0xc1: {  	v0 =	vpop (erf)  }
0xc2: {  	[tilespmem:s11+$0xFFFFFFA0] =	vst v0  }
0xc3: {  	v1 =	vld [tilespmem:s9+$0xFFFFFFE0];
	_ =	sdelay $0x4  }
0xc4: {  	v0 =	vmul.f32 v0, v1;
	_ =	sdelay $0x1  }
0xc5: {  	[tilespmem:s11+$0xFFFFFFE0] =	vst v0  }
0xc6: {  	v0 =	vld [tilespmem:s9+$0xFFFFFFB0]  }
0xc7: {  	v1 =	vld [tilespmem:s8+$0xFFFFFFB0];
	_ =	sdelay $0x4  }
0xc8: {  	v0 =	vadd.f32 v1, v0;
	_ =	sdelay $0x1  }
0xc9: {  	vm0 =	vge.f32 v0, $0.0e+00;
	v1 =	vmul.f32 $2.000000030e-01, v0;
	_ =	sdelay $0x1  }
0xca: {  	v0 =	vsel vm0, v0, v1  }
0xcb: {  	v0 =	vmul.f32 $1.442695020e+00, v0;
	_ =	sdelay $0x1  }
0xcc: {  	(erf) = vpow2.f32 v0;
	_ =	sdelay $0x8  }
0xcd: {  	v0 =	vpop (erf)  }
0xce: {  	[tilespmem:s11+$0xFFFFFFB0] =	vst v0  }
0xcf: {  	v1 =	vld [tilespmem:s9+$0xFFFFFFF0];
	_ =	sdelay $0x4  }
0xd0: {  	v0 =	vmul.f32 v0, v1;
	_ =	sdelay $0x1  }
0xd1: {  	[tilespmem:s11+$0xFFFFFFF0] =	vst v0  }
0xd2: {  	v0 =	vld [tilespmem:s9+$0x0]  }
0xd3: {  	v1 =	vld [tilespmem:s8+$0x0];
	_ =	sdelay $0x4  }
0xd4: {  	v0 =	vadd.f32 v1, v0;
	_ =	sdelay $0x1  }
0xd5: {  	vm0 =	vge.f32 v0, $0.0e+00;
	v1 =	vmul.f32 $2.000000030e-01, v0;
	_ =	sdelay $0x1  }
0xd6: {  	v0 =	vsel vm0, v0, v1  }
0xd7: {  	v0 =	vmul.f32 $1.442695020e+00, v0;
	_ =	sdelay $0x1  }
0xd8: {  	(erf) = vpow2.f32 v0;
	_ =	sdelay $0x8  }
0xd9: {  	v0 =	vpop (erf)  }
0xda: {  	[tilespmem:s11+$0x0] =	vst v0  }
0xdb: {  	v1 =	vld [tilespmem:s9+$0x40];
	_ =	sdelay $0x4  }
0xdc: {  	v0 =	vmul.f32 v0, v1;
	_ =	sdelay $0x1  }
0xdd: {  	[tilespmem:s11+$0x40] =	vst v0  }
0xde: {  	v0 =	vld [tilespmem:s9+$0x10]  }
0xdf: {  	v1 =	vld [tilespmem:s8+$0x10];
	_ =	sdelay $0x4  }
0xe0: {  	v0 =	vadd.f32 v1, v0;
	_ =	sdelay $0x1  }
0xe1: {  	vm0 =	vge.f32 v0, $0.0e+00;
	v1 =	vmul.f32 $2.000000030e-01, v0;
	_ =	sdelay $0x1  }
0xe2: {  	v0 =	vsel vm0, v0, v1  }
0xe3: {  	v0 =	vmul.f32 $1.442695020e+00, v0;
	_ =	sdelay $0x1  }
0xe4: {  	(erf) = vpow2.f32 v0;
	_ =	sdelay $0x8  }
0xe5: {  	v0 =	vpop (erf)  }
0xe6: {  	[tilespmem:s11+$0x10] =	vst v0  }
0xe7: {  	v1 =	vld [tilespmem:s9+$0x50];
	_ =	sdelay $0x4  }
0xe8: {  	v0 =	vmul.f32 v0, v1;
	_ =	sdelay $0x1  }
0xe9: {  	[tilespmem:s11+$0x50] =	vst v0  }
0xea: {  	v0 =	vld [tilespmem:s9+$0x20]  }
0xeb: {  	v1 =	vld [tilespmem:s8+$0x20];
	_ =	sdelay $0x4  }
0xec: {  	v0 =	vadd.f32 v1, v0;
	_ =	sdelay $0x1  }
0xed: {  	vm0 =	vge.f32 v0, $0.0e+00;
	v1 =	vmul.f32 $2.000000030e-01, v0;
	_ =	sdelay $0x1  }
0xee: {  	v0 =	vsel vm0, v0, v1  }
0xef: {  	v0 =	vmul.f32 $1.442695020e+00, v0;
	_ =	sdelay $0x1  }
0xf0: {  	(erf) = vpow2.f32 v0;
	_ =	sdelay $0x8  }
0xf1: {  	v0 =	vpop (erf)  }
0xf2: {  	[tilespmem:s11+$0x20] =	vst v0  }
0xf3: {  	v1 =	vld [tilespmem:s9+$0x60];
	_ =	sdelay $0x4  }
0xf4: {  	v0 =	vmul.f32 v0, v1;
	_ =	sdelay $0x1  }
0xf5: {  	[tilespmem:s11+$0x60] =	vst v0  }
0xf6: {  	v0 =	vld [tilespmem:s9+$0x30]  }
0xf7: {  	v1 =	vld [tilespmem:s8+$0x30];
	_ =	sdelay $0x4  }
0xf8: {  	v0 =	vadd.f32 v1, v0;
	_ =	sdelay $0x1  }
0xf9: {  	vm0 =	vge.f32 v0, $0.0e+00;
	v1 =	vmul.f32 $2.000000030e-01, v0;
	_ =	sdelay $0x1  }
0xfa: {  	v0 =	vsel vm0, v0, v1  }
0xfb: {  	v0 =	vmul.f32 $1.442695020e+00, v0;
	_ =	sdelay $0x1  }
0xfc: {  	(erf) = vpow2.f32 v0;
	_ =	sdelay $0x5  }
.Ltmp0:
0xfd: {  	(pc) =	sbr.rel @p0 .LBB2_3-.Ltmp0, $3  }
0xfe: {  	_ =	sdelay $0x1  }
0xff: {  	v0 =	vpop (erf)  }
0x100: {  	s9 =	sadd.s32 $0x100, s9;
	[tilespmem:s11+$0x30] =	vst v0  }
0x101: {  	v1 =	vld [tilespmem:s10+$0x70];
	_ =	sdelay $0x4  }
0x102: {  	v0 =	vmul.f32 v0, v1;
	_ =	sdelay $0x1  }
0x103: {  	[tilespmem:s15+$0x70] =	vst v0  }
0x104: {  	[spmem:s2] =	stream.indirect.scatter.add.f32 [tilespmem:s29], [sflag:$0x5], $0x80, s18, s19, $0xb8;
	[tilespmem:$0x1FE00] =	vst v63  }
0x105: {  	_ =	swait.ge [sflag:s17], $0x2000  }
0x106: {  	[sflag:s17] =	ssyncset.done $0x0  }
0x107: {  	[sflag:s17] =	ssyncadd.s32 $0xFFFFE000  }
0x108: {  	_ =	swait.ge [sflag:s30], $0x2000  }
0x109: {  	p0 =	seq.s32 s20, $0x50;
	[sflag:s30] =	ssyncset.done $0x0  }
0x10a: {  	s8 =	sadd.s32 @!p0 s21, s13;
	[sflag:s30] =	ssyncadd.s32 $0xFFFFE000  }
0x10b: {  	s8 =	sshll.u32 @!p0 s8, $0x3;
	_ =	swait.ge [sflag:s31], $0x2000  }
0x10c: {  	s8 =	sand.u32 @!p0 $0x1FFFFFF0, s8;
	[sflag:s31] =	ssyncset.done $0x0  }
0x10d: {  	s10 =	simm.s32 @!p0 $0x0;
	s9 =	sadd.s32 @!p0 s6, s8;
	[sflag:s31] =	ssyncadd.s32 $0xFFFFE000  }
0x10e: {  	[tilespmem:s10], [sflag:$0x5] =	stream.linear.gather @!p0 [hbm4b:s9+s10], $0x40, $0x38;
	[tilespmem:$0x1FE00] =	vst v63  }
0x10f: {  	s9 =	simm.s32 @!p0 $0x5  }
0x110: {  	_ =	swait.ge @!p0 [sflag:s9], $0x40  }
0x111: {  	[sflag:s9] =	ssyncset.done @!p0 $0x0  }
0x112: {  	s11 =	simm.s32 @!p0 $0x80;
	s8 =	sadd.s32 @!p0 s7, s8;
	[sflag:s9] =	ssyncadd.s32 @!p0 $0xFFFFFFC0  }
0x113: {  	[tilespmem:s11], [sflag:$0x5] =	stream.linear.gather @!p0 [hbm4b:s8+s10], $0x40, $0x38;
	[tilespmem:$0x1FE00] =	vst v63  }
0x114: {  	_ =	swait.ge @!p0 [sflag:s9], $0x40  }
0x115: {  	[sflag:s9] =	ssyncset.done @!p0 $0x0  }
0x116: {  	s8 =	simm.s32 @!p0 $0x40;
	[sflag:s9] =	ssyncadd.s32 @!p0 $0xFFFFFFC0;
	s9 =	simm.s32 @!p0 $0x100  }
0x117: {  	[tilespmem:s9], [sflag:$0x1] =	stream.indirect.gather @!p0 [hbm4b:s4+s8], $0x80, s10, s8, $0xb8;
	[tilespmem:$0x1FE00] =	vst v63  }
0x118: {  	s9 =	simm.s32 @!p0 $0x2100;
	s10 =	simm.s32 $0x6280  }
0x119: {  	[tilespmem:s9], [sflag:$0x2] =	stream.indirect.gather @!p0 [hbm4b:s5+s8], $0x80, s11, s8, $0xb8;
	[tilespmem:$0x1FE00] =	vst v63  }
0x11a: {  	s8 =	simm.s32 $0x8280;
	v0 =	vld [tilespmem:s10+$0xFFFFFF80]  }
0x11b: {  	v1 =	vld [tilespmem:s8+$0xFFFFFF80];
	_ =	sdelay $0x4  }
0x11c: {  	v0 =	vadd.f32 v1, v0;
	_ =	sdelay $0x1  }
0x11d: {  	v1 =	vmul.f32 $2.000000030e-01, v0  }
0x11e: {  	vm0 =	vge.f32 v0, $0.0e+00  }
0x11f: {  	v0 =	vsel vm0, v0, v1  }
0x120: {  	v0 =	vmul.f32 $1.442695020e+00, v0;
	_ =	sdelay $0x1  }
0x121: {  	(erf) = vpow2.f32 v0;
	_ =	sdelay $0x8  }
0x122: {  	s11 =	simm.s32 $0xA280;
	v0 =	vpop (erf)  }
0x123: {  	[tilespmem:s11+$0xFFFFFF80] =	vst v0  }
0x124: {  	v1 =	vld [tilespmem:s10+$0xFFFFFFC0];
	_ =	sdelay $0x4  }
0x125: {  	v0 =	vmul.f32 v0, v1;
	_ =	sdelay $0x1  }
0x126: {  	[tilespmem:s11+$0xFFFFFFC0] =	vst v0  }
0x127: {  	v0 =	vld [tilespmem:s10+$0xFFFFFF90]  }
0x128: {  	v1 =	vld [tilespmem:s8+$0xFFFFFF90];
	_ =	sdelay $0x4  }
0x129: {  	v0 =	vadd.f32 v1, v0;
	_ =	sdelay $0x1  }
0x12a: {  	v1 =	vmul.f32 $2.000000030e-01, v0  }
0x12b: {  	vm9 =	vge.f32 v0, $0.0e+00  }
0x12c: {  	v0 =	vsel vm9, v0, v1  }
0x12d: {  	v0 =	vmul.f32 $1.442695020e+00, v0;
	_ =	sdelay $0x1  }
0x12e: {  	(erf) = vpow2.f32 v0;
	_ =	sdelay $0x8  }
0x12f: {  	v0 =	vpop (erf)  }
0x130: {  	[tilespmem:s11+$0xFFFFFF90] =	vst v0  }
0x131: {  	v1 =	vld [tilespmem:s10+$0xFFFFFFD0];
	_ =	sdelay $0x4  }
0x132: {  	v0 =	vmul.f32 v0, v1;
	_ =	sdelay $0x1  }
0x133: {  	[tilespmem:s11+$0xFFFFFFD0] =	vst v0  }
0x134: {  	v0 =	vld [tilespmem:s10+$0xFFFFFFA0]  }
0x135: {  	v1 =	vld [tilespmem:s8+$0xFFFFFFA0];
	_ =	sdelay $0x4  }
0x136: {  	v0 =	vadd.f32 v1, v0;
	_ =	sdelay $0x1  }
0x137: {  	v1 =	vmul.f32 $2.000000030e-01, v0  }
0x138: {  	vm10 =	vge.f32 v0, $0.0e+00  }
0x139: {  	v0 =	vsel vm10, v0, v1  }
0x13a: {  	v0 =	vmul.f32 $1.442695020e+00, v0;
	_ =	sdelay $0x1  }
0x13b: {  	(erf) = vpow2.f32 v0;
	_ =	sdelay $0x8  }
0x13c: {  	v0 =	vpop (erf)  }
0x13d: {  	[tilespmem:s11+$0xFFFFFFA0] =	vst v0  }
0x13e: {  	v1 =	vld [tilespmem:s10+$0xFFFFFFE0];
	_ =	sdelay $0x4  }
0x13f: {  	v0 =	vmul.f32 v0, v1;
	_ =	sdelay $0x1  }
0x140: {  	[tilespmem:s11+$0xFFFFFFE0] =	vst v0  }
0x141: {  	v0 =	vld [tilespmem:s10+$0xFFFFFFB0]  }
0x142: {  	v1 =	vld [tilespmem:s8+$0xFFFFFFB0];
	_ =	sdelay $0x4  }
0x143: {  	v0 =	vadd.f32 v1, v0;
	_ =	sdelay $0x1  }
0x144: {  	v1 =	vmul.f32 $2.000000030e-01, v0  }
0x145: {  	vm11 =	vge.f32 v0, $0.0e+00  }
0x146: {  	v0 =	vsel vm11, v0, v1  }
0x147: {  	v0 =	vmul.f32 $1.442695020e+00, v0;
	_ =	sdelay $0x1  }
0x148: {  	(erf) = vpow2.f32 v0;
	_ =	sdelay $0x8  }
0x149: {  	v0 =	vpop (erf)  }
0x14a: {  	[tilespmem:s11+$0xFFFFFFB0] =	vst v0  }
0x14b: {  	v1 =	vld [tilespmem:s10+$0xFFFFFFF0];
	_ =	sdelay $0x4  }
0x14c: {  	v0 =	vmul.f32 v0, v1;
	_ =	sdelay $0x1  }
0x14d: {  	[tilespmem:s11+$0xFFFFFFF0] =	vst v0  }
0x14e: {  	v0 =	vld [tilespmem:s10+$0x0]  }
0x14f: {  	v1 =	vld [tilespmem:s8+$0x0];
	_ =	sdelay $0x4  }
0x150: {  	v0 =	vadd.f32 v1, v0;
	_ =	sdelay $0x1  }
0x151: {  	v1 =	vmul.f32 $2.000000030e-01, v0  }
0x152: {  	vm12 =	vge.f32 v0, $0.0e+00  }
0x153: {  	v0 =	vsel vm12, v0, v1  }
0x154: {  	v0 =	vmul.f32 $1.442695020e+00, v0;
	_ =	sdelay $0x1  }
0x155: {  	(erf) = vpow2.f32 v0;
	_ =	sdelay $0x8  }
0x156: {  	v0 =	vpop (erf)  }
0x157: {  	[tilespmem:s11+$0x0] =	vst v0  }
0x158: {  	v1 =	vld [tilespmem:s10+$0x40];
	_ =	sdelay $0x4  }
0x159: {  	v0 =	vmul.f32 v0, v1;
	_ =	sdelay $0x1  }
0x15a: {  	[tilespmem:s11+$0x40] =	vst v0  }
0x15b: {  	v0 =	vld [tilespmem:s10+$0x10]  }
0x15c: {  	v1 =	vld [tilespmem:s8+$0x10];
	_ =	sdelay $0x4  }
0x15d: {  	v0 =	vadd.f32 v1, v0;
	_ =	sdelay $0x1  }
0x15e: {  	v1 =	vmul.f32 $2.000000030e-01, v0  }
0x15f: {  	vm13 =	vge.f32 v0, $0.0e+00  }
0x160: {  	v0 =	vsel vm13, v0, v1  }
0x161: {  	v0 =	vmul.f32 $1.442695020e+00, v0;
	_ =	sdelay $0x1  }
0x162: {  	(erf) = vpow2.f32 v0;
	_ =	sdelay $0x8  }
0x163: {  	v0 =	vpop (erf)  }
0x164: {  	[tilespmem:s11+$0x10] =	vst v0  }
0x165: {  	v1 =	vld [tilespmem:s10+$0x50];
	_ =	sdelay $0x4  }
0x166: {  	v0 =	vmul.f32 v0, v1;
	_ =	sdelay $0x1  }
0x167: {  	[tilespmem:s11+$0x50] =	vst v0  }
0x168: {  	v0 =	vld [tilespmem:s10+$0x20]  }
0x169: {  	v1 =	vld [tilespmem:s8+$0x20];
	_ =	sdelay $0x4  }
0x16a: {  	v0 =	vadd.f32 v1, v0;
	_ =	sdelay $0x1  }
0x16b: {  	v1 =	vmul.f32 $2.000000030e-01, v0  }
0x16c: {  	vm14 =	vge.f32 v0, $0.0e+00  }
0x16d: {  	v0 =	vsel vm14, v0, v1  }
0x16e: {  	v0 =	vmul.f32 $1.442695020e+00, v0;
	_ =	sdelay $0x1  }
0x16f: {  	(erf) = vpow2.f32 v0;
	_ =	sdelay $0x8  }
0x170: {  	v0 =	vpop (erf)  }
0x171: {  	[tilespmem:s11+$0x20] =	vst v0  }
0x172: {  	v1 =	vld [tilespmem:s10+$0x60];
	_ =	sdelay $0x4  }
0x173: {  	v0 =	vmul.f32 v0, v1;
	_ =	sdelay $0x1  }
0x174: {  	[tilespmem:s11+$0x60] =	vst v0  }
0x175: {  	v0 =	vld [tilespmem:s10+$0x30]  }
0x176: {  	v1 =	vld [tilespmem:s8+$0x30];
	_ =	sdelay $0x4  }
0x177: {  	v0 =	vadd.f32 v1, v0;
	_ =	sdelay $0x1  }
0x178: {  	v1 =	vmul.f32 $2.000000030e-01, v0  }
0x179: {  	vm15 =	vge.f32 v0, $0.0e+00  }
0x17a: {  	v0 =	vsel vm15, v0, v1  }
0x17b: {  	v0 =	vmul.f32 $1.442695020e+00, v0;
	_ =	sdelay $0x1  }
0x17c: {  	(erf) = vpow2.f32 v0;
	_ =	sdelay $0x8  }
0x17d: {  	v0 =	vpop (erf)  }
0x17e: {  	s14 =	simm.s32 $0x0;
	s15 =	simm.s32 $0xA280;
	s9 =	simm.s32 $0x6380;
	[tilespmem:s11+$0x30] =	vst v0  }
.LBB2_5:
0x17f: {  	s14 =	sadd.s32 $0x2, s14;
	v1 =	vld [tilespmem:s10+$0x70];
	s11 =	sadd.s32 $0x100, s11;
	s8 =	sadd.s32 $0x100, s8  }
0x180: {  	s10 =	smov.u32 s9;
	p0 =	slt.u32 s14, $0x3E;
	_ =	sdelay $0x3  }
0x181: {  	v0 =	vmul.f32 v0, v1;
	_ =	sdelay $0x1  }
0x182: {  	[tilespmem:s15+$0x70] =	vst v0;
	s15 =	smov.u32 s11  }
0x183: {  	v0 =	vld [tilespmem:s9+$0xFFFFFF80]  }
0x184: {  	v1 =	vld [tilespmem:s8+$0xFFFFFF80];
	_ =	sdelay $0x4  }
0x185: {  	v0 =	vadd.f32 v1, v0;
	_ =	sdelay $0x1  }
0x186: {  	v1 =	vmul.f32 $2.000000030e-01, v0  }
0x187: {  	vm0 =	vge.f32 v0, $0.0e+00  }
0x188: {  	v0 =	vsel vm0, v0, v1  }
0x189: {  	v0 =	vmul.f32 $1.442695020e+00, v0;
	_ =	sdelay $0x1  }
0x18a: {  	(erf) = vpow2.f32 v0;
	_ =	sdelay $0x8  }
0x18b: {  	v0 =	vpop (erf)  }
0x18c: {  	[tilespmem:s11+$0xFFFFFF80] =	vst v0  }
0x18d: {  	v1 =	vld [tilespmem:s9+$0xFFFFFFC0];
	_ =	sdelay $0x4  }
0x18e: {  	v0 =	vmul.f32 v0, v1;
	_ =	sdelay $0x1  }
0x18f: {  	[tilespmem:s11+$0xFFFFFFC0] =	vst v0  }
0x190: {  	v0 =	vld [tilespmem:s9+$0xFFFFFF90]  }
0x191: {  	v1 =	vld [tilespmem:s8+$0xFFFFFF90];
	_ =	sdelay $0x4  }
0x192: {  	v0 =	vadd.f32 v1, v0;
	_ =	sdelay $0x1  }
0x193: {  	vm0 =	vge.f32 v0, $0.0e+00;
	v1 =	vmul.f32 $2.000000030e-01, v0;
	_ =	sdelay $0x1  }
0x194: {  	v0 =	vsel vm0, v0, v1  }
0x195: {  	v0 =	vmul.f32 $1.442695020e+00, v0;
	_ =	sdelay $0x1  }
0x196: {  	(erf) = vpow2.f32 v0;
	_ =	sdelay $0x8  }
0x197: {  	v0 =	vpop (erf)  }
0x198: {  	[tilespmem:s11+$0xFFFFFF90] =	vst v0  }
0x199: {  	v1 =	vld [tilespmem:s9+$0xFFFFFFD0];
	_ =	sdelay $0x4  }
0x19a: {  	v0 =	vmul.f32 v0, v1;
	_ =	sdelay $0x1  }
0x19b: {  	[tilespmem:s11+$0xFFFFFFD0] =	vst v0  }
0x19c: {  	v0 =	vld [tilespmem:s9+$0xFFFFFFA0]  }
0x19d: {  	v1 =	vld [tilespmem:s8+$0xFFFFFFA0];
	_ =	sdelay $0x4  }
0x19e: {  	v0 =	vadd.f32 v1, v0;
	_ =	sdelay $0x1  }
0x19f: {  	vm0 =	vge.f32 v0, $0.0e+00;
	v1 =	vmul.f32 $2.000000030e-01, v0;
	_ =	sdelay $0x1  }
0x1a0: {  	v0 =	vsel vm0, v0, v1  }
0x1a1: {  	v0 =	vmul.f32 $1.442695020e+00, v0;
	_ =	sdelay $0x1  }
0x1a2: {  	(erf) = vpow2.f32 v0;
	_ =	sdelay $0x8  }
0x1a3: {  	v0 =	vpop (erf)  }
0x1a4: {  	[tilespmem:s11+$0xFFFFFFA0] =	vst v0  }
0x1a5: {  	v1 =	vld [tilespmem:s9+$0xFFFFFFE0];
	_ =	sdelay $0x4  }
0x1a6: {  	v0 =	vmul.f32 v0, v1;
	_ =	sdelay $0x1  }
0x1a7: {  	[tilespmem:s11+$0xFFFFFFE0] =	vst v0  }
0x1a8: {  	v0 =	vld [tilespmem:s9+$0xFFFFFFB0]  }
0x1a9: {  	v1 =	vld [tilespmem:s8+$0xFFFFFFB0];
	_ =	sdelay $0x4  }
0x1aa: {  	v0 =	vadd.f32 v1, v0;
	_ =	sdelay $0x1  }
0x1ab: {  	vm0 =	vge.f32 v0, $0.0e+00;
	v1 =	vmul.f32 $2.000000030e-01, v0;
	_ =	sdelay $0x1  }
0x1ac: {  	v0 =	vsel vm0, v0, v1  }
0x1ad: {  	v0 =	vmul.f32 $1.442695020e+00, v0;
	_ =	sdelay $0x1  }
0x1ae: {  	(erf) = vpow2.f32 v0;
	_ =	sdelay $0x8  }
0x1af: {  	v0 =	vpop (erf)  }
0x1b0: {  	[tilespmem:s11+$0xFFFFFFB0] =	vst v0  }
0x1b1: {  	v1 =	vld [tilespmem:s9+$0xFFFFFFF0];
	_ =	sdelay $0x4  }
0x1b2: {  	v0 =	vmul.f32 v0, v1;
	_ =	sdelay $0x1  }
0x1b3: {  	[tilespmem:s11+$0xFFFFFFF0] =	vst v0  }
0x1b4: {  	v0 =	vld [tilespmem:s9+$0x0]  }
0x1b5: {  	v1 =	vld [tilespmem:s8+$0x0];
	_ =	sdelay $0x4  }
0x1b6: {  	v0 =	vadd.f32 v1, v0;
	_ =	sdelay $0x1  }
0x1b7: {  	vm0 =	vge.f32 v0, $0.0e+00;
	v1 =	vmul.f32 $2.000000030e-01, v0;
	_ =	sdelay $0x1  }
0x1b8: {  	v0 =	vsel vm0, v0, v1  }
0x1b9: {  	v0 =	vmul.f32 $1.442695020e+00, v0;
	_ =	sdelay $0x1  }
0x1ba: {  	(erf) = vpow2.f32 v0;
	_ =	sdelay $0x8  }
0x1bb: {  	v0 =	vpop (erf)  }
0x1bc: {  	[tilespmem:s11+$0x0] =	vst v0  }
0x1bd: {  	v1 =	vld [tilespmem:s9+$0x40];
	_ =	sdelay $0x4  }
0x1be: {  	v0 =	vmul.f32 v0, v1;
	_ =	sdelay $0x1  }
0x1bf: {  	[tilespmem:s11+$0x40] =	vst v0  }
0x1c0: {  	v0 =	vld [tilespmem:s9+$0x10]  }
0x1c1: {  	v1 =	vld [tilespmem:s8+$0x10];
	_ =	sdelay $0x4  }
0x1c2: {  	v0 =	vadd.f32 v1, v0;
	_ =	sdelay $0x1  }
0x1c3: {  	vm0 =	vge.f32 v0, $0.0e+00;
	v1 =	vmul.f32 $2.000000030e-01, v0;
	_ =	sdelay $0x1  }
0x1c4: {  	v0 =	vsel vm0, v0, v1  }
0x1c5: {  	v0 =	vmul.f32 $1.442695020e+00, v0;
	_ =	sdelay $0x1  }
0x1c6: {  	(erf) = vpow2.f32 v0;
	_ =	sdelay $0x8  }
0x1c7: {  	v0 =	vpop (erf)  }
0x1c8: {  	[tilespmem:s11+$0x10] =	vst v0  }
0x1c9: {  	v1 =	vld [tilespmem:s9+$0x50];
	_ =	sdelay $0x4  }
0x1ca: {  	v0 =	vmul.f32 v0, v1;
	_ =	sdelay $0x1  }
0x1cb: {  	[tilespmem:s11+$0x50] =	vst v0  }
0x1cc: {  	v0 =	vld [tilespmem:s9+$0x20]  }
0x1cd: {  	v1 =	vld [tilespmem:s8+$0x20];
	_ =	sdelay $0x4  }
0x1ce: {  	v0 =	vadd.f32 v1, v0;
	_ =	sdelay $0x1  }
0x1cf: {  	vm0 =	vge.f32 v0, $0.0e+00;
	v1 =	vmul.f32 $2.000000030e-01, v0;
	_ =	sdelay $0x1  }
0x1d0: {  	v0 =	vsel vm0, v0, v1  }
0x1d1: {  	v0 =	vmul.f32 $1.442695020e+00, v0;
	_ =	sdelay $0x1  }
0x1d2: {  	(erf) = vpow2.f32 v0;
	_ =	sdelay $0x8  }
0x1d3: {  	v0 =	vpop (erf)  }
0x1d4: {  	[tilespmem:s11+$0x20] =	vst v0  }
0x1d5: {  	v1 =	vld [tilespmem:s9+$0x60];
	_ =	sdelay $0x4  }
0x1d6: {  	v0 =	vmul.f32 v0, v1;
	_ =	sdelay $0x1  }
0x1d7: {  	[tilespmem:s11+$0x60] =	vst v0  }
0x1d8: {  	v0 =	vld [tilespmem:s9+$0x30]  }
0x1d9: {  	v1 =	vld [tilespmem:s8+$0x30];
	_ =	sdelay $0x4  }
0x1da: {  	v0 =	vadd.f32 v1, v0;
	_ =	sdelay $0x1  }
0x1db: {  	vm0 =	vge.f32 v0, $0.0e+00;
	v1 =	vmul.f32 $2.000000030e-01, v0;
	_ =	sdelay $0x1  }
0x1dc: {  	v0 =	vsel vm0, v0, v1  }
0x1dd: {  	v0 =	vmul.f32 $1.442695020e+00, v0;
	_ =	sdelay $0x1  }
0x1de: {  	(erf) = vpow2.f32 v0;
	_ =	sdelay $0x5  }
.Ltmp1:
0x1df: {  	(pc) =	sbr.rel @p0 .LBB2_5-.Ltmp1, $3  }
0x1e0: {  	_ =	sdelay $0x1  }
0x1e1: {  	v0 =	vpop (erf)  }
0x1e2: {  	s9 =	sadd.s32 $0x100, s9;
	[tilespmem:s11+$0x30] =	vst v0  }
0x1e3: {  	v1 =	vld [tilespmem:s10+$0x70];
	_ =	sdelay $0x4  }
0x1e4: {  	s20 =	sadd.s32 $0x1, s20;
	v0 =	vmul.f32 v0, v1  }
0x1e5: {  	p0 =	sne.s32 s20, $0x51  }
.Ltmp2:
0x1e6: {  	[tilespmem:s15+$0x70] =	vst v0;
	(pc) =	sbr.rel @p0 .LBB2_2-.Ltmp2, $4  }
0x1e7: {  	[spmem:s2] =	stream.indirect.scatter.add.f32 [tilespmem:s0], [sflag:$0x5], $0x80, s25, s19, $0xb8;
	[tilespmem:$0x1FE00] =	vst v63  }
0x1e8: {  	_ =	swait.ge [sflag:s17], $0x2000  }
0x1e9: {  	[sflag:s17] =	ssyncset.done $0x0  }
0x1ea: {  	[sflag:s17] =	ssyncadd.s32 $0xFFFFE000  }
0x1eb: {  	[bflag:$0x0] =	sbarrier.arrive $0xFFFF  }
0x1ec: {  	s8 =	rddreg [dreg:$0x6]  }
0x1ed: {  	s10 =	rddreg [dreg:$0x8]  }
0x1ee: {  	[hbm:s8], [sflag:s16] =	dma.local [spmem:s10], $0x2780  }
0x1ef: {  	_ =	swait.ge [sflag:s17], $0x2780  }
0x1f0: {  	s1 =	sadd.s32 $0x1, s1;
	s21 =	rddreg [dreg:$0x7]  }
0x1f1: {  	p0 =	sne.s32 s1, s21  }
.Ltmp3:
0x1f2: {  	_ = 	snop;
	(pc) =	sbr.rel @p0 .LBB2_1-.Ltmp3, $3  }
0x1f3: {  	_ =	sdelay $0x1  }
0x1f4: {  	[sflag:s17] =	ssyncset.done $0x0  }
0x1f5: {  	s9 =	smov.u32 s16;
	[sflag:s17] =	ssyncadd.s32 $0xFFFFD880  }
0x1f6: {  	_ =	sfence.sel $0x180000  }
0x1f7: {  	[bflag:$0x0] =	sbarrier.arrive $0xFFFF  }
0x1f8: {  	_ =	strace $0x9000004A  }
0x1f9: {  	s0 =	stileid.u32;
	[bflag:$0x2] =	sbarrier.arrive $0xFFFF  }
0x1fa: {  	p0 =	sne.s32 s0, $0x0;
	s0 =	rddreg [dreg:$0x2]  }
0x1fb: {  	s0 =	sadd.s32 @!p0 $0x100000, s0  }
0x1fc: {  	[sflag:s0] =	ssyncadd.tile.s32 @!p0 $0x1;
	_ =	shalt  }
.Lfunc_end2:
_tile_overlayer_lowered:
.L_overlay_start_2:
0x1fd: {  	(tag) =	ssettag $0x2  }
0x1fe: {  	s0 =	rddreg [dreg:$0x0];
	s2 =	stileid.u32  }
0x1ff: {  	s1 =	rddreg [dreg:$0x1];
	p0 =	sne.s32 s2, $0x0  }
0x200: {  	s3 =	rddreg [dreg:$0x2];
	[bflag:$0x3] =	sbarrier.arrive $0xFFFF;
	s2 =	simm.s32 @!p0 $0x1C05  }
0x201: {  	[timem:s3], [sflag:s2] =	dma.local @!p0 [hbm:s0], s1  }
0x202: {  	s0 =	simm.s32 @!p0 $0x5  }
0x203: {  	_ =	swait.ge @!p0 [sflag:s0], s1  }
0x204: {  	s1 =	ssub.s32 @!p0 $0x0, s1;
	[sflag:s0] =	ssyncset.done @!p0 $0x0  }
0x205: {  	[sflag:s0] =	ssyncadd.s32 @!p0 s1  }
0x206: {  	[bflag:$0x3] =	sbarrier.arrive $0xFFFF  }
0x207: {  	_ =	shalt  }

// kernel: kernel.8.cloned.1.call-start
scs
__scs_entry_jumppad:
0x0: {  	(pc) =	sbr.rel $0x88, $3  }
0x1: {  	(tag) =	ssettag $0x0;
	lr =	simm.s32 $0x1  }
0x2: {  	[smem:$0x3F94] =	sst lr;
	_ =	strace $0xD0000000  }
0x3: {  	_ = 	snop  }
0x4: {  	_ = 	snop  }
0x5: {  	_ = 	snop  }
0x6: {  	_ = 	snop  }
0x7: {  	_ = 	snop  }
__scs_overlays_trampoline_lowered:
0x8: {  	[smem:$0x3FA3] =	sst s0  }
0x9: {  	[smem:$0x3FA4] =	sst s1  }
0xa: {  	[smem:$0x3FA5] =	sst s2  }
0xb: {  	[smem:$0x3FA6] =	sst s3  }
0xc: {  	[smem:$0x3FA7] =	sst s4  }
0xd: {  	[smem:$0x3FA8] =	sst s5  }
0xe: {  	[smem:$0x3FA9] =	sst s6  }
0xf: {  	[smem:$0x3FAA] =	sst s7  }
0x10: {  	[smem:$0x3FAB] =	sst s8  }
0x11: {  	[smem:$0x3FAC] =	sst s9;
	s0 =	simm.s32 @!p0 $0x0  }
0x12: {  	s1 =	sld [smem:$0x3F92];
	s0 =	simm.s32 @p0 $0x1  }
0x13: {  	[smem:$0x3FAD] =	sst s0;
	s0 =	simm.s32 @!p1 $0x0  }
0x14: {  	s2 =	sld [smem:$0x3F91];
	s0 =	simm.s32 @p1 $0x1  }
0x15: {  	[smem:$0x3FAE] =	sst s0;
	s0 =	simm.s32 @!p2 $0x0  }
0x16: {  	s3 =	sld [smem:$0x3FDB];
	s0 =	simm.s32 @p2 $0x1  }
0x17: {  	s4 =	simm.s32 $0x1BF5;
	[smem:$0x3FB0] =	sst s0  }
0x18: {  	s0 =	sld [smem:$0x3F93];
	_ =	swait.ge [sflag:s4], $0x0  }
0x19: {  	s7 =	sld [smem:$0x3F94]  }
0x1a: {  	s8 =	sadd.s32 $0xFFFFE003, lr  }
0x1b: {  	s9 =	sadd.s32 $0xFFFFFEF7, lr;
	s5 =	simm.s32 $0xFFFFFFFF;
	p2 =	slt.u32 s8, $0xFFFFF086  }
0x1c: {  	p1 =	slt.u32 s9, $0xF7A;
	s5 =	simm.s32 @!p2 $0x0  }
0x1d: {  	s5 =	simm.s32 @p1 $0x1;
	p0 =	seq.s32 s7, s2  }
0x1e: {  	s7 =	smul.u32 @!p0 $0xF7A, s2;
	p2 =	seq.s32 @!p0 s5, $0x0  }
0x1f: {  	s9 =	smul.u32 $0xF7A, s1;
	s8 =	simm.s32 @!p0 $0x1BF5;
	p2 =	por !p2, p0  }
0x20: {  	[sflag:s8] =	ssyncset.s32 @!p0 $0xFFFFF086;
	s6 =	sadd.s32 @!p0 s3, s7;
	s7 =	simm.s32 @!p0 $0x108  }
0x21: {  	s3 =	sadd.s32 s3, s9;
	s6 =	sadd.s32 @!p0 $0x88, s6;
	s7 =	simm.s32 @p2 $0x1082  }
0x22: {  	[simem:s7], [sflag:s8] =	dma.local @!p0 [hbm:s6], $0xF7A  }
0x23: {  	s9 =	sor.u32 $0xD0000000, s2;
	s6 =	simm.s32 $0x108;
	_ =	swait.ge @!p0 [sflag:s8], $0x0  }
0x24: {  	s3 =	sadd.s32 $0x88, s3;
	s6 =	simm.s32 @!p1 $0x1082;
	[sflag:s4] =	ssyncset.s32 $0xFFFFF086  }
0x25: {  	[simem:s6], [sflag:s4] =	dma.local [hbm:s3], $0xF7A  }
0x26: {  	[smem:$0x3F94] =	sst s1;
	(tag) =	ssettag s2;
	_ =	strace s9  }
0x27: {  	s1 =	sld [smem:$0x3FA4]  }
0x28: {  	s2 =	sld [smem:$0x3FA5]  }
0x29: {  	s4 =	sld [smem:$0x3FA7]  }
0x2a: {  	p0 =	seq.s32 s5, $0x0;
	s5 =	sld [smem:$0x3FA8]  }
0x2b: {  	s6 =	sld [smem:$0x3FA9]  }
0x2c: {  	s7 =	sld [smem:$0x3FAA]  }
0x2d: {  	s3 =	simm.s32 $0x108;
	s8 =	sld [smem:$0x3FAB]  }
0x2e: {  	s3 =	simm.s32 @!p0 $0x1082;
	s9 =	sld [smem:$0x3FAC]  }
0x2f: {  	lr =	sadd.s32 s0, s3;
	s0 =	sld [smem:$0x3FA3]  }
0x30: {  	s3 =	sld [smem:$0x3FA6]  }
0x31: {  	[smem:$0x3FAF] =	sst s10  }
0x32: {  	s10 =	sld [smem:$0x3FAD];
	_ =	sdelay $0x3  }
0x33: {  	p0 =	seq.s32 s10, $0x1;
	s10 =	sld [smem:$0x3FAF];
	_ =	sdelay $0x3  }
0x34: {  	[smem:$0x3FAF] =	sst s10  }
0x35: {  	s10 =	sld [smem:$0x3FAE];
	_ =	sdelay $0x3  }
0x36: {  	p1 =	seq.s32 s10, $0x1;
	s10 =	sld [smem:$0x3FAF];
	_ =	sdelay $0x3  }
0x37: {  	[smem:$0x3FAF] =	sst s10  }
0x38: {  	s10 =	sld [smem:$0x3FB0]  }
0x39: {  	_ = 	snop;
	(pc) =	sbr.ind lr, $3  }
0x3a: {  	_ = 	snop  }
0x3b: {  	_ = 	snop  }
0x3c: {  	p2 =	seq.s32 s10, $0x1;
	s10 =	sld [smem:$0x3FAF]  }
0x3d: {  	_ =	shalt  }
0x3e: {  	_ =	shalt  }
0x3f: {  	_ =	shalt  }
0x40: {  	_ =	shalt  }
0x41: {  	_ =	shalt  }
0x42: {  	_ =	shalt  }
0x43: {  	_ =	shalt  }
0x44: {  	_ =	shalt  }
0x45: {  	_ =	shalt  }
0x46: {  	_ =	shalt  }
0x47: {  	_ =	shalt  }
0x48: {  	_ =	shalt  }
0x49: {  	_ =	shalt  }
0x4a: {  	_ =	shalt  }
0x4b: {  	_ =	shalt  }
0x4c: {  	_ =	shalt  }
0x4d: {  	_ =	shalt  }
0x4e: {  	_ =	shalt  }
0x4f: {  	_ =	shalt  }
0x50: {  	_ =	shalt  }
0x51: {  	_ =	shalt  }
0x52: {  	_ =	shalt  }
0x53: {  	_ =	shalt  }
0x54: {  	_ =	shalt  }
0x55: {  	_ =	shalt  }
0x56: {  	_ =	shalt  }
0x57: {  	_ =	shalt  }
0x58: {  	_ =	shalt  }
0x59: {  	_ =	shalt  }
0x5a: {  	_ =	shalt  }
0x5b: {  	_ =	shalt  }
0x5c: {  	_ =	shalt  }
0x5d: {  	_ =	shalt  }
0x5e: {  	_ =	shalt  }
0x5f: {  	_ =	shalt  }
0x60: {  	_ =	shalt  }
0x61: {  	_ =	shalt  }
0x62: {  	_ =	shalt  }
0x63: {  	_ =	shalt  }
0x64: {  	_ =	shalt  }
0x65: {  	_ =	shalt  }
0x66: {  	_ =	shalt  }
0x67: {  	_ =	shalt  }
0x68: {  	_ =	shalt  }
0x69: {  	_ =	shalt  }
0x6a: {  	_ =	shalt  }
0x6b: {  	_ =	shalt  }
0x6c: {  	_ =	shalt  }
0x6d: {  	_ =	shalt  }
0x6e: {  	_ =	shalt  }
0x6f: {  	_ =	shalt  }
0x70: {  	_ =	shalt  }
0x71: {  	_ =	shalt  }
0x72: {  	_ =	shalt  }
0x73: {  	_ =	shalt  }
0x74: {  	_ =	shalt  }
0x75: {  	_ =	shalt  }
0x76: {  	_ =	shalt  }
0x77: {  	_ =	shalt  }
0x78: {  	_ =	shalt  }
0x79: {  	_ =	shalt  }
0x7a: {  	_ =	shalt  }
0x7b: {  	_ =	shalt  }
0x7c: {  	_ =	shalt  }
0x7d: {  	_ =	shalt  }
0x7e: {  	_ =	shalt  }
0x7f: {  	_ =	shalt  }
0x80: {  	_ =	shalt  }
0x81: {  	_ =	shalt  }
0x82: {  	_ =	shalt  }
0x83: {  	_ =	shalt  }
0x84: {  	_ =	shalt  }
0x85: {  	_ =	shalt  }
0x86: {  	_ =	shalt  }
0x87: {  	_ =	shalt  }
.Lfunc_end0:
.L_simem_size_0:
called_computation_lowered:
.L_overlay_start_0:
0x88: {  	s2 =	sld [smem:$0x3FD9]  }
0x89: {  	s3 =	sld [smem:$0x3FFE];
	_ =	sdelay $0x1  }
0x8a: {  	s1 =	srdreg.scid  }
0x8b: {  	s0 =	sand.u32 $0x1, s1  }
0x8c: {  	s16 =	sshll.u32 s0, $0xA;
	s2 =	sadd.s32 s3, s2  }
0x8d: {  	s2 =	sadd.s32 s2, s16  }
0x8e: {  	[smem:$0x3FBB] =	sst s2  }
0x8f: {  	_ = 	snop  }
0x90: {  	(tm) =	ssettm $0x1  }
0x91: {  	s17 =	sld [smem:$0x3FFB];
	_ =	sdelay $0x3  }
0x92: {  	_ =	strace s17  }
0x93: {  	s2 =	sld [smem:$0x3FFC];
	_ =	sdelay $0x3  }
0x94: {  	_ =	strace s2  }
0x95: {  	s2 =	sld [smem:$0x3FFD];
	_ =	sdelay $0x3  }
0x96: {  	_ =	strace s2  }
0x97: {  	_ =	strace $0x8FFFFFFF  }
0x98: {  	s18 =	sld [smem:$0x3FDB];
	_ =	sdelay $0x1  }
0x99: {  	s19 =	simm.s32 $_scs_section_size  }
0x9a: {  	s4 =	simm.s32 $_size__tile_overlayer_lowered;
	s5 =	simm.s32 $_tile_overlayer_lowered  }
0x9b: {  	s22 =	simm.s32 $0x1BFF;
	s21 =	sshll.u32 s5, $0x1;
	s2 =	sadd.s32 s19, s18  }
0x9c: {  	s6 =	simm.s32 $0x0;
	s20 =	sshll.u32 s4, $0x1;
	s4 =	sadd.s32 s21, s2  }
0x9d: {  	[timem:s6], [sflag:s22] =	dma.local [hbm:s4], s20  }
0x9e: {  	_ =	swait.ge [sflag:s22], s20  }
0x9f: {  	s3 =	ssub.s32 $0x0, s20;
	[sflag:s22] =	ssyncset.done $0x0  }
0xa0: {  	[sflag:s22] =	ssyncadd.s32 s3;
	_ =	sdelay $0x1  }
0xa1: {  	s23 =	simm.s32 $0x1B8B  }
0xa2: {  	_ =	swait.ge [sflag:s23], $0x1  }
0xa3: {  	[sflag:s23] =	ssyncset.done $0x0  }
0xa4: {  	s25 =	simm.s32 $0x1B8E;
	s24 =	sld [smem:$0x3FFE];
	[sflag:s23] =	ssyncadd.s32 $0xFFFFFFFF  }
0xa5: {  	s26 =	simm.s32 $execute0_lowered;
	[smem:$0x3FD2] =	sst s25  }
0xa6: {  	s4 =	sshll.u32 s26, $0x1;
	_ =	strace $0x80000046;
	[dreg:$0x1] =	wrdreg $0xFFFFFFFF  }
0xa7: {  	s28 =	simm.s32 $_size_execute0_lowered;
	s2 =	sadd.s32 s2, s4;
	[dreg:$0x0] =	wrdreg $0x0  }
0xa8: {  	s4 =	sshll.u32 s28, $0x1;
	[dreg:$0x2] =	wrdreg s2  }
0xa9: {  	[dreg:$0x3] =	wrdreg s4  }
0xaa: {  	[dreg:$0x4] =	wrdreg $0xC0  }
0xab: {  	_ =	task [dreg:s6], $0x5FFFF  }
0xac: {  	[dreg:$0x1] =	wrdreg $0xFFFFFFFF  }
0xad: {  	[dreg:$0x0] =	wrdreg $0x60  }
0xae: {  	[dreg:$0x2] =	wrdreg s24  }
0xaf: {  	[dreg:$0x3] =	wrdreg $0xC2000  }
0xb0: {  	[dreg:$0x4] =	wrdreg $0x9  }
0xb1: {  	_ =	task.clear_ibuf [dreg:s6], $0x5FFFF;
	_ =	strace $0x90000046  }
0xb2: {  	s29 =	simm.s32 $0x9;
	_ =	strace $0x80000048  }
0xb3: {  	_ =	swait.ge [sflag:s29], $0x1  }
0xb4: {  	[sflag:s29] =	ssyncadd.s32 $0xFFFFFFFF  }
0xb5: {  	_ =	strace $0x90000048  }
0xb6: {  	_ =	sfence  }
0xb7: {  	s30 =	sld [smem:$0x0];
	_ =	sdelay $0x2  }
0xb8: {  	s31 =	sshll.u32 s1, $0xD;
	s1 =	sshrl.u32 s1, $0x2  }
0xb9: {  	s3 =	sand.u32 $0x4000, s31;
	s1 =	sadd.s32 s1, s30  }
0xba: {  	s0 =	sor.u32 s3, s0;
	s1 =	sshll.u32 s1, $0x11  }
0xbb: {  	s0 =	sor.u32 s1, s0  }
0xbc: {  	s0 =	sadd.s32 $0x8F2B, s0  }
0xbd: {  	[sflag:s0] =	ssyncadd.remote.s32 $0x1  }
0xbe: {  	_ =	sfence.sel $0xFFFF  }
0xbf: {  	[dreg:$0x0] =	wrdreg $0xFFFFFFFF;
	(pc) =	sbr.abs _section_cstart, $3  }
0xc0: {  	[dreg:$0x1] =	wrdreg $0xFFFFFFFF  }
0xc1: {  	_ =	task.clear_ibuf [dreg:s6], $0x2FFFF;
	_ =	strace $0x9FFFFFFF  }
0xc2: {  	(tm) =	ssettm $0x7FFFFFFF  }
0xc3: {  	_ =	shalt  }
tec
execute0_lowered:
.L_overlay_start_1:
0x0: {  	(tag) =	ssettag $0x1  }
0x1: {  	s0 =	rddreg [dreg:$0x0]  }
0x2: {  	s2 =	rddreg [dreg:$0x1]  }
0x3: {  	s3 =	simm.s32 $0x0;
	s12 =	stileid.u32;
	s1 =	srdreg.scid  }
0x4: {  	s17 =	simm.s32 $0x5;
	s18 =	simm.s32 $0x80;
	s19 =	simm.s32 $0x40  }
0x5: {  	s28 =	simm.s32 $0x8200;
	s29 =	simm.s32 $0x4100;
	s30 =	simm.s32 $0x3  }
0x6: {  	s31 =	simm.s32 $0x4;
	[smem:$0x7FF] =	sst s3;
	s8 =	smul.u32 $0x13C00, s12  }
0x7: {  	s1 =	sand.u32 $0x1, s1;
	s4 =	sadd.s32 $0x2A000, s0;
	s5 =	sadd.s32 $0x2000, s0  }
0x8: {  	s6 =	sadd.s32 $0x5C200, s0;
	s7 =	sadd.s32 $0x52000, s0;
	s21 =	smul.u32 $0x4F000, s12  }
0x9: {  	s24 =	sshll.u32 s12, $0x6;
	_ =	strace $0x80000047;
	s9 =	smul.u32 $0x13C000, s1  }
0xa: {  	s22 =	ssub.s32 $0x2, s1;
	s1 =	sshll.u32 s1, $0x4;
	s10 =	sshrl.u32 s8, $0x3  }
0xb: {  	s11 =	sshrl.u32 s22, $0x1;
	s1 =	sor.u32 s12, s1;
	s8 =	sadd.s32 s8, s9  }
0xc: {  	s20 =	sadd.s32 s10, s0;
	s10 =	sshrl.u32 s21, $0x2;
	s23 =	smul.u32 $0x510, s1  }
0xd: {  	s1 =	smul.u32 $0xA2, s1;
	s8 =	sshrl.u32 s8, $0x3;
	s10 =	sadd.s32 s10, s2  }
0xe: {  	s9 =	sadd.s32 $0x66400, s20;
	s0 =	sadd.s32 s8, s0;
	s8 =	ssub.s32 s22, s11  }
0xf: {  	[dreg:$0x3] =	wrdreg s9;
	s9 =	sor.u32 $0x1C05, s24;
	s25 =	sadd.s32 s6, s23  }
0x10: {  	s11 =	sadd.s32 s7, s23;
	s12 =	sor.u32 $0x1, s1;
	s13 =	sadd.s32 $0x2, s1  }
0x11: {  	s10 =	sshrl.u32 s10, $0x3;
	s22 =	simm.s32 $0x1;
	[dreg:$0x4] =	wrdreg s25  }
0x12: {  	s23 =	simm.s32 $0x2;
	s24 =	simm.s32 $0x6100;
	[dreg:$0x5] =	wrdreg s11  }
0x13: {  	s1 =	simm.s32 $0x0;
	s0 =	sadd.s32 $0x8DC00, s0;
	[dreg:$0x8] =	wrdreg s10  }
0x14: {  	s26 =	smax.u32 s8, $0x1;
	s25 =	simm.s32 $0x6180;
	[dreg:$0x6] =	wrdreg s0  }
0x15: {  	[dreg:$0x7] =	wrdreg s26;
	s26 =	simm.s32 $0x6200;
	s0 =	simm.s32 $0xA200  }
.LBB2_1:
0x16: {  	s8 =	rddreg [dreg:$0x3]  }
0x17: {  	[spmem:s10], [sflag:s9] =	dma.local [hbm:s8], $0x2780  }
0x18: {  	_ =	swait.ge [sflag:s17], $0x2780  }
0x19: {  	[sflag:s17] =	ssyncset.done $0x0  }
0x1a: {  	s14 =	rddreg [dreg:$0x4];
	[sflag:s17] =	ssyncadd.s32 $0xFFFFD880  }
0x1b: {  	[tilespmem:s3], [sflag:$0x5] =	stream.linear.gather [hbm4b:s14+s3], $0x40, $0x38;
	[tilespmem:$0x1FE00] =	vst v63  }
0x1c: {  	_ =	swait.ge [sflag:s17], $0x40  }
0x1d: {  	[sflag:s17] =	ssyncset.done $0x0  }
0x1e: {  	s15 =	rddreg [dreg:$0x5];
	[sflag:s17] =	ssyncadd.s32 $0xFFFFFFC0  }
0x1f: {  	[tilespmem:s18], [sflag:$0x5] =	stream.linear.gather [hbm4b:s15+s3], $0x40, $0x38;
	[tilespmem:$0x1FE00] =	vst v63  }
0x20: {  	_ =	swait.ge [sflag:s17], $0x40  }
0x21: {  	[sflag:s17] =	ssyncset.done $0x0  }
0x22: {  	s20 =	simm.s32 $0x100;
	[sflag:s17] =	ssyncadd.s32 $0xFFFFFFC0  }
0x23: {  	[tilespmem:s20], [sflag:$0x1] =	stream.indirect.gather [hbm4b:s4+s19], $0x80, s3, s19, $0xb8;
	[tilespmem:$0x1FE00] =	vst v63  }
0x24: {  	s21 =	simm.s32 $0x2100  }
0x25: {  	[tilespmem:s21], [sflag:$0x2] =	stream.indirect.gather [hbm4b:s5+s19], $0x80, s18, s19, $0xb8;
	[tilespmem:$0x1FE00] =	vst v63  }
0x26: {  	s16 =	smov.u32 s9;
	s20 =	simm.s32 $0x0;
	[bflag:$0x0] =	sbarrier.arrive $0xFFFF  }
.LBB2_2:
0x27: {  	_ =	swait.ge [sflag:s22], $0x2000  }
0x28: {  	s21 =	sshll.u32 s20, $0x1;
	[sflag:s22] =	ssyncset.done $0x0  }
0x29: {  	s8 =	sadd.s32 s21, s12;
	[sflag:s22] =	ssyncadd.s32 $0xFFFFE000  }
0x2a: {  	s8 =	sshll.u32 s8, $0x3;
	_ =	swait.ge [sflag:s23], $0x2000  }
0x2b: {  	s8 =	sand.u32 $0x1FFFFFF8, s8;
	[sflag:s23] =	ssyncset.done $0x0  }
0x2c: {  	s9 =	sadd.s32 s6, s8;
	[sflag:s23] =	ssyncadd.s32 $0xFFFFE000  }
0x2d: {  	[tilespmem:s24], [sflag:$0x5] =	stream.linear.gather [hbm4b:s9+s3], $0x40, $0x38;
	[tilespmem:$0x1FE00] =	vst v63  }
0x2e: {  	_ =	swait.ge [sflag:s17], $0x40  }
0x2f: {  	[sflag:s17] =	ssyncset.done $0x0  }
0x30: {  	s8 =	sadd.s32 s7, s8;
	[sflag:s17] =	ssyncadd.s32 $0xFFFFFFC0  }
0x31: {  	[tilespmem:s25], [sflag:$0x5] =	stream.linear.gather [hbm4b:s8+s3], $0x40, $0x38;
	[tilespmem:$0x1FE00] =	vst v63  }
0x32: {  	_ =	swait.ge [sflag:s17], $0x40  }
0x33: {  	[sflag:s17] =	ssyncset.done $0x0  }
0x34: {  	[sflag:s17] =	ssyncadd.s32 $0xFFFFFFC0  }
0x35: {  	[tilespmem:s26], [sflag:$0x3] =	stream.indirect.gather [hbm4b:s4+s19], $0x80, s24, s19, $0xb8;
	[tilespmem:$0x1FE00] =	vst v63  }
0x36: {  	s10 =	simm.s32 $0x180  }
0x37: {  	[tilespmem:s28], [sflag:$0x4] =	stream.indirect.gather [hbm4b:s5+s19], $0x80, s25, s19, $0xb8;
	[tilespmem:$0x1FE00] =	vst v63  }
0x38: {  	s8 =	simm.s32 $0x2180;
	v0 =	vld [tilespmem:s10+$0xFFFFFF80]  }
0x39: {  	v1 =	vld [tilespmem:s8+$0xFFFFFF80];
	_ =	sdelay $0x4  }
0x3a: {  	v0 =	vadd.f32 v1, v0;
	_ =	sdelay $0x1  }
0x3b: {  	v1 =	vmul.f32 $2.000000030e-01, v0  }
0x3c: {  	vm0 =	vge.f32 v0, $0.0e+00  }
0x3d: {  	v0 =	vsel vm0, v0, v1  }
0x3e: {  	v0 =	vmul.f32 $1.442695020e+00, v0;
	_ =	sdelay $0x1  }
0x3f: {  	(erf) = vpow2.f32 v0;
	_ =	sdelay $0x8  }
0x40: {  	s11 =	simm.s32 $0x4180;
	v0 =	vpop (erf)  }
0x41: {  	[tilespmem:s11+$0xFFFFFF80] =	vst v0  }
0x42: {  	v1 =	vld [tilespmem:s10+$0xFFFFFFC0];
	_ =	sdelay $0x4  }
0x43: {  	v0 =	vmul.f32 v0, v1;
	_ =	sdelay $0x1  }
0x44: {  	[tilespmem:s11+$0xFFFFFFC0] =	vst v0  }
0x45: {  	v0 =	vld [tilespmem:s10+$0xFFFFFF90]  }
0x46: {  	v1 =	vld [tilespmem:s8+$0xFFFFFF90];
	_ =	sdelay $0x4  }
0x47: {  	v0 =	vadd.f32 v1, v0;
	_ =	sdelay $0x1  }
0x48: {  	v1 =	vmul.f32 $2.000000030e-01, v0  }
0x49: {  	vm9 =	vge.f32 v0, $0.0e+00  }
0x4a: {  	v0 =	vsel vm9, v0, v1  }
0x4b: {  	v0 =	vmul.f32 $1.442695020e+00, v0;
	_ =	sdelay $0x1  }
0x4c: {  	(erf) = vpow2.f32 v0;
	_ =	sdelay $0x8  }
0x4d: {  	v0 =	vpop (erf)  }
0x4e: {  	[tilespmem:s11+$0xFFFFFF90] =	vst v0  }
0x4f: {  	v1 =	vld [tilespmem:s10+$0xFFFFFFD0];
	_ =	sdelay $0x4  }
0x50: {  	v0 =	vmul.f32 v0, v1;
	_ =	sdelay $0x1  }
0x51: {  	[tilespmem:s11+$0xFFFFFFD0] =	vst v0  }
0x52: {  	v0 =	vld [tilespmem:s10+$0xFFFFFFA0]  }
0x53: {  	v1 =	vld [tilespmem:s8+$0xFFFFFFA0];
	_ =	sdelay $0x4  }
0x54: {  	v0 =	vadd.f32 v1, v0;
	_ =	sdelay $0x1  }
0x55: {  	v1 =	vmul.f32 $2.000000030e-01, v0  }
0x56: {  	vm10 =	vge.f32 v0, $0.0e+00  }
0x57: {  	v0 =	vsel vm10, v0, v1  }
0x58: {  	v0 =	vmul.f32 $1.442695020e+00, v0;
	_ =	sdelay $0x1  }
0x59: {  	(erf) = vpow2.f32 v0;
	_ =	sdelay $0x8  }
0x5a: {  	v0 =	vpop (erf)  }
0x5b: {  	[tilespmem:s11+$0xFFFFFFA0] =	vst v0  }
0x5c: {  	v1 =	vld [tilespmem:s10+$0xFFFFFFE0];
	_ =	sdelay $0x4  }
0x5d: {  	v0 =	vmul.f32 v0, v1;
	_ =	sdelay $0x1  }
0x5e: {  	[tilespmem:s11+$0xFFFFFFE0] =	vst v0  }
0x5f: {  	v0 =	vld [tilespmem:s10+$0xFFFFFFB0]  }
0x60: {  	v1 =	vld [tilespmem:s8+$0xFFFFFFB0];
	_ =	sdelay $0x4  }
0x61: {  	v0 =	vadd.f32 v1, v0;
	_ =	sdelay $0x1  }
0x62: {  	v1 =	vmul.f32 $2.000000030e-01, v0  }
0x63: {  	vm11 =	vge.f32 v0, $0.0e+00  }
0x64: {  	v0 =	vsel vm11, v0, v1  }
0x65: {  	v0 =	vmul.f32 $1.442695020e+00, v0;
	_ =	sdelay $0x1  }
0x66: {  	(erf) = vpow2.f32 v0;
	_ =	sdelay $0x8  }
0x67: {  	v0 =	vpop (erf)  }
0x68: {  	[tilespmem:s11+$0xFFFFFFB0] =	vst v0  }
0x69: {  	v1 =	vld [tilespmem:s10+$0xFFFFFFF0];
	_ =	sdelay $0x4  }
0x6a: {  	v0 =	vmul.f32 v0, v1;
	_ =	sdelay $0x1  }
0x6b: {  	[tilespmem:s11+$0xFFFFFFF0] =	vst v0  }
0x6c: {  	v0 =	vld [tilespmem:s10+$0x0]  }
0x6d: {  	v1 =	vld [tilespmem:s8+$0x0];
	_ =	sdelay $0x4  }
0x6e: {  	v0 =	vadd.f32 v1, v0;
	_ =	sdelay $0x1  }
0x6f: {  	v1 =	vmul.f32 $2.000000030e-01, v0  }
0x70: {  	vm12 =	vge.f32 v0, $0.0e+00  }
0x71: {  	v0 =	vsel vm12, v0, v1  }
0x72: {  	v0 =	vmul.f32 $1.442695020e+00, v0;
	_ =	sdelay $0x1  }
0x73: {  	(erf) = vpow2.f32 v0;
	_ =	sdelay $0x8  }
0x74: {  	v0 =	vpop (erf)  }
0x75: {  	[tilespmem:s11+$0x0] =	vst v0  }
0x76: {  	v1 =	vld [tilespmem:s10+$0x40];
	_ =	sdelay $0x4  }
0x77: {  	v0 =	vmul.f32 v0, v1;
	_ =	sdelay $0x1  }
0x78: {  	[tilespmem:s11+$0x40] =	vst v0  }
0x79: {  	v0 =	vld [tilespmem:s10+$0x10]  }
0x7a: {  	v1 =	vld [tilespmem:s8+$0x10];
	_ =	sdelay $0x4  }
0x7b: {  	v0 =	vadd.f32 v1, v0;
	_ =	sdelay $0x1  }
0x7c: {  	v1 =	vmul.f32 $2.000000030e-01, v0  }
0x7d: {  	vm13 =	vge.f32 v0, $0.0e+00  }
0x7e: {  	v0 =	vsel vm13, v0, v1  }
0x7f: {  	v0 =	vmul.f32 $1.442695020e+00, v0;
	_ =	sdelay $0x1  }
0x80: {  	(erf) = vpow2.f32 v0;
	_ =	sdelay $0x8  }
0x81: {  	v0 =	vpop (erf)  }
0x82: {  	[tilespmem:s11+$0x10] =	vst v0  }
0x83: {  	v1 =	vld [tilespmem:s10+$0x50];
	_ =	sdelay $0x4  }
0x84: {  	v0 =	vmul.f32 v0, v1;
	_ =	sdelay $0x1  }
0x85: {  	[tilespmem:s11+$0x50] =	vst v0  }
0x86: {  	v0 =	vld [tilespmem:s10+$0x20]  }
0x87: {  	v1 =	vld [tilespmem:s8+$0x20];
	_ =	sdelay $0x4  }
0x88: {  	v0 =	vadd.f32 v1, v0;
	_ =	sdelay $0x1  }
0x89: {  	v1 =	vmul.f32 $2.000000030e-01, v0  }
0x8a: {  	vm14 =	vge.f32 v0, $0.0e+00  }
0x8b: {  	v0 =	vsel vm14, v0, v1  }
0x8c: {  	v0 =	vmul.f32 $1.442695020e+00, v0;
	_ =	sdelay $0x1  }
0x8d: {  	(erf) = vpow2.f32 v0;
	_ =	sdelay $0x8  }
0x8e: {  	v0 =	vpop (erf)  }
0x8f: {  	[tilespmem:s11+$0x20] =	vst v0  }
0x90: {  	v1 =	vld [tilespmem:s10+$0x60];
	_ =	sdelay $0x4  }
0x91: {  	v0 =	vmul.f32 v0, v1;
	_ =	sdelay $0x1  }
0x92: {  	[tilespmem:s11+$0x60] =	vst v0  }
0x93: {  	v0 =	vld [tilespmem:s10+$0x30]  }
0x94: {  	v1 =	vld [tilespmem:s8+$0x30];
	_ =	sdelay $0x4  }
0x95: {  	v0 =	vadd.f32 v1, v0;
	_ =	sdelay $0x1  }
0x96: {  	v1 =	vmul.f32 $2.000000030e-01, v0  }
0x97: {  	vm15 =	vge.f32 v0, $0.0e+00  }
0x98: {  	v0 =	vsel vm15, v0, v1  }
0x99: {  	v0 =	vmul.f32 $1.442695020e+00, v0;
	_ =	sdelay $0x1  }
0x9a: {  	(erf) = vpow2.f32 v0;
	_ =	sdelay $0x8  }
0x9b: {  	v0 =	vpop (erf)  }
0x9c: {  	s14 =	simm.s32 $0x0;
	s15 =	simm.s32 $0x4180;
	s9 =	simm.s32 $0x280;
	[tilespmem:s11+$0x30] =	vst v0  }
.LBB2_3:
0x9d: {  	s14 =	sadd.s32 $0x2, s14;
	v1 =	vld [tilespmem:s10+$0x70];
	s11 =	sadd.s32 $0x100, s11;
	s8 =	sadd.s32 $0x100, s8  }
0x9e: {  	s10 =	smov.u32 s9;
	p0 =	slt.u32 s14, $0x3E;
	_ =	sdelay $0x3  }
0x9f: {  	v0 =	vmul.f32 v0, v1;
	_ =	sdelay $0x1  }
0xa0: {  	[tilespmem:s15+$0x70] =	vst v0;
	s15 =	smov.u32 s11  }
0xa1: {  	v0 =	vld [tilespmem:s9+$0xFFFFFF80]  }
0xa2: {  	v1 =	vld [tilespmem:s8+$0xFFFFFF80];
	_ =	sdelay $0x4  }
0xa3: {  	v0 =	vadd.f32 v1, v0;
	_ =	sdelay $0x1  }
0xa4: {  	v1 =	vmul.f32 $2.000000030e-01, v0  }
0xa5: {  	vm0 =	vge.f32 v0, $0.0e+00  }
0xa6: {  	v0 =	vsel vm0, v0, v1  }
0xa7: {  	v0 =	vmul.f32 $1.442695020e+00, v0;
	_ =	sdelay $0x1  }
0xa8: {  	(erf) = vpow2.f32 v0;
	_ =	sdelay $0x8  }
0xa9: {  	v0 =	vpop (erf)  }
0xaa: {  	[tilespmem:s11+$0xFFFFFF80] =	vst v0  }
0xab: {  	v1 =	vld [tilespmem:s9+$0xFFFFFFC0];
	_ =	sdelay $0x4  }
0xac: {  	v0 =	vmul.f32 v0, v1;
	_ =	sdelay $0x1  }
0xad: {  	[tilespmem:s11+$0xFFFFFFC0] =	vst v0  }
0xae: {  	v0 =	vld [tilespmem:s9+$0xFFFFFF90]  }
0xaf: {  	v1 =	vld [tilespmem:s8+$0xFFFFFF90];
	_ =	sdelay $0x4  }
0xb0: {  	v0 =	vadd.f32 v1, v0;
	_ =	sdelay $0x1  }
0xb1: {  	vm0 =	vge.f32 v0, $0.0e+00;
	v1 =	vmul.f32 $2.000000030e-01, v0;
	_ =	sdelay $0x1  }
0xb2: {  	v0 =	vsel vm0, v0, v1  }
0xb3: {  	v0 =	vmul.f32 $1.442695020e+00, v0;
	_ =	sdelay $0x1  }
0xb4: {  	(erf) = vpow2.f32 v0;
	_ =	sdelay $0x8  }
0xb5: {  	v0 =	vpop (erf)  }
0xb6: {  	[tilespmem:s11+$0xFFFFFF90] =	vst v0  }
0xb7: {  	v1 =	vld [tilespmem:s9+$0xFFFFFFD0];
	_ =	sdelay $0x4  }
0xb8: {  	v0 =	vmul.f32 v0, v1;
	_ =	sdelay $0x1  }
0xb9: {  	[tilespmem:s11+$0xFFFFFFD0] =	vst v0  }
0xba: {  	v0 =	vld [tilespmem:s9+$0xFFFFFFA0]  }
0xbb: {  	v1 =	vld [tilespmem:s8+$0xFFFFFFA0];
	_ =	sdelay $0x4  }
0xbc: {  	v0 =	vadd.f32 v1, v0;
	_ =	sdelay $0x1  }
0xbd: {  	vm0 =	vge.f32 v0, $0.0e+00;
	v1 =	vmul.f32 $2.000000030e-01, v0;
	_ =	sdelay $0x1  }
0xbe: {  	v0 =	vsel vm0, v0, v1  }
0xbf: {  	v0 =	vmul.f32 $1.442695020e+00, v0;
	_ =	sdelay $0x1  }
0xc0: {  	(erf) = vpow2.f32 v0;
	_ =	sdelay $0x8  }
0xc1: {  	v0 =	vpop (erf)  }
0xc2: {  	[tilespmem:s11+$0xFFFFFFA0] =	vst v0  }
0xc3: {  	v1 =	vld [tilespmem:s9+$0xFFFFFFE0];
	_ =	sdelay $0x4  }
0xc4: {  	v0 =	vmul.f32 v0, v1;
	_ =	sdelay $0x1  }
0xc5: {  	[tilespmem:s11+$0xFFFFFFE0] =	vst v0  }
0xc6: {  	v0 =	vld [tilespmem:s9+$0xFFFFFFB0]  }
0xc7: {  	v1 =	vld [tilespmem:s8+$0xFFFFFFB0];
	_ =	sdelay $0x4  }
0xc8: {  	v0 =	vadd.f32 v1, v0;
	_ =	sdelay $0x1  }
0xc9: {  	vm0 =	vge.f32 v0, $0.0e+00;
	v1 =	vmul.f32 $2.000000030e-01, v0;
	_ =	sdelay $0x1  }
0xca: {  	v0 =	vsel vm0, v0, v1  }
0xcb: {  	v0 =	vmul.f32 $1.442695020e+00, v0;
	_ =	sdelay $0x1  }
0xcc: {  	(erf) = vpow2.f32 v0;
	_ =	sdelay $0x8  }
0xcd: {  	v0 =	vpop (erf)  }
0xce: {  	[tilespmem:s11+$0xFFFFFFB0] =	vst v0  }
0xcf: {  	v1 =	vld [tilespmem:s9+$0xFFFFFFF0];
	_ =	sdelay $0x4  }
0xd0: {  	v0 =	vmul.f32 v0, v1;
	_ =	sdelay $0x1  }
0xd1: {  	[tilespmem:s11+$0xFFFFFFF0] =	vst v0  }
0xd2: {  	v0 =	vld [tilespmem:s9+$0x0]  }
0xd3: {  	v1 =	vld [tilespmem:s8+$0x0];
	_ =	sdelay $0x4  }
0xd4: {  	v0 =	vadd.f32 v1, v0;
	_ =	sdelay $0x1  }
0xd5: {  	vm0 =	vge.f32 v0, $0.0e+00;
	v1 =	vmul.f32 $2.000000030e-01, v0;
	_ =	sdelay $0x1  }
0xd6: {  	v0 =	vsel vm0, v0, v1  }
0xd7: {  	v0 =	vmul.f32 $1.442695020e+00, v0;
	_ =	sdelay $0x1  }
0xd8: {  	(erf) = vpow2.f32 v0;
	_ =	sdelay $0x8  }
0xd9: {  	v0 =	vpop (erf)  }
0xda: {  	[tilespmem:s11+$0x0] =	vst v0  }
0xdb: {  	v1 =	vld [tilespmem:s9+$0x40];
	_ =	sdelay $0x4  }
0xdc: {  	v0 =	vmul.f32 v0, v1;
	_ =	sdelay $0x1  }
0xdd: {  	[tilespmem:s11+$0x40] =	vst v0  }
0xde: {  	v0 =	vld [tilespmem:s9+$0x10]  }
0xdf: {  	v1 =	vld [tilespmem:s8+$0x10];
	_ =	sdelay $0x4  }
0xe0: {  	v0 =	vadd.f32 v1, v0;
	_ =	sdelay $0x1  }
0xe1: {  	vm0 =	vge.f32 v0, $0.0e+00;
	v1 =	vmul.f32 $2.000000030e-01, v0;
	_ =	sdelay $0x1  }
0xe2: {  	v0 =	vsel vm0, v0, v1  }
0xe3: {  	v0 =	vmul.f32 $1.442695020e+00, v0;
	_ =	sdelay $0x1  }
0xe4: {  	(erf) = vpow2.f32 v0;
	_ =	sdelay $0x8  }
0xe5: {  	v0 =	vpop (erf)  }
0xe6: {  	[tilespmem:s11+$0x10] =	vst v0  }
0xe7: {  	v1 =	vld [tilespmem:s9+$0x50];
	_ =	sdelay $0x4  }
0xe8: {  	v0 =	vmul.f32 v0, v1;
	_ =	sdelay $0x1  }
0xe9: {  	[tilespmem:s11+$0x50] =	vst v0  }
0xea: {  	v0 =	vld [tilespmem:s9+$0x20]  }
0xeb: {  	v1 =	vld [tilespmem:s8+$0x20];
	_ =	sdelay $0x4  }
0xec: {  	v0 =	vadd.f32 v1, v0;
	_ =	sdelay $0x1  }
0xed: {  	vm0 =	vge.f32 v0, $0.0e+00;
	v1 =	vmul.f32 $2.000000030e-01, v0;
	_ =	sdelay $0x1  }
0xee: {  	v0 =	vsel vm0, v0, v1  }
0xef: {  	v0 =	vmul.f32 $1.442695020e+00, v0;
	_ =	sdelay $0x1  }
0xf0: {  	(erf) = vpow2.f32 v0;
	_ =	sdelay $0x8  }
0xf1: {  	v0 =	vpop (erf)  }
0xf2: {  	[tilespmem:s11+$0x20] =	vst v0  }
0xf3: {  	v1 =	vld [tilespmem:s9+$0x60];
	_ =	sdelay $0x4  }
0xf4: {  	v0 =	vmul.f32 v0, v1;
	_ =	sdelay $0x1  }
0xf5: {  	[tilespmem:s11+$0x60] =	vst v0  }
0xf6: {  	v0 =	vld [tilespmem:s9+$0x30]  }
0xf7: {  	v1 =	vld [tilespmem:s8+$0x30];
	_ =	sdelay $0x4  }
0xf8: {  	v0 =	vadd.f32 v1, v0;
	_ =	sdelay $0x1  }
0xf9: {  	vm0 =	vge.f32 v0, $0.0e+00;
	v1 =	vmul.f32 $2.000000030e-01, v0;
	_ =	sdelay $0x1  }
0xfa: {  	v0 =	vsel vm0, v0, v1  }
0xfb: {  	v0 =	vmul.f32 $1.442695020e+00, v0;
	_ =	sdelay $0x1  }
0xfc: {  	(erf) = vpow2.f32 v0;
	_ =	sdelay $0x5  }
.Ltmp0:
0xfd: {  	(pc) =	sbr.rel @p0 .LBB2_3-.Ltmp0, $3  }
0xfe: {  	_ =	sdelay $0x1  }
0xff: {  	v0 =	vpop (erf)  }
0x100: {  	s9 =	sadd.s32 $0x100, s9;
	[tilespmem:s11+$0x30] =	vst v0  }
0x101: {  	v1 =	vld [tilespmem:s10+$0x70];
	_ =	sdelay $0x4  }
0x102: {  	v0 =	vmul.f32 v0, v1;
	_ =	sdelay $0x1  }
0x103: {  	[tilespmem:s15+$0x70] =	vst v0  }
0x104: {  	[spmem:s2] =	stream.indirect.scatter.add.f32 [tilespmem:s29], [sflag:$0x5], $0x80, s18, s19, $0xb8;
	[tilespmem:$0x1FE00] =	vst v63  }
0x105: {  	_ =	swait.ge [sflag:s17], $0x2000  }
0x106: {  	[sflag:s17] =	ssyncset.done $0x0  }
0x107: {  	[sflag:s17] =	ssyncadd.s32 $0xFFFFE000  }
0x108: {  	_ =	swait.ge [sflag:s30], $0x2000  }
0x109: {  	p0 =	seq.s32 s20, $0x50;
	[sflag:s30] =	ssyncset.done $0x0  }
0x10a: {  	s8 =	sadd.s32 @!p0 s21, s13;
	[sflag:s30] =	ssyncadd.s32 $0xFFFFE000  }
0x10b: {  	s8 =	sshll.u32 @!p0 s8, $0x3;
	_ =	swait.ge [sflag:s31], $0x2000  }
0x10c: {  	s8 =	sand.u32 @!p0 $0x1FFFFFF0, s8;
	[sflag:s31] =	ssyncset.done $0x0  }
0x10d: {  	s10 =	simm.s32 @!p0 $0x0;
	s9 =	sadd.s32 @!p0 s6, s8;
	[sflag:s31] =	ssyncadd.s32 $0xFFFFE000  }
0x10e: {  	[tilespmem:s10], [sflag:$0x5] =	stream.linear.gather @!p0 [hbm4b:s9+s10], $0x40, $0x38;
	[tilespmem:$0x1FE00] =	vst v63  }
0x10f: {  	s9 =	simm.s32 @!p0 $0x5  }
0x110: {  	_ =	swait.ge @!p0 [sflag:s9], $0x40  }
0x111: {  	[sflag:s9] =	ssyncset.done @!p0 $0x0  }
0x112: {  	s11 =	simm.s32 @!p0 $0x80;
	s8 =	sadd.s32 @!p0 s7, s8;
	[sflag:s9] =	ssyncadd.s32 @!p0 $0xFFFFFFC0  }
0x113: {  	[tilespmem:s11], [sflag:$0x5] =	stream.linear.gather @!p0 [hbm4b:s8+s10], $0x40, $0x38;
	[tilespmem:$0x1FE00] =	vst v63  }
0x114: {  	_ =	swait.ge @!p0 [sflag:s9], $0x40  }
0x115: {  	[sflag:s9] =	ssyncset.done @!p0 $0x0  }
0x116: {  	s8 =	simm.s32 @!p0 $0x40;
	[sflag:s9] =	ssyncadd.s32 @!p0 $0xFFFFFFC0;
	s9 =	simm.s32 @!p0 $0x100  }
0x117: {  	[tilespmem:s9], [sflag:$0x1] =	stream.indirect.gather @!p0 [hbm4b:s4+s8], $0x80, s10, s8, $0xb8;
	[tilespmem:$0x1FE00] =	vst v63  }
0x118: {  	s9 =	simm.s32 @!p0 $0x2100;
	s10 =	simm.s32 $0x6280  }
0x119: {  	[tilespmem:s9], [sflag:$0x2] =	stream.indirect.gather @!p0 [hbm4b:s5+s8], $0x80, s11, s8, $0xb8;
	[tilespmem:$0x1FE00] =	vst v63  }
0x11a: {  	s8 =	simm.s32 $0x8280;
	v0 =	vld [tilespmem:s10+$0xFFFFFF80]  }
0x11b: {  	v1 =	vld [tilespmem:s8+$0xFFFFFF80];
	_ =	sdelay $0x4  }
0x11c: {  	v0 =	vadd.f32 v1, v0;
	_ =	sdelay $0x1  }
0x11d: {  	v1 =	vmul.f32 $2.000000030e-01, v0  }
0x11e: {  	vm0 =	vge.f32 v0, $0.0e+00  }
0x11f: {  	v0 =	vsel vm0, v0, v1  }
0x120: {  	v0 =	vmul.f32 $1.442695020e+00, v0;
	_ =	sdelay $0x1  }
0x121: {  	(erf) = vpow2.f32 v0;
	_ =	sdelay $0x8  }
0x122: {  	s11 =	simm.s32 $0xA280;
	v0 =	vpop (erf)  }
0x123: {  	[tilespmem:s11+$0xFFFFFF80] =	vst v0  }
0x124: {  	v1 =	vld [tilespmem:s10+$0xFFFFFFC0];
	_ =	sdelay $0x4  }
0x125: {  	v0 =	vmul.f32 v0, v1;
	_ =	sdelay $0x1  }
0x126: {  	[tilespmem:s11+$0xFFFFFFC0] =	vst v0  }
0x127: {  	v0 =	vld [tilespmem:s10+$0xFFFFFF90]  }
0x128: {  	v1 =	vld [tilespmem:s8+$0xFFFFFF90];
	_ =	sdelay $0x4  }
0x129: {  	v0 =	vadd.f32 v1, v0;
	_ =	sdelay $0x1  }
0x12a: {  	v1 =	vmul.f32 $2.000000030e-01, v0  }
0x12b: {  	vm9 =	vge.f32 v0, $0.0e+00  }
0x12c: {  	v0 =	vsel vm9, v0, v1  }
0x12d: {  	v0 =	vmul.f32 $1.442695020e+00, v0;
	_ =	sdelay $0x1  }
0x12e: {  	(erf) = vpow2.f32 v0;
	_ =	sdelay $0x8  }
0x12f: {  	v0 =	vpop (erf)  }
0x130: {  	[tilespmem:s11+$0xFFFFFF90] =	vst v0  }
0x131: {  	v1 =	vld [tilespmem:s10+$0xFFFFFFD0];
	_ =	sdelay $0x4  }
0x132: {  	v0 =	vmul.f32 v0, v1;
	_ =	sdelay $0x1  }
0x133: {  	[tilespmem:s11+$0xFFFFFFD0] =	vst v0  }
0x134: {  	v0 =	vld [tilespmem:s10+$0xFFFFFFA0]  }
0x135: {  	v1 =	vld [tilespmem:s8+$0xFFFFFFA0];
	_ =	sdelay $0x4  }
0x136: {  	v0 =	vadd.f32 v1, v0;
	_ =	sdelay $0x1  }
0x137: {  	v1 =	vmul.f32 $2.000000030e-01, v0  }
0x138: {  	vm10 =	vge.f32 v0, $0.0e+00  }
0x139: {  	v0 =	vsel vm10, v0, v1  }
0x13a: {  	v0 =	vmul.f32 $1.442695020e+00, v0;
	_ =	sdelay $0x1  }
0x13b: {  	(erf) = vpow2.f32 v0;
	_ =	sdelay $0x8  }
0x13c: {  	v0 =	vpop (erf)  }
0x13d: {  	[tilespmem:s11+$0xFFFFFFA0] =	vst v0  }
0x13e: {  	v1 =	vld [tilespmem:s10+$0xFFFFFFE0];
	_ =	sdelay $0x4  }
0x13f: {  	v0 =	vmul.f32 v0, v1;
	_ =	sdelay $0x1  }
0x140: {  	[tilespmem:s11+$0xFFFFFFE0] =	vst v0  }
0x141: {  	v0 =	vld [tilespmem:s10+$0xFFFFFFB0]  }
0x142: {  	v1 =	vld [tilespmem:s8+$0xFFFFFFB0];
	_ =	sdelay $0x4  }
0x143: {  	v0 =	vadd.f32 v1, v0;
	_ =	sdelay $0x1  }
0x144: {  	v1 =	vmul.f32 $2.000000030e-01, v0  }
0x145: {  	vm11 =	vge.f32 v0, $0.0e+00  }
0x146: {  	v0 =	vsel vm11, v0, v1  }
0x147: {  	v0 =	vmul.f32 $1.442695020e+00, v0;
	_ =	sdelay $0x1  }
0x148: {  	(erf) = vpow2.f32 v0;
	_ =	sdelay $0x8  }
0x149: {  	v0 =	vpop (erf)  }
0x14a: {  	[tilespmem:s11+$0xFFFFFFB0] =	vst v0  }
0x14b: {  	v1 =	vld [tilespmem:s10+$0xFFFFFFF0];
	_ =	sdelay $0x4  }
0x14c: {  	v0 =	vmul.f32 v0, v1;
	_ =	sdelay $0x1  }
0x14d: {  	[tilespmem:s11+$0xFFFFFFF0] =	vst v0  }
0x14e: {  	v0 =	vld [tilespmem:s10+$0x0]  }
0x14f: {  	v1 =	vld [tilespmem:s8+$0x0];
	_ =	sdelay $0x4  }
0x150: {  	v0 =	vadd.f32 v1, v0;
	_ =	sdelay $0x1  }
0x151: {  	v1 =	vmul.f32 $2.000000030e-01, v0  }
0x152: {  	vm12 =	vge.f32 v0, $0.0e+00  }
0x153: {  	v0 =	vsel vm12, v0, v1  }
0x154: {  	v0 =	vmul.f32 $1.442695020e+00, v0;
	_ =	sdelay $0x1  }
0x155: {  	(erf) = vpow2.f32 v0;
	_ =	sdelay $0x8  }
0x156: {  	v0 =	vpop (erf)  }
0x157: {  	[tilespmem:s11+$0x0] =	vst v0  }
0x158: {  	v1 =	vld [tilespmem:s10+$0x40];
	_ =	sdelay $0x4  }
0x159: {  	v0 =	vmul.f32 v0, v1;
	_ =	sdelay $0x1  }
0x15a: {  	[tilespmem:s11+$0x40] =	vst v0  }
0x15b: {  	v0 =	vld [tilespmem:s10+$0x10]  }
0x15c: {  	v1 =	vld [tilespmem:s8+$0x10];
	_ =	sdelay $0x4  }
0x15d: {  	v0 =	vadd.f32 v1, v0;
	_ =	sdelay $0x1  }
0x15e: {  	v1 =	vmul.f32 $2.000000030e-01, v0  }
0x15f: {  	vm13 =	vge.f32 v0, $0.0e+00  }
0x160: {  	v0 =	vsel vm13, v0, v1  }
0x161: {  	v0 =	vmul.f32 $1.442695020e+00, v0;
	_ =	sdelay $0x1  }
0x162: {  	(erf) = vpow2.f32 v0;
	_ =	sdelay $0x8  }
0x163: {  	v0 =	vpop (erf)  }
0x164: {  	[tilespmem:s11+$0x10] =	vst v0  }
0x165: {  	v1 =	vld [tilespmem:s10+$0x50];
	_ =	sdelay $0x4  }
0x166: {  	v0 =	vmul.f32 v0, v1;
	_ =	sdelay $0x1  }
0x167: {  	[tilespmem:s11+$0x50] =	vst v0  }
0x168: {  	v0 =	vld [tilespmem:s10+$0x20]  }
0x169: {  	v1 =	vld [tilespmem:s8+$0x20];
	_ =	sdelay $0x4  }
0x16a: {  	v0 =	vadd.f32 v1, v0;
	_ =	sdelay $0x1  }
0x16b: {  	v1 =	vmul.f32 $2.000000030e-01, v0  }
0x16c: {  	vm14 =	vge.f32 v0, $0.0e+00  }
0x16d: {  	v0 =	vsel vm14, v0, v1  }
0x16e: {  	v0 =	vmul.f32 $1.442695020e+00, v0;
	_ =	sdelay $0x1  }
0x16f: {  	(erf) = vpow2.f32 v0;
	_ =	sdelay $0x8  }
0x170: {  	v0 =	vpop (erf)  }
0x171: {  	[tilespmem:s11+$0x20] =	vst v0  }
0x172: {  	v1 =	vld [tilespmem:s10+$0x60];
	_ =	sdelay $0x4  }
0x173: {  	v0 =	vmul.f32 v0, v1;
	_ =	sdelay $0x1  }
0x174: {  	[tilespmem:s11+$0x60] =	vst v0  }
0x175: {  	v0 =	vld [tilespmem:s10+$0x30]  }
0x176: {  	v1 =	vld [tilespmem:s8+$0x30];
	_ =	sdelay $0x4  }
0x177: {  	v0 =	vadd.f32 v1, v0;
	_ =	sdelay $0x1  }
0x178: {  	v1 =	vmul.f32 $2.000000030e-01, v0  }
0x179: {  	vm15 =	vge.f32 v0, $0.0e+00  }
0x17a: {  	v0 =	vsel vm15, v0, v1  }
0x17b: {  	v0 =	vmul.f32 $1.442695020e+00, v0;
	_ =	sdelay $0x1  }
0x17c: {  	(erf) = vpow2.f32 v0;
	_ =	sdelay $0x8  }
0x17d: {  	v0 =	vpop (erf)  }
0x17e: {  	s14 =	simm.s32 $0x0;
	s15 =	simm.s32 $0xA280;
	s9 =	simm.s32 $0x6380;
	[tilespmem:s11+$0x30] =	vst v0  }
.LBB2_5:
0x17f: {  	s14 =	sadd.s32 $0x2, s14;
	v1 =	vld [tilespmem:s10+$0x70];
	s11 =	sadd.s32 $0x100, s11;
	s8 =	sadd.s32 $0x100, s8  }
0x180: {  	s10 =	smov.u32 s9;
	p0 =	slt.u32 s14, $0x3E;
	_ =	sdelay $0x3  }
0x181: {  	v0 =	vmul.f32 v0, v1;
	_ =	sdelay $0x1  }
0x182: {  	[tilespmem:s15+$0x70] =	vst v0;
	s15 =	smov.u32 s11  }
0x183: {  	v0 =	vld [tilespmem:s9+$0xFFFFFF80]  }
0x184: {  	v1 =	vld [tilespmem:s8+$0xFFFFFF80];
	_ =	sdelay $0x4  }
0x185: {  	v0 =	vadd.f32 v1, v0;
	_ =	sdelay $0x1  }
0x186: {  	v1 =	vmul.f32 $2.000000030e-01, v0  }
0x187: {  	vm0 =	vge.f32 v0, $0.0e+00  }
0x188: {  	v0 =	vsel vm0, v0, v1  }
0x189: {  	v0 =	vmul.f32 $1.442695020e+00, v0;
	_ =	sdelay $0x1  }
0x18a: {  	(erf) = vpow2.f32 v0;
	_ =	sdelay $0x8  }
0x18b: {  	v0 =	vpop (erf)  }
0x18c: {  	[tilespmem:s11+$0xFFFFFF80] =	vst v0  }
0x18d: {  	v1 =	vld [tilespmem:s9+$0xFFFFFFC0];
	_ =	sdelay $0x4  }
0x18e: {  	v0 =	vmul.f32 v0, v1;
	_ =	sdelay $0x1  }
0x18f: {  	[tilespmem:s11+$0xFFFFFFC0] =	vst v0  }
0x190: {  	v0 =	vld [tilespmem:s9+$0xFFFFFF90]  }
0x191: {  	v1 =	vld [tilespmem:s8+$0xFFFFFF90];
	_ =	sdelay $0x4  }
0x192: {  	v0 =	vadd.f32 v1, v0;
	_ =	sdelay $0x1  }
0x193: {  	vm0 =	vge.f32 v0, $0.0e+00;
	v1 =	vmul.f32 $2.000000030e-01, v0;
	_ =	sdelay $0x1  }
0x194: {  	v0 =	vsel vm0, v0, v1  }
0x195: {  	v0 =	vmul.f32 $1.442695020e+00, v0;
	_ =	sdelay $0x1  }
0x196: {  	(erf) = vpow2.f32 v0;
	_ =	sdelay $0x8  }
0x197: {  	v0 =	vpop (erf)  }
0x198: {  	[tilespmem:s11+$0xFFFFFF90] =	vst v0  }
0x199: {  	v1 =	vld [tilespmem:s9+$0xFFFFFFD0];
	_ =	sdelay $0x4  }
0x19a: {  	v0 =	vmul.f32 v0, v1;
	_ =	sdelay $0x1  }
0x19b: {  	[tilespmem:s11+$0xFFFFFFD0] =	vst v0  }
0x19c: {  	v0 =	vld [tilespmem:s9+$0xFFFFFFA0]  }
0x19d: {  	v1 =	vld [tilespmem:s8+$0xFFFFFFA0];
	_ =	sdelay $0x4  }
0x19e: {  	v0 =	vadd.f32 v1, v0;
	_ =	sdelay $0x1  }
0x19f: {  	vm0 =	vge.f32 v0, $0.0e+00;
	v1 =	vmul.f32 $2.000000030e-01, v0;
	_ =	sdelay $0x1  }
0x1a0: {  	v0 =	vsel vm0, v0, v1  }
0x1a1: {  	v0 =	vmul.f32 $1.442695020e+00, v0;
	_ =	sdelay $0x1  }
0x1a2: {  	(erf) = vpow2.f32 v0;
	_ =	sdelay $0x8  }
0x1a3: {  	v0 =	vpop (erf)  }
0x1a4: {  	[tilespmem:s11+$0xFFFFFFA0] =	vst v0  }
0x1a5: {  	v1 =	vld [tilespmem:s9+$0xFFFFFFE0];
	_ =	sdelay $0x4  }
0x1a6: {  	v0 =	vmul.f32 v0, v1;
	_ =	sdelay $0x1  }
0x1a7: {  	[tilespmem:s11+$0xFFFFFFE0] =	vst v0  }
0x1a8: {  	v0 =	vld [tilespmem:s9+$0xFFFFFFB0]  }
0x1a9: {  	v1 =	vld [tilespmem:s8+$0xFFFFFFB0];
	_ =	sdelay $0x4  }
0x1aa: {  	v0 =	vadd.f32 v1, v0;
	_ =	sdelay $0x1  }
0x1ab: {  	vm0 =	vge.f32 v0, $0.0e+00;
	v1 =	vmul.f32 $2.000000030e-01, v0;
	_ =	sdelay $0x1  }
0x1ac: {  	v0 =	vsel vm0, v0, v1  }
0x1ad: {  	v0 =	vmul.f32 $1.442695020e+00, v0;
	_ =	sdelay $0x1  }
0x1ae: {  	(erf) = vpow2.f32 v0;
	_ =	sdelay $0x8  }
0x1af: {  	v0 =	vpop (erf)  }
0x1b0: {  	[tilespmem:s11+$0xFFFFFFB0] =	vst v0  }
0x1b1: {  	v1 =	vld [tilespmem:s9+$0xFFFFFFF0];
	_ =	sdelay $0x4  }
0x1b2: {  	v0 =	vmul.f32 v0, v1;
	_ =	sdelay $0x1  }
0x1b3: {  	[tilespmem:s11+$0xFFFFFFF0] =	vst v0  }
0x1b4: {  	v0 =	vld [tilespmem:s9+$0x0]  }
0x1b5: {  	v1 =	vld [tilespmem:s8+$0x0];
	_ =	sdelay $0x4  }
0x1b6: {  	v0 =	vadd.f32 v1, v0;
	_ =	sdelay $0x1  }
0x1b7: {  	vm0 =	vge.f32 v0, $0.0e+00;
	v1 =	vmul.f32 $2.000000030e-01, v0;
	_ =	sdelay $0x1  }
0x1b8: {  	v0 =	vsel vm0, v0, v1  }
0x1b9: {  	v0 =	vmul.f32 $1.442695020e+00, v0;
	_ =	sdelay $0x1  }
0x1ba: {  	(erf) = vpow2.f32 v0;
	_ =	sdelay $0x8  }
0x1bb: {  	v0 =	vpop (erf)  }
0x1bc: {  	[tilespmem:s11+$0x0] =	vst v0  }
0x1bd: {  	v1 =	vld [tilespmem:s9+$0x40];
	_ =	sdelay $0x4  }
0x1be: {  	v0 =	vmul.f32 v0, v1;
	_ =	sdelay $0x1  }
0x1bf: {  	[tilespmem:s11+$0x40] =	vst v0  }
0x1c0: {  	v0 =	vld [tilespmem:s9+$0x10]  }
0x1c1: {  	v1 =	vld [tilespmem:s8+$0x10];
	_ =	sdelay $0x4  }
0x1c2: {  	v0 =	vadd.f32 v1, v0;
	_ =	sdelay $0x1  }
0x1c3: {  	vm0 =	vge.f32 v0, $0.0e+00;
	v1 =	vmul.f32 $2.000000030e-01, v0;
	_ =	sdelay $0x1  }
0x1c4: {  	v0 =	vsel vm0, v0, v1  }
0x1c5: {  	v0 =	vmul.f32 $1.442695020e+00, v0;
	_ =	sdelay $0x1  }
0x1c6: {  	(erf) = vpow2.f32 v0;
	_ =	sdelay $0x8  }
0x1c7: {  	v0 =	vpop (erf)  }
0x1c8: {  	[tilespmem:s11+$0x10] =	vst v0  }
0x1c9: {  	v1 =	vld [tilespmem:s9+$0x50];
	_ =	sdelay $0x4  }
0x1ca: {  	v0 =	vmul.f32 v0, v1;
	_ =	sdelay $0x1  }
0x1cb: {  	[tilespmem:s11+$0x50] =	vst v0  }
0x1cc: {  	v0 =	vld [tilespmem:s9+$0x20]  }
0x1cd: {  	v1 =	vld [tilespmem:s8+$0x20];
	_ =	sdelay $0x4  }
0x1ce: {  	v0 =	vadd.f32 v1, v0;
	_ =	sdelay $0x1  }
0x1cf: {  	vm0 =	vge.f32 v0, $0.0e+00;
	v1 =	vmul.f32 $2.000000030e-01, v0;
	_ =	sdelay $0x1  }
0x1d0: {  	v0 =	vsel vm0, v0, v1  }
0x1d1: {  	v0 =	vmul.f32 $1.442695020e+00, v0;
	_ =	sdelay $0x1  }
0x1d2: {  	(erf) = vpow2.f32 v0;
	_ =	sdelay $0x8  }
0x1d3: {  	v0 =	vpop (erf)  }
0x1d4: {  	[tilespmem:s11+$0x20] =	vst v0  }
0x1d5: {  	v1 =	vld [tilespmem:s9+$0x60];
	_ =	sdelay $0x4  }
0x1d6: {  	v0 =	vmul.f32 v0, v1;
	_ =	sdelay $0x1  }
0x1d7: {  	[tilespmem:s11+$0x60] =	vst v0  }
0x1d8: {  	v0 =	vld [tilespmem:s9+$0x30]  }
0x1d9: {  	v1 =	vld [tilespmem:s8+$0x30];
	_ =	sdelay $0x4  }
0x1da: {  	v0 =	vadd.f32 v1, v0;
	_ =	sdelay $0x1  }
0x1db: {  	vm0 =	vge.f32 v0, $0.0e+00;
	v1 =	vmul.f32 $2.000000030e-01, v0;
	_ =	sdelay $0x1  }
0x1dc: {  	v0 =	vsel vm0, v0, v1  }
0x1dd: {  	v0 =	vmul.f32 $1.442695020e+00, v0;
	_ =	sdelay $0x1  }
0x1de: {  	(erf) = vpow2.f32 v0;
	_ =	sdelay $0x5  }
.Ltmp1:
0x1df: {  	(pc) =	sbr.rel @p0 .LBB2_5-.Ltmp1, $3  }
0x1e0: {  	_ =	sdelay $0x1  }
0x1e1: {  	v0 =	vpop (erf)  }
0x1e2: {  	s9 =	sadd.s32 $0x100, s9;
	[tilespmem:s11+$0x30] =	vst v0  }
0x1e3: {  	v1 =	vld [tilespmem:s10+$0x70];
	_ =	sdelay $0x4  }
0x1e4: {  	s20 =	sadd.s32 $0x1, s20;
	v0 =	vmul.f32 v0, v1  }
0x1e5: {  	p0 =	sne.s32 s20, $0x51  }
.Ltmp2:
0x1e6: {  	[tilespmem:s15+$0x70] =	vst v0;
	(pc) =	sbr.rel @p0 .LBB2_2-.Ltmp2, $4  }
0x1e7: {  	[spmem:s2] =	stream.indirect.scatter.add.f32 [tilespmem:s0], [sflag:$0x5], $0x80, s25, s19, $0xb8;
	[tilespmem:$0x1FE00] =	vst v63  }
0x1e8: {  	_ =	swait.ge [sflag:s17], $0x2000  }
0x1e9: {  	[sflag:s17] =	ssyncset.done $0x0  }
0x1ea: {  	[sflag:s17] =	ssyncadd.s32 $0xFFFFE000  }
0x1eb: {  	[bflag:$0x0] =	sbarrier.arrive $0xFFFF  }
0x1ec: {  	s8 =	rddreg [dreg:$0x6]  }
0x1ed: {  	s10 =	rddreg [dreg:$0x8]  }
0x1ee: {  	[hbm:s8], [sflag:s16] =	dma.local [spmem:s10], $0x2780  }
0x1ef: {  	_ =	swait.ge [sflag:s17], $0x2780  }
0x1f0: {  	s1 =	sadd.s32 $0x1, s1;
	s21 =	rddreg [dreg:$0x7]  }
0x1f1: {  	p0 =	sne.s32 s1, s21  }
.Ltmp3:
0x1f2: {  	_ = 	snop;
	(pc) =	sbr.rel @p0 .LBB2_1-.Ltmp3, $3  }
0x1f3: {  	_ =	sdelay $0x1  }
0x1f4: {  	[sflag:s17] =	ssyncset.done $0x0  }
0x1f5: {  	s9 =	smov.u32 s16;
	[sflag:s17] =	ssyncadd.s32 $0xFFFFD880  }
0x1f6: {  	_ =	sfence.sel $0x180000  }
0x1f7: {  	[bflag:$0x0] =	sbarrier.arrive $0xFFFF  }
0x1f8: {  	_ =	strace $0x90000047  }
0x1f9: {  	s0 =	stileid.u32;
	[bflag:$0x2] =	sbarrier.arrive $0xFFFF  }
0x1fa: {  	p0 =	sne.s32 s0, $0x0;
	s0 =	rddreg [dreg:$0x2]  }
0x1fb: {  	s0 =	sadd.s32 @!p0 $0x100000, s0  }
0x1fc: {  	[sflag:s0] =	ssyncadd.tile.s32 @!p0 $0x1;
	_ =	shalt  }
.Lfunc_end2:
_tile_overlayer_lowered:
.L_overlay_start_2:
0x1fd: {  	(tag) =	ssettag $0x2  }
0x1fe: {  	s0 =	rddreg [dreg:$0x0];
	s2 =	stileid.u32  }
0x1ff: {  	s1 =	rddreg [dreg:$0x1];
	p0 =	sne.s32 s2, $0x0  }
0x200: {  	s3 =	rddreg [dreg:$0x2];
	[bflag:$0x3] =	sbarrier.arrive $0xFFFF;
	s2 =	simm.s32 @!p0 $0x1C05  }
0x201: {  	[timem:s3], [sflag:s2] =	dma.local @!p0 [hbm:s0], s1  }
0x202: {  	s0 =	simm.s32 @!p0 $0x5  }
0x203: {  	_ =	swait.ge @!p0 [sflag:s0], s1  }
0x204: {  	s1 =	ssub.s32 @!p0 $0x0, s1;
	[sflag:s0] =	ssyncset.done @!p0 $0x0  }
0x205: {  	[sflag:s0] =	ssyncadd.s32 @!p0 s1  }
0x206: {  	[bflag:$0x3] =	sbarrier.arrive $0xFFFF  }
0x207: {  	_ =	shalt  }

</sc_bundles>
